<compile_context>
chip_gen: v7x
topology: tpu7x:2x2x1
jax: 0.10.2.dev20260603
libtpu: 0.0.44.dev20260713+nightly
codegen_flags: <defaults>
</compile_context>

<pallas_src>
import functools

import jax
import jax.numpy as jnp
from jax import lax
from jax.experimental import pallas as pl
from jax.experimental.pallas import tpu as pltpu
from jax.experimental.pallas import tpu_sc as plsc

N = 100000
D = 128
V = 128
OUT = 128
G = 64
H2 = 256

TILE = 20000
T = N // TILE

NW = 32
CH = 800
NCH = N // CH


def _sc_counts_body(batch_hbm, maskf_hbm, out_hbm, bbuf, mbuf, cnt_v):
    wid = lax.axis_index("s") * 2 + lax.axis_index("c")
    lane = jax.lax.broadcasted_iota(jnp.int32, (16,), 0)
    for r in range(128):
        cnt_v[r] = jnp.zeros((16,), jnp.float32)
    for k in range((NCH + NW - 1) // NW):
        c = wid + NW * k

        @pl.when(c < NCH)
        def _chunk():
            base = c * CH
            pltpu.sync_copy(batch_hbm.at[pl.ds(base, CH)], bbuf)
            pltpu.sync_copy(maskf_hbm.at[pl.ds(base, CH)], mbuf)
            for j in range(CH // 16):
                ids = bbuf[pl.ds(j * 16, 16)]
                vals = mbuf[pl.ds(j * 16, 16)]
                plsc.addupdate_scatter(cnt_v, [ids, lane], vals)

    pltpu.sync_copy(cnt_v, out_hbm.at[wid])


_sc_counts = functools.partial(
    pl.kernel,
    mesh=plsc.VectorSubcoreMesh(core_axis_name="c", subcore_axis_name="s"),
    out_type=jax.ShapeDtypeStruct((NW, 128, 16), jnp.float32),
    scratch_types=[
        pltpu.VMEM((CH,), jnp.int32),
        pltpu.VMEM((CH,), jnp.float32),
        pltpu.VMEM((128, 16), jnp.float32),
    ],
    compiler_params=pltpu.CompilerParams(needs_layout_passes=False),
)(_sc_counts_body)


def _main_body(x_ref, m_ref, b_ref, Wm_ref, bm_ref, acc_ref):
    i = pl.program_id(0)

    @pl.when(i == 0)
    def _init():
        acc_ref[...] = jnp.zeros_like(acc_ref)

    x = x_ref[...]
    h = jnp.dot(x, Wm_ref[...], preferred_element_type=jnp.float32)
    h = jnp.maximum(h + bm_ref[...], 0.0)

    m = m_ref[0, 0, :]
    b = b_ref[0, 0, :]
    seg = jax.lax.broadcasted_iota(jnp.int32, (G, TILE), 0)
    S = jnp.where(seg == b[None, :], m[None, :], 0.0)
    acc_ref[...] += jnp.dot(S, h, preferred_element_type=jnp.float32)


def _head_body(acc_ref, part_ref, W1_ref, b1_ref, W2_ref, b2_ref, out_ref):
    cnt = jnp.sum(part_ref[...], axis=(0, 2))[:G]
    mean = acc_ref[...] / jnp.maximum(cnt[:, None], 1.0)
    hid = jnp.dot(mean, W1_ref[...], preferred_element_type=jnp.float32)
    hid = jnp.maximum(hid + b1_ref[...], 0.0)
    out = jnp.dot(hid, W2_ref[...], preferred_element_type=jnp.float32)
    out_ref[...] = out + b2_ref[...]


@jax.jit
def kernel(x, mask, batch, Wm, bm, W1, b1, W2, b2):
    maskf = mask.astype(jnp.float32)
    maskf3 = maskf.reshape(T, 1, TILE)
    batch3 = batch.reshape(T, 1, TILE)
    bm2 = bm.reshape(1, V)
    b12 = b1.reshape(1, H2)
    b22 = b2.reshape(1, OUT)

    partials = _sc_counts(batch, maskf)

    full = lambda shape: pl.BlockSpec(shape, lambda i: (0,) * len(shape))
    acc = pl.pallas_call(
        _main_body,
        grid=(T,),
        in_specs=[
            pl.BlockSpec((TILE, D), lambda i: (i, 0)),
            pl.BlockSpec((1, 1, TILE), lambda i: (i, 0, 0)),
            pl.BlockSpec((1, 1, TILE), lambda i: (i, 0, 0)),
            full((D, V)),
            full((1, V)),
        ],
        out_specs=full((G, V)),
        out_shape=jax.ShapeDtypeStruct((G, V), jnp.float32),
        compiler_params=pltpu.CompilerParams(
            dimension_semantics=("arbitrary",),
        ),
    )(x, maskf3, batch3, Wm, bm2)

    nofull = lambda shape: pl.BlockSpec(shape, lambda: (0,) * len(shape))
    out = pl.pallas_call(
        _head_body,
        in_specs=[nofull((G, V)), nofull((NW, 128, 16)), nofull((V, H2)),
                  nofull((1, H2)), nofull((H2, OUT)), nofull((1, OUT))],
        out_specs=nofull((G, OUT)),
        out_shape=jax.ShapeDtypeStruct((G, OUT), jnp.float32),
    )(acc, partials, W1, b12, W2, b22)
    return out

# --- scband reference (transcript-rebuilt; emitter-appended) ---
"""Pipeline reference for scband-patch-gnp-62414464745798 (READ-ONLY COPY).

The authoritative reference and input builder live on the scoring server;
editing this copy changes nothing except your own understanding.
"""

import jax, jax.numpy as jnp
import numpy as np

N = 100000
D = 128
V = 128
OUT = 128
G = 64


def setup_inputs(seed: int = 0) -> dict:
    key = jax.random.key(seed)
    ks = jax.random.split(key, 9)
    x = jax.random.normal(ks[0], (N, D), dtype=jnp.float32)
    mask = jax.random.randint(ks[1], (N,), 0, 2).astype(bool)
    batch = jnp.sort(jax.random.randint(ks[2], (N,), 0, G)).astype(jnp.int32)
    # inner model parameters (linear encoder producing v_dim features, ReLU nonlinearity)
    Wm = jax.random.normal(ks[3], (D, V), dtype=jnp.float32) * 0.02
    bm = jnp.zeros((V,), dtype=jnp.float32)
    # head MLP: Linear(V, 2V) -> ReLU -> Linear(2V, OUT)
    W1 = jax.random.normal(ks[4], (V, 2 * V), dtype=jnp.float32) * 0.02
    b1 = jnp.zeros((2 * V,), dtype=jnp.float32)
    W2 = jax.random.normal(ks[5], (2 * V, OUT), dtype=jnp.float32) * 0.02
    b2 = jnp.zeros((OUT,), dtype=jnp.float32)
    return {"x": x, "mask": mask, "batch": batch, "Wm": Wm, "bm": bm,
            "W1": W1, "b1": b1, "W2": W2, "b2": b2}


def reference(x, mask, batch, Wm, bm, W1, b1, W2, b2):
    # inner model: node-wise encoder with ReLU nonlinearity -> [N, V]
    h = jax.nn.relu(x @ Wm + bm)
    # global_mean_pool(h[mask], batch[mask]) implemented via masked segment sums
    m = mask.astype(h.dtype)
    s = jax.ops.segment_sum(h * m[:, None], batch, num_segments=G)
    c = jax.ops.segment_sum(m, batch, num_segments=G)
    mean = s / jnp.clip(c, 1.0)[:, None]
    # head MLP
    hid = jax.nn.relu(mean @ W1 + b1)
    out = hid @ W2 + b2
    return out

if __name__ == "__main__":
    import jax
    _d = setup_inputs()
    print(jax.jit(kernel)(*tuple(_d.values())))

</pallas_src>

<mosaic_0001>
#map = affine_map<(d0, d1) -> (0)>
#map1 = affine_map<(d0, d1) -> (0, 0, 0)>
module attributes {stable_mosaic.version = 14 : i64} {
  func.func @_sc_counts_body(%arg0: i32, %arg1: i32, %arg2: memref<100000xi32, #tpu.memory_space<hbm>>, %arg3: memref<100000xf32, #tpu.memory_space<hbm>>, %arg4: memref<32x128x16xf32, #tpu.memory_space<hbm>>, %arg5: memref<800xi32, #tpu.memory_space<vmem>>, %arg6: memref<800xf32, #tpu.memory_space<vmem>>, %arg7: memref<128x16xf32, #tpu.memory_space<vmem>>) attributes {dimension_semantics = [#tpu.dimension_semantics<core_parallel>, #tpu.dimension_semantics<subcore_parallel>], iteration_bounds = array<i64: 2, 16>, scalar_prefetch = 0 : i64, scratch_operands = 3 : i64, tpu.core_type = #tpu.core_type<sc_vector_subcore>, window_params = [{transform_indices = #map}, {transform_indices = #map}, {transform_indices = #map1}]} {
    %mul3A = arith.constant 2 : i32
    %mul3A_0 = arith.muli %arg1, %mul3A : i32
    %add3A = arith.addi %mul3A_0, %arg0 : i32
    %iota3A = tpu.iota {dimensions = array<i32: 0>} : vector<16xi32>
    %broadcast_in_dim3A = arith.constant 0.000000e+00 : f32
    %broadcast_in_dim3A_1 = vector.broadcast %broadcast_in_dim3A : f32 to vector<16xf32>
    %swap3A = arith.constant 0 : i32
    %swap3A_2 = arith.index_cast %swap3A : i32 to index
    %swap3A_3 = arith.constant 0 : index
    %swap3A_4 = tpu.vector_load %arg7[%swap3A_2, %swap3A_3] {strides = array<i32>} : memref<128x16xf32, #tpu.memory_space<vmem>>, vector<16xf32>,
    tpu.vector_store %arg7[%swap3A_2, %swap3A_3], %broadcast_in_dim3A_1 {strides = array<i32>} : memref<128x16xf32, #tpu.memory_space<vmem>>, vector<16xf32>,
    %broadcast_in_dim3A_5 = arith.constant 0.000000e+00 : f32
    %broadcast_in_dim3A_6 = vector.broadcast %broadcast_in_dim3A_5 : f32 to vector<16xf32>
    %swap3A_7 = arith.constant 1 : i32
    %swap3A_8 = arith.index_cast %swap3A_7 : i32 to index
    %swap3A_9 = arith.constant 0 : index
    %swap3A_10 = tpu.vector_load %arg7[%swap3A_8, %swap3A_9] {strides = array<i32>} : memref<128x16xf32, #tpu.memory_space<vmem>>, vector<16xf32>,
    tpu.vector_store %arg7[%swap3A_8, %swap3A_9], %broadcast_in_dim3A_6 {strides = array<i32>} : memref<128x16xf32, #tpu.memory_space<vmem>>, vector<16xf32>,
    %broadcast_in_dim3A_11 = arith.constant 0.000000e+00 : f32
    %broadcast_in_dim3A_12 = vector.broadcast %broadcast_in_dim3A_11 : f32 to vector<16xf32>
    %swap3A_13 = arith.constant 2 : i32
    %swap3A_14 = arith.index_cast %swap3A_13 : i32 to index
    %swap3A_15 = arith.constant 0 : index
    %swap3A_16 = tpu.vector_load %arg7[%swap3A_14, %swap3A_15] {strides = array<i32>} : memref<128x16xf32, #tpu.memory_space<vmem>>, vector<16xf32>,
    tpu.vector_store %arg7[%swap3A_14, %swap3A_15], %broadcast_in_dim3A_12 {strides = array<i32>} : memref<128x16xf32, #tpu.memory_space<vmem>>, vector<16xf32>,
    %broadcast_in_dim3A_17 = arith.constant 0.000000e+00 : f32
    %broadcast_in_dim3A_18 = vector.broadcast %broadcast_in_dim3A_17 : f32 to vector<16xf32>
    %swap3A_19 = arith.constant 3 : i32
    %swap3A_20 = arith.index_cast %swap3A_19 : i32 to index
    %swap3A_21 = arith.constant 0 : index
    %swap3A_22 = tpu.vector_load %arg7[%swap3A_20, %swap3A_21] {strides = array<i32>} : memref<128x16xf32, #tpu.memory_space<vmem>>, vector<16xf32>,
    tpu.vector_store %arg7[%swap3A_20, %swap3A_21], %broadcast_in_dim3A_18 {strides = array<i32>} : memref<128x16xf32, #tpu.memory_space<vmem>>, vector<16xf32>,
    %broadcast_in_dim3A_23 = arith.constant 0.000000e+00 : f32
    %broadcast_in_dim3A_24 = vector.broadcast %broadcast_in_dim3A_23 : f32 to vector<16xf32>
    %swap3A_25 = arith.constant 4 : i32
    %swap3A_26 = arith.index_cast %swap3A_25 : i32 to index
    %swap3A_27 = arith.constant 0 : index
    %swap3A_28 = tpu.vector_load %arg7[%swap3A_26, %swap3A_27] {strides = array<i32>} : memref<128x16xf32, #tpu.memory_space<vmem>>, vector<16xf32>,
    tpu.vector_store %arg7[%swap3A_26, %swap3A_27], %broadcast_in_dim3A_24 {strides = array<i32>} : memref<128x16xf32, #tpu.memory_space<vmem>>, vector<16xf32>,
    %broadcast_in_dim3A_29 = arith.constant 0.000000e+00 : f32
    %broadcast_in_dim3A_30 = vector.broadcast %broadcast_in_dim3A_29 : f32 to vector<16xf32>
    %swap3A_31 = arith.constant 5 : i32
    %swap3A_32 = arith.index_cast %swap3A_31 : i32 to index
    %swap3A_33 = arith.constant 0 : index
    %swap3A_34 = tpu.vector_load %arg7[%swap3A_32, %swap3A_33] {strides = array<i32>} : memref<128x16xf32, #tpu.memory_space<vmem>>, vector<16xf32>,
    tpu.vector_store %arg7[%swap3A_32, %swap3A_33], %broadcast_in_dim3A_30 {strides = array<i32>} : memref<128x16xf32, #tpu.memory_space<vmem>>, vector<16xf32>,
    %broadcast_in_dim3A_35 = arith.constant 0.000000e+00 : f32
    %broadcast_in_dim3A_36 = vector.broadcast %broadcast_in_dim3A_35 : f32 to vector<16xf32>
    %swap3A_37 = arith.constant 6 : i32
    %swap3A_38 = arith.index_cast %swap3A_37 : i32 to index
    %swap3A_39 = arith.constant 0 : index
    %swap3A_40 = tpu.vector_load %arg7[%swap3A_38, %swap3A_39] {strides = array<i32>} : memref<128x16xf32, #tpu.memory_space<vmem>>, vector<16xf32>,
    tpu.vector_store %arg7[%swap3A_38, %swap3A_39], %broadcast_in_dim3A_36 {strides = array<i32>} : memref<128x16xf32, #tpu.memory_space<vmem>>, vector<16xf32>,
    %broadcast_in_dim3A_41 = arith.constant 0.000000e+00 : f32
    %broadcast_in_dim3A_42 = vector.broadcast %broadcast_in_dim3A_41 : f32 to vector<16xf32>
    %swap3A_43 = arith.constant 7 : i32
    %swap3A_44 = arith.index_cast %swap3A_43 : i32 to index
    %swap3A_45 = arith.constant 0 : index
    %swap3A_46 = tpu.vector_load %arg7[%swap3A_44, %swap3A_45] {strides = array<i32>} : memref<128x16xf32, #tpu.memory_space<vmem>>, vector<16xf32>,
    tpu.vector_store %arg7[%swap3A_44, %swap3A_45], %broadcast_in_dim3A_42 {strides = array<i32>} : memref<128x16xf32, #tpu.memory_space<vmem>>, vector<16xf32>,
    %broadcast_in_dim3A_47 = arith.constant 0.000000e+00 : f32
    %broadcast_in_dim3A_48 = vector.broadcast %broadcast_in_dim3A_47 : f32 to vector<16xf32>
    %swap3A_49 = arith.constant 8 : i32
    %swap3A_50 = arith.index_cast %swap3A_49 : i32 to index
    %swap3A_51 = arith.constant 0 : index
    %swap3A_52 = tpu.vector_load %arg7[%swap3A_50, %swap3A_51] {strides = array<i32>} : memref<128x16xf32, #tpu.memory_space<vmem>>, vector<16xf32>,
    tpu.vector_store %arg7[%swap3A_50, %swap3A_51], %broadcast_in_dim3A_48 {strides = array<i32>} : memref<128x16xf32, #tpu.memory_space<vmem>>, vector<16xf32>,
    %broadcast_in_dim3A_53 = arith.constant 0.000000e+00 : f32
    %broadcast_in_dim3A_54 = vector.broadcast %broadcast_in_dim3A_53 : f32 to vector<16xf32>
    %swap3A_55 = arith.constant 9 : i32
    %swap3A_56 = arith.index_cast %swap3A_55 : i32 to index
    %swap3A_57 = arith.constant 0 : index
    %swap3A_58 = tpu.vector_load %arg7[%swap3A_56, %swap3A_57] {strides = array<i32>} : memref<128x16xf32, #tpu.memory_space<vmem>>, vector<16xf32>,
    tpu.vector_store %arg7[%swap3A_56, %swap3A_57], %broadcast_in_dim3A_54 {strides = array<i32>} : memref<128x16xf32, #tpu.memory_space<vmem>>, vector<16xf32>,
    %broadcast_in_dim3A_59 = arith.constant 0.000000e+00 : f32
    %broadcast_in_dim3A_60 = vector.broadcast %broadcast_in_dim3A_59 : f32 to vector<16xf32>
    %swap3A_61 = arith.constant 10 : i32
    %swap3A_62 = arith.index_cast %swap3A_61 : i32 to index
    %swap3A_63 = arith.constant 0 : index
    %swap3A_64 = tpu.vector_load %arg7[%swap3A_62, %swap3A_63] {strides = array<i32>} : memref<128x16xf32, #tpu.memory_space<vmem>>, vector<16xf32>,
    tpu.vector_store %arg7[%swap3A_62, %swap3A_63], %broadcast_in_dim3A_60 {strides = array<i32>} : memref<128x16xf32, #tpu.memory_space<vmem>>, vector<16xf32>,
    %broadcast_in_dim3A_65 = arith.constant 0.000000e+00 : f32
    %broadcast_in_dim3A_66 = vector.broadcast %broadcast_in_dim3A_65 : f32 to vector<16xf32>
    %swap3A_67 = arith.constant 11 : i32
    %swap3A_68 = arith.index_cast %swap3A_67 : i32 to index
    %swap3A_69 = arith.constant 0 : index
    %swap3A_70 = tpu.vector_load %arg7[%swap3A_68, %swap3A_69] {strides = array<i32>} : memref<128x16xf32, #tpu.memory_space<vmem>>, vector<16xf32>,
    tpu.vector_store %arg7[%swap3A_68, %swap3A_69], %broadcast_in_dim3A_66 {strides = array<i32>} : memref<128x16xf32, #tpu.memory_space<vmem>>, vector<16xf32>,
    %broadcast_in_dim3A_71 = arith.constant 0.000000e+00 : f32
    %broadcast_in_dim3A_72 = vector.broadcast %broadcast_in_dim3A_71 : f32 to vector<16xf32>
    %swap3A_73 = arith.constant 12 : i32
    %swap3A_74 = arith.index_cast %swap3A_73 : i32 to index
    %swap3A_75 = arith.constant 0 : index
    %swap3A_76 = tpu.vector_load %arg7[%swap3A_74, %swap3A_75] {strides = array<i32>} : memref<128x16xf32, #tpu.memory_space<vmem>>, vector<16xf32>,
    tpu.vector_store %arg7[%swap3A_74, %swap3A_75], %broadcast_in_dim3A_72 {strides = array<i32>} : memref<128x16xf32, #tpu.memory_space<vmem>>, vector<16xf32>,
    %broadcast_in_dim3A_77 = arith.constant 0.000000e+00 : f32
    %broadcast_in_dim3A_78 = vector.broadcast %broadcast_in_dim3A_77 : f32 to vector<16xf32>
    %swap3A_79 = arith.constant 13 : i32
    %swap3A_80 = arith.index_cast %swap3A_79 : i32 to index
    %swap3A_81 = arith.constant 0 : index
    %swap3A_82 = tpu.vector_load %arg7[%swap3A_80, %swap3A_81] {strides = array<i32>} : memref<128x16xf32, #tpu.memory_space<vmem>>, vector<16xf32>,
    tpu.vector_store %arg7[%swap3A_80, %swap3A_81], %broadcast_in_dim3A_78 {strides = array<i32>} : memref<128x16xf32, #tpu.memory_space<vmem>>, vector<16xf32>,
    %broadcast_in_dim3A_83 = arith.constant 0.000000e+00 : f32
    %broadcast_in_dim3A_84 = vector.broadcast %broadcast_in_dim3A_83 : f32 to vector<16xf32>
    %swap3A_85 = arith.constant 14 : i32
    %swap3A_86 = arith.index_cast %swap3A_85 : i32 to index
    %swap3A_87 = arith.constant 0 : index
    %swap3A_88 = tpu.vector_load %arg7[%swap3A_86, %swap3A_87] {strides = array<i32>} : memref<128x16xf32, #tpu.memory_space<vmem>>, vector<16xf32>,
    tpu.vector_store %arg7[%swap3A_86, %swap3A_87], %broadcast_in_dim3A_84 {strides = array<i32>} : memref<128x16xf32, #tpu.memory_space<vmem>>, vector<16xf32>,
    %broadcast_in_dim3A_89 = arith.constant 0.000000e+00 : f32
    %broadcast_in_dim3A_90 = vector.broadcast %broadcast_in_dim3A_89 : f32 to vector<16xf32>
    %swap3A_91 = arith.constant 15 : i32
    %swap3A_92 = arith.index_cast %swap3A_91 : i32 to index
    %swap3A_93 = arith.constant 0 : index
    %swap3A_94 = tpu.vector_load %arg7[%swap3A_92, %swap3A_93] {strides = array<i32>} : memref<128x16xf32, #tpu.memory_space<vmem>>, vector<16xf32>,
    tpu.vector_store %arg7[%swap3A_92, %swap3A_93], %broadcast_in_dim3A_90 {strides = array<i32>} : memref<128x16xf32, #tpu.memory_space<vmem>>, vector<16xf32>,
    %broadcast_in_dim3A_95 = arith.constant 0.000000e+00 : f32
    %broadcast_in_dim3A_96 = vector.broadcast %broadcast_in_dim3A_95 : f32 to vector<16xf32>
    %swap3A_97 = arith.constant 16 : i32
    %swap3A_98 = arith.index_cast %swap3A_97 : i32 to index
    %swap3A_99 = arith.constant 0 : index
    %swap3A_100 = tpu.vector_load %arg7[%swap3A_98, %swap3A_99] {strides = array<i32>} : memref<128x16xf32, #tpu.memory_space<vmem>>, vector<16xf32>,
    tpu.vector_store %arg7[%swap3A_98, %swap3A_99], %broadcast_in_dim3A_96 {strides = array<i32>} : memref<128x16xf32, #tpu.memory_space<vmem>>, vector<16xf32>,
    %broadcast_in_dim3A_101 = arith.constant 0.000000e+00 : f32
    %broadcast_in_dim3A_102 = vector.broadcast %broadcast_in_dim3A_101 : f32 to vector<16xf32>
    %swap3A_103 = arith.constant 17 : i32
    %swap3A_104 = arith.index_cast %swap3A_103 : i32 to index
    %swap3A_105 = arith.constant 0 : index
    %swap3A_106 = tpu.vector_load %arg7[%swap3A_104, %swap3A_105] {strides = array<i32>} : memref<128x16xf32, #tpu.memory_space<vmem>>, vector<16xf32>,
    tpu.vector_store %arg7[%swap3A_104, %swap3A_105], %broadcast_in_dim3A_102 {strides = array<i32>} : memref<128x16xf32, #tpu.memory_space<vmem>>, vector<16xf32>,
    %broadcast_in_dim3A_107 = arith.constant 0.000000e+00 : f32
    %broadcast_in_dim3A_108 = vector.broadcast %broadcast_in_dim3A_107 : f32 to vector<16xf32>
    %swap3A_109 = arith.constant 18 : i32
    %swap3A_110 = arith.index_cast %swap3A_109 : i32 to index
    %swap3A_111 = arith.constant 0 : index
    %swap3A_112 = tpu.vector_load %arg7[%swap3A_110, %swap3A_111] {strides = array<i32>} : memref<128x16xf32, #tpu.memory_space<vmem>>, vector<16xf32>,
    tpu.vector_store %arg7[%swap3A_110, %swap3A_111], %broadcast_in_dim3A_108 {strides = array<i32>} : memref<128x16xf32, #tpu.memory_space<vmem>>, vector<16xf32>,
    %broadcast_in_dim3A_113 = arith.constant 0.000000e+00 : f32
    %broadcast_in_dim3A_114 = vector.broadcast %broadcast_in_dim3A_113 : f32 to vector<16xf32>
    %swap3A_115 = arith.constant 19 : i32
    %swap3A_116 = arith.index_cast %swap3A_115 : i32 to index
    %swap3A_117 = arith.constant 0 : index
    %swap3A_118 = tpu.vector_load %arg7[%swap3A_116, %swap3A_117] {strides = array<i32>} : memref<128x16xf32, #tpu.memory_space<vmem>>, vector<16xf32>,
    tpu.vector_store %arg7[%swap3A_116, %swap3A_117], %broadcast_in_dim3A_114 {strides = array<i32>} : memref<128x16xf32, #tpu.memory_space<vmem>>, vector<16xf32>,
    %broadcast_in_dim3A_119 = arith.constant 0.000000e+00 : f32
    %broadcast_in_dim3A_120 = vector.broadcast %broadcast_in_dim3A_119 : f32 to vector<16xf32>
    %swap3A_121 = arith.constant 20 : i32
    %swap3A_122 = arith.index_cast %swap3A_121 : i32 to index
    %swap3A_123 = arith.constant 0 : index
    %swap3A_124 = tpu.vector_load %arg7[%swap3A_122, %swap3A_123] {strides = array<i32>} : memref<128x16xf32, #tpu.memory_space<vmem>>, vector<16xf32>,
    tpu.vector_store %arg7[%swap3A_122, %swap3A_123], %broadcast_in_dim3A_120 {strides = array<i32>} : memref<128x16xf32, #tpu.memory_space<vmem>>, vector<16xf32>,
    %broadcast_in_dim3A_125 = arith.constant 0.000000e+00 : f32
    %broadcast_in_dim3A_126 = vector.broadcast %broadcast_in_dim3A_125 : f32 to vector<16xf32>
    %swap3A_127 = arith.constant 21 : i32
    %swap3A_128 = arith.index_cast %swap3A_127 : i32 to index
    %swap3A_129 = arith.constant 0 : index
    %swap3A_130 = tpu.vector_load %arg7[%swap3A_128, %swap3A_129] {strides = array<i32>} : memref<128x16xf32, #tpu.memory_space<vmem>>, vector<16xf32>,
    tpu.vector_store %arg7[%swap3A_128, %swap3A_129], %broadcast_in_dim3A_126 {strides = array<i32>} : memref<128x16xf32, #tpu.memory_space<vmem>>, vector<16xf32>,
    %broadcast_in_dim3A_131 = arith.constant 0.000000e+00 : f32
    %broadcast_in_dim3A_132 = vector.broadcast %broadcast_in_dim3A_131 : f32 to vector<16xf32>
    %swap3A_133 = arith.constant 22 : i32
    %swap3A_134 = arith.index_cast %swap3A_133 : i32 to index
    %swap3A_135 = arith.constant 0 : index
    %swap3A_136 = tpu.vector_load %arg7[%swap3A_134, %swap3A_135] {strides = array<i32>} : memref<128x16xf32, #tpu.memory_space<vmem>>, vector<16xf32>,
    tpu.vector_store %arg7[%swap3A_134, %swap3A_135], %broadcast_in_dim3A_132 {strides = array<i32>} : memref<128x16xf32, #tpu.memory_space<vmem>>, vector<16xf32>,
    %broadcast_in_dim3A_137 = arith.constant 0.000000e+00 : f32
    %broadcast_in_dim3A_138 = vector.broadcast %broadcast_in_dim3A_137 : f32 to vector<16xf32>
    %swap3A_139 = arith.constant 23 : i32
    %swap3A_140 = arith.index_cast %swap3A_139 : i32 to index
    %swap3A_141 = arith.constant 0 : index
    %swap3A_142 = tpu.vector_load %arg7[%swap3A_140, %swap3A_141] {strides = array<i32>} : memref<128x16xf32, #tpu.memory_space<vmem>>, vector<16xf32>,
    tpu.vector_store %arg7[%swap3A_140, %swap3A_141], %broadcast_in_dim3A_138 {strides = array<i32>} : memref<128x16xf32, #tpu.memory_space<vmem>>, vector<16xf32>,
    %broadcast_in_dim3A_143 = arith.constant 0.000000e+00 : f32
    %broadcast_in_dim3A_144 = vector.broadcast %broadcast_in_dim3A_143 : f32 to vector<16xf32>
    %swap3A_145 = arith.constant 24 : i32
    %swap3A_146 = arith.index_cast %swap3A_145 : i32 to index
    %swap3A_147 = arith.constant 0 : index
    %swap3A_148 = tpu.vector_load %arg7[%swap3A_146, %swap3A_147] {strides = array<i32>} : memref<128x16xf32, #tpu.memory_space<vmem>>, vector<16xf32>,
    tpu.vector_store %arg7[%swap3A_146, %swap3A_147], %broadcast_in_dim3A_144 {strides = array<i32>} : memref<128x16xf32, #tpu.memory_space<vmem>>, vector<16xf32>,
    %broadcast_in_dim3A_149 = arith.constant 0.000000e+00 : f32
    %broadcast_in_dim3A_150 = vector.broadcast %broadcast_in_dim3A_149 : f32 to vector<16xf32>
    %swap3A_151 = arith.constant 25 : i32
    %swap3A_152 = arith.index_cast %swap3A_151 : i32 to index
    %swap3A_153 = arith.constant 0 : index
    %swap3A_154 = tpu.vector_load %arg7[%swap3A_152, %swap3A_153] {strides = array<i32>} : memref<128x16xf32, #tpu.memory_space<vmem>>, vector<16xf32>,
    tpu.vector_store %arg7[%swap3A_152, %swap3A_153], %broadcast_in_dim3A_150 {strides = array<i32>} : memref<128x16xf32, #tpu.memory_space<vmem>>, vector<16xf32>,
    %broadcast_in_dim3A_155 = arith.constant 0.000000e+00 : f32
    %broadcast_in_dim3A_156 = vector.broadcast %broadcast_in_dim3A_155 : f32 to vector<16xf32>
    %swap3A_157 = arith.constant 26 : i32
    %swap3A_158 = arith.index_cast %swap3A_157 : i32 to index
    %swap3A_159 = arith.constant 0 : index
    %swap3A_160 = tpu.vector_load %arg7[%swap3A_158, %swap3A_159] {strides = array<i32>} : memref<128x16xf32, #tpu.memory_space<vmem>>, vector<16xf32>,
    tpu.vector_store %arg7[%swap3A_158, %swap3A_159], %broadcast_in_dim3A_156 {strides = array<i32>} : memref<128x16xf32, #tpu.memory_space<vmem>>, vector<16xf32>,
    %broadcast_in_dim3A_161 = arith.constant 0.000000e+00 : f32
    %broadcast_in_dim3A_162 = vector.broadcast %broadcast_in_dim3A_161 : f32 to vector<16xf32>
    %swap3A_163 = arith.constant 27 : i32
    %swap3A_164 = arith.index_cast %swap3A_163 : i32 to index
    %swap3A_165 = arith.constant 0 : index
    %swap3A_166 = tpu.vector_load %arg7[%swap3A_164, %swap3A_165] {strides = array<i32>} : memref<128x16xf32, #tpu.memory_space<vmem>>, vector<16xf32>,
    tpu.vector_store %arg7[%swap3A_164, %swap3A_165], %broadcast_in_dim3A_162 {strides = array<i32>} : memref<128x16xf32, #tpu.memory_space<vmem>>, vector<16xf32>,
    %broadcast_in_dim3A_167 = arith.constant 0.000000e+00 : f32
    %broadcast_in_dim3A_168 = vector.broadcast %broadcast_in_dim3A_167 : f32 to vector<16xf32>
    %swap3A_169 = arith.constant 28 : i32
    %swap3A_170 = arith.index_cast %swap3A_169 : i32 to index
    %swap3A_171 = arith.constant 0 : index
    %swap3A_172 = tpu.vector_load %arg7[%swap3A_170, %swap3A_171] {strides = array<i32>} : memref<128x16xf32, #tpu.memory_space<vmem>>, vector<16xf32>,
    tpu.vector_store %arg7[%swap3A_170, %swap3A_171], %broadcast_in_dim3A_168 {strides = array<i32>} : memref<128x16xf32, #tpu.memory_space<vmem>>, vector<16xf32>,
    %broadcast_in_dim3A_173 = arith.constant 0.000000e+00 : f32
    %broadcast_in_dim3A_174 = vector.broadcast %broadcast_in_dim3A_173 : f32 to vector<16xf32>
    %swap3A_175 = arith.constant 29 : i32
    %swap3A_176 = arith.index_cast %swap3A_175 : i32 to index
    %swap3A_177 = arith.constant 0 : index
    %swap3A_178 = tpu.vector_load %arg7[%swap3A_176, %swap3A_177] {strides = array<i32>} : memref<128x16xf32, #tpu.memory_space<vmem>>, vector<16xf32>,
    tpu.vector_store %arg7[%swap3A_176, %swap3A_177], %broadcast_in_dim3A_174 {strides = array<i32>} : memref<128x16xf32, #tpu.memory_space<vmem>>, vector<16xf32>,
    %broadcast_in_dim3A_179 = arith.constant 0.000000e+00 : f32
    %broadcast_in_dim3A_180 = vector.broadcast %broadcast_in_dim3A_179 : f32 to vector<16xf32>
    %swap3A_181 = arith.constant 30 : i32
    %swap3A_182 = arith.index_cast %swap3A_181 : i32 to index
    %swap3A_183 = arith.constant 0 : index
    %swap3A_184 = tpu.vector_load %arg7[%swap3A_182, %swap3A_183] {strides = array<i32>} : memref<128x16xf32, #tpu.memory_space<vmem>>, vector<16xf32>,
    tpu.vector_store %arg7[%swap3A_182, %swap3A_183], %broadcast_in_dim3A_180 {strides = array<i32>} : memref<128x16xf32, #tpu.memory_space<vmem>>, vector<16xf32>,
    %broadcast_in_dim3A_185 = arith.constant 0.000000e+00 : f32
    %broadcast_in_dim3A_186 = vector.broadcast %broadcast_in_dim3A_185 : f32 to vector<16xf32>
    %swap3A_187 = arith.constant 31 : i32
    %swap3A_188 = arith.index_cast %swap3A_187 : i32 to index
    %swap3A_189 = arith.constant 0 : index
    %swap3A_190 = tpu.vector_load %arg7[%swap3A_188, %swap3A_189] {strides = array<i32>} : memref<128x16xf32, #tpu.memory_space<vmem>>, vector<16xf32>,
    tpu.vector_store %arg7[%swap3A_188, %swap3A_189], %broadcast_in_dim3A_186 {strides = array<i32>} : memref<128x16xf32, #tpu.memory_space<vmem>>, vector<16xf32>,
    %broadcast_in_dim3A_191 = arith.constant 0.000000e+00 : f32
    %broadcast_in_dim3A_192 = vector.broadcast %broadcast_in_dim3A_191 : f32 to vector<16xf32>
    %swap3A_193 = arith.constant 32 : i32
    %swap3A_194 = arith.index_cast %swap3A_193 : i32 to index
    %swap3A_195 = arith.constant 0 : index
    %swap3A_196 = tpu.vector_load %arg7[%swap3A_194, %swap3A_195] {strides = array<i32>} : memref<128x16xf32, #tpu.memory_space<vmem>>, vector<16xf32>,
    tpu.vector_store %arg7[%swap3A_194, %swap3A_195], %broadcast_in_dim3A_192 {strides = array<i32>} : memref<128x16xf32, #tpu.memory_space<vmem>>, vector<16xf32>,
    %broadcast_in_dim3A_197 = arith.constant 0.000000e+00 : f32
    %broadcast_in_dim3A_198 = vector.broadcast %broadcast_in_dim3A_197 : f32 to vector<16xf32>
    %swap3A_199 = arith.constant 33 : i32
    %swap3A_200 = arith.index_cast %swap3A_199 : i32 to index
    %swap3A_201 = arith.constant 0 : index
    %swap3A_202 = tpu.vector_load %arg7[%swap3A_200, %swap3A_201] {strides = array<i32>} : memref<128x16xf32, #tpu.memory_space<vmem>>, vector<16xf32>,
    tpu.vector_store %arg7[%swap3A_200, %swap3A_201], %broadcast_in_dim3A_198 {strides = array<i32>} : memref<128x16xf32, #tpu.memory_space<vmem>>, vector<16xf32>,
    %broadcast_in_dim3A_203 = arith.constant 0.000000e+00 : f32
    %broadcast_in_dim3A_204 = vector.broadcast %broadcast_in_dim3A_203 : f32 to vector<16xf32>
    %swap3A_205 = arith.constant 34 : i32
    %swap3A_206 = arith.index_cast %swap3A_205 : i32 to index
    %swap3A_207 = arith.constant 0 : index
    %swap3A_208 = tpu.vector_load %arg7[%swap3A_206, %swap3A_207] {strides = array<i32>} : memref<128x16xf32, #tpu.memory_space<vmem>>, vector<16xf32>,
    tpu.vector_store %arg7[%swap3A_206, %swap3A_207], %broadcast_in_dim3A_204 {strides = array<i32>} : memref<128x16xf32, #tpu.memory_space<vmem>>, vector<16xf32>,
    %broadcast_in_dim3A_209 = arith.constant 0.000000e+00 : f32
    %broadcast_in_dim3A_210 = vector.broadcast %broadcast_in_dim3A_209 : f32 to vector<16xf32>
    %swap3A_211 = arith.constant 35 : i32
    %swap3A_212 = arith.index_cast %swap3A_211 : i32 to index
    %swap3A_213 = arith.constant 0 : index
    %swap3A_214 = tpu.vector_load %arg7[%swap3A_212, %swap3A_213] {strides = array<i32>} : memref<128x16xf32, #tpu.memory_space<vmem>>, vector<16xf32>,
    tpu.vector_store %arg7[%swap3A_212, %swap3A_213], %broadcast_in_dim3A_210 {strides = array<i32>} : memref<128x16xf32, #tpu.memory_space<vmem>>, vector<16xf32>,
    %broadcast_in_dim3A_215 = arith.constant 0.000000e+00 : f32
    %broadcast_in_dim3A_216 = vector.broadcast %broadcast_in_dim3A_215 : f32 to vector<16xf32>
    %swap3A_217 = arith.constant 36 : i32
    %swap3A_218 = arith.index_cast %swap3A_217 : i32 to index
    %swap3A_219 = arith.constant 0 : index
    %swap3A_220 = tpu.vector_load %arg7[%swap3A_218, %swap3A_219] {strides = array<i32>} : memref<128x16xf32, #tpu.memory_space<vmem>>, vector<16xf32>,
    tpu.vector_store %arg7[%swap3A_218, %swap3A_219], %broadcast_in_dim3A_216 {strides = array<i32>} : memref<128x16xf32, #tpu.memory_space<vmem>>, vector<16xf32>,
    %broadcast_in_dim3A_221 = arith.constant 0.000000e+00 : f32
    %broadcast_in_dim3A_222 = vector.broadcast %broadcast_in_dim3A_221 : f32 to vector<16xf32>
    %swap3A_223 = arith.constant 37 : i32
    %swap3A_224 = arith.index_cast %swap3A_223 : i32 to index
    %swap3A_225 = arith.constant 0 : index
    %swap3A_226 = tpu.vector_load %arg7[%swap3A_224, %swap3A_225] {strides = array<i32>} : memref<128x16xf32, #tpu.memory_space<vmem>>, vector<16xf32>,
    tpu.vector_store %arg7[%swap3A_224, %swap3A_225], %broadcast_in_dim3A_222 {strides = array<i32>} : memref<128x16xf32, #tpu.memory_space<vmem>>, vector<16xf32>,
    %broadcast_in_dim3A_227 = arith.constant 0.000000e+00 : f32
    %broadcast_in_dim3A_228 = vector.broadcast %broadcast_in_dim3A_227 : f32 to vector<16xf32>
    %swap3A_229 = arith.constant 38 : i32
    %swap3A_230 = arith.index_cast %swap3A_229 : i32 to index
    %swap3A_231 = arith.constant 0 : index
    %swap3A_232 = tpu.vector_load %arg7[%swap3A_230, %swap3A_231] {strides = array<i32>} : memref<128x16xf32, #tpu.memory_space<vmem>>, vector<16xf32>,
    tpu.vector_store %arg7[%swap3A_230, %swap3A_231], %broadcast_in_dim3A_228 {strides = array<i32>} : memref<128x16xf32, #tpu.memory_space<vmem>>, vector<16xf32>,
    %broadcast_in_dim3A_233 = arith.constant 0.000000e+00 : f32
    %broadcast_in_dim3A_234 = vector.broadcast %broadcast_in_dim3A_233 : f32 to vector<16xf32>
    %swap3A_235 = arith.constant 39 : i32
    %swap3A_236 = arith.index_cast %swap3A_235 : i32 to index
    %swap3A_237 = arith.constant 0 : index
    %swap3A_238 = tpu.vector_load %arg7[%swap3A_236, %swap3A_237] {strides = array<i32>} : memref<128x16xf32, #tpu.memory_space<vmem>>, vector<16xf32>,
    tpu.vector_store %arg7[%swap3A_236, %swap3A_237], %broadcast_in_dim3A_234 {strides = array<i32>} : memref<128x16xf32, #tpu.memory_space<vmem>>, vector<16xf32>,
    %broadcast_in_dim3A_239 = arith.constant 0.000000e+00 : f32
    %broadcast_in_dim3A_240 = vector.broadcast %broadcast_in_dim3A_239 : f32 to vector<16xf32>
    %swap3A_241 = arith.constant 40 : i32
    %swap3A_242 = arith.index_cast %swap3A_241 : i32 to index
    %swap3A_243 = arith.constant 0 : index
    %swap3A_244 = tpu.vector_load %arg7[%swap3A_242, %swap3A_243] {strides = array<i32>} : memref<128x16xf32, #tpu.memory_space<vmem>>, vector<16xf32>,
    tpu.vector_store %arg7[%swap3A_242, %swap3A_243], %broadcast_in_dim3A_240 {strides = array<i32>} : memref<128x16xf32, #tpu.memory_space<vmem>>, vector<16xf32>,
    %broadcast_in_dim3A_245 = arith.constant 0.000000e+00 : f32
    %broadcast_in_dim3A_246 = vector.broadcast %broadcast_in_dim3A_245 : f32 to vector<16xf32>
    %swap3A_247 = arith.constant 41 : i32
    %swap3A_248 = arith.index_cast %swap3A_247 : i32 to index
    %swap3A_249 = arith.constant 0 : index
    %swap3A_250 = tpu.vector_load %arg7[%swap3A_248, %swap3A_249] {strides = array<i32>} : memref<128x16xf32, #tpu.memory_space<vmem>>, vector<16xf32>,
    tpu.vector_store %arg7[%swap3A_248, %swap3A_249], %broadcast_in_dim3A_246 {strides = array<i32>} : memref<128x16xf32, #tpu.memory_space<vmem>>, vector<16xf32>,
    %broadcast_in_dim3A_251 = arith.constant 0.000000e+00 : f32
    %broadcast_in_dim3A_252 = vector.broadcast %broadcast_in_dim3A_251 : f32 to vector<16xf32>
    %swap3A_253 = arith.constant 42 : i32
    %swap3A_254 = arith.index_cast %swap3A_253 : i32 to index
    %swap3A_255 = arith.constant 0 : index
    %swap3A_256 = tpu.vector_load %arg7[%swap3A_254, %swap3A_255] {strides = array<i32>} : memref<128x16xf32, #tpu.memory_space<vmem>>, vector<16xf32>,
    tpu.vector_store %arg7[%swap3A_254, %swap3A_255], %broadcast_in_dim3A_252 {strides = array<i32>} : memref<128x16xf32, #tpu.memory_space<vmem>>, vector<16xf32>,
    %broadcast_in_dim3A_257 = arith.constant 0.000000e+00 : f32
    %broadcast_in_dim3A_258 = vector.broadcast %broadcast_in_dim3A_257 : f32 to vector<16xf32>
    %swap3A_259 = arith.constant 43 : i32
    %swap3A_260 = arith.index_cast %swap3A_259 : i32 to index
    %swap3A_261 = arith.constant 0 : index
    %swap3A_262 = tpu.vector_load %arg7[%swap3A_260, %swap3A_261] {strides = array<i32>} : memref<128x16xf32, #tpu.memory_space<vmem>>, vector<16xf32>,
    tpu.vector_store %arg7[%swap3A_260, %swap3A_261], %broadcast_in_dim3A_258 {strides = array<i32>} : memref<128x16xf32, #tpu.memory_space<vmem>>, vector<16xf32>,
    %broadcast_in_dim3A_263 = arith.constant 0.000000e+00 : f32
    %broadcast_in_dim3A_264 = vector.broadcast %broadcast_in_dim3A_263 : f32 to vector<16xf32>
    %swap3A_265 = arith.constant 44 : i32
    %swap3A_266 = arith.index_cast %swap3A_265 : i32 to index
    %swap3A_267 = arith.constant 0 : index
    %swap3A_268 = tpu.vector_load %arg7[%swap3A_266, %swap3A_267] {strides = array<i32>} : memref<128x16xf32, #tpu.memory_space<vmem>>, vector<16xf32>,
    tpu.vector_store %arg7[%swap3A_266, %swap3A_267], %broadcast_in_dim3A_264 {strides = array<i32>} : memref<128x16xf32, #tpu.memory_space<vmem>>, vector<16xf32>,
    %broadcast_in_dim3A_269 = arith.constant 0.000000e+00 : f32
    %broadcast_in_dim3A_270 = vector.broadcast %broadcast_in_dim3A_269 : f32 to vector<16xf32>
    %swap3A_271 = arith.constant 45 : i32
    %swap3A_272 = arith.index_cast %swap3A_271 : i32 to index
    %swap3A_273 = arith.constant 0 : index
    %swap3A_274 = tpu.vector_load %arg7[%swap3A_272, %swap3A_273] {strides = array<i32>} : memref<128x16xf32, #tpu.memory_space<vmem>>, vector<16xf32>,
    tpu.vector_store %arg7[%swap3A_272, %swap3A_273], %broadcast_in_dim3A_270 {strides = array<i32>} : memref<128x16xf32, #tpu.memory_space<vmem>>, vector<16xf32>,
    %broadcast_in_dim3A_275 = arith.constant 0.000000e+00 : f32
    %broadcast_in_dim3A_276 = vector.broadcast %broadcast_in_dim3A_275 : f32 to vector<16xf32>
    %swap3A_277 = arith.constant 46 : i32
    %swap3A_278 = arith.index_cast %swap3A_277 : i32 to index
    %swap3A_279 = arith.constant 0 : index
    %swap3A_280 = tpu.vector_load %arg7[%swap3A_278, %swap3A_279] {strides = array<i32>} : memref<128x16xf32, #tpu.memory_space<vmem>>, vector<16xf32>,
    tpu.vector_store %arg7[%swap3A_278, %swap3A_279], %broadcast_in_dim3A_276 {strides = array<i32>} : memref<128x16xf32, #tpu.memory_space<vmem>>, vector<16xf32>,
    %broadcast_in_dim3A_281 = arith.constant 0.000000e+00 : f32
    %broadcast_in_dim3A_282 = vector.broadcast %broadcast_in_dim3A_281 : f32 to vector<16xf32>
    %swap3A_283 = arith.constant 47 : i32
    %swap3A_284 = arith.index_cast %swap3A_283 : i32 to index
    %swap3A_285 = arith.constant 0 : index
    %swap3A_286 = tpu.vector_load %arg7[%swap3A_284, %swap3A_285] {strides = array<i32>} : memref<128x16xf32, #tpu.memory_space<vmem>>, vector<16xf32>,
    tpu.vector_store %arg7[%swap3A_284, %swap3A_285], %broadcast_in_dim3A_282 {strides = array<i32>} : memref<128x16xf32, #tpu.memory_space<vmem>>, vector<16xf32>,
    %broadcast_in_dim3A_287 = arith.constant 0.000000e+00 : f32
    %broadcast_in_dim3A_288 = vector.broadcast %broadcast_in_dim3A_287 : f32 to vector<16xf32>
    %swap3A_289 = arith.constant 48 : i32
    %swap3A_290 = arith.index_cast %swap3A_289 : i32 to index
    %swap3A_291 = arith.constant 0 : index
    %swap3A_292 = tpu.vector_load %arg7[%swap3A_290, %swap3A_291] {strides = array<i32>} : memref<128x16xf32, #tpu.memory_space<vmem>>, vector<16xf32>,
    tpu.vector_store %arg7[%swap3A_290, %swap3A_291], %broadcast_in_dim3A_288 {strides = array<i32>} : memref<128x16xf32, #tpu.memory_space<vmem>>, vector<16xf32>,
    %broadcast_in_dim3A_293 = arith.constant 0.000000e+00 : f32
    %broadcast_in_dim3A_294 = vector.broadcast %broadcast_in_dim3A_293 : f32 to vector<16xf32>
    %swap3A_295 = arith.constant 49 : i32
    %swap3A_296 = arith.index_cast %swap3A_295 : i32 to index
    %swap3A_297 = arith.constant 0 : index
    %swap3A_298 = tpu.vector_load %arg7[%swap3A_296, %swap3A_297] {strides = array<i32>} : memref<128x16xf32, #tpu.memory_space<vmem>>, vector<16xf32>,
    tpu.vector_store %arg7[%swap3A_296, %swap3A_297], %broadcast_in_dim3A_294 {strides = array<i32>} : memref<128x16xf32, #tpu.memory_space<vmem>>, vector<16xf32>,
    %broadcast_in_dim3A_299 = arith.constant 0.000000e+00 : f32
    %broadcast_in_dim3A_300 = vector.broadcast %broadcast_in_dim3A_299 : f32 to vector<16xf32>
    %swap3A_301 = arith.constant 50 : i32
    %swap3A_302 = arith.index_cast %swap3A_301 : i32 to index
    %swap3A_303 = arith.constant 0 : index
    %swap3A_304 = tpu.vector_load %arg7[%swap3A_302, %swap3A_303] {strides = array<i32>} : memref<128x16xf32, #tpu.memory_space<vmem>>, vector<16xf32>,
    tpu.vector_store %arg7[%swap3A_302, %swap3A_303], %broadcast_in_dim3A_300 {strides = array<i32>} : memref<128x16xf32, #tpu.memory_space<vmem>>, vector<16xf32>,
    %broadcast_in_dim3A_305 = arith.constant 0.000000e+00 : f32
    %broadcast_in_dim3A_306 = vector.broadcast %broadcast_in_dim3A_305 : f32 to vector<16xf32>
    %swap3A_307 = arith.constant 51 : i32
    %swap3A_308 = arith.index_cast %swap3A_307 : i32 to index
    %swap3A_309 = arith.constant 0 : index
    %swap3A_310 = tpu.vector_load %arg7[%swap3A_308, %swap3A_309] {strides = array<i32>} : memref<128x16xf32, #tpu.memory_space<vmem>>, vector<16xf32>,
    tpu.vector_store %arg7[%swap3A_308, %swap3A_309], %broadcast_in_dim3A_306 {strides = array<i32>} : memref<128x16xf32, #tpu.memory_space<vmem>>, vector<16xf32>,
    %broadcast_in_dim3A_311 = arith.constant 0.000000e+00 : f32
    %broadcast_in_dim3A_312 = vector.broadcast %broadcast_in_dim3A_311 : f32 to vector<16xf32>
    %swap3A_313 = arith.constant 52 : i32
    %swap3A_314 = arith.index_cast %swap3A_313 : i32 to index
    %swap3A_315 = arith.constant 0 : index
    %swap3A_316 = tpu.vector_load %arg7[%swap3A_314, %swap3A_315] {strides = array<i32>} : memref<128x16xf32, #tpu.memory_space<vmem>>, vector<16xf32>,
    tpu.vector_store %arg7[%swap3A_314, %swap3A_315], %broadcast_in_dim3A_312 {strides = array<i32>} : memref<128x16xf32, #tpu.memory_space<vmem>>, vector<16xf32>,
    %broadcast_in_dim3A_317 = arith.constant 0.000000e+00 : f32
    %broadcast_in_dim3A_318 = vector.broadcast %broadcast_in_dim3A_317 : f32 to vector<16xf32>
    %swap3A_319 = arith.constant 53 : i32
    %swap3A_320 = arith.index_cast %swap3A_319 : i32 to index
    %swap3A_321 = arith.constant 0 : index
    %swap3A_322 = tpu.vector_load %arg7[%swap3A_320, %swap3A_321] {strides = array<i32>} : memref<128x16xf32, #tpu.memory_space<vmem>>, vector<16xf32>,
    tpu.vector_store %arg7[%swap3A_320, %swap3A_321], %broadcast_in_dim3A_318 {strides = array<i32>} : memref<128x16xf32, #tpu.memory_space<vmem>>, vector<16xf32>,
    %broadcast_in_dim3A_323 = arith.constant 0.000000e+00 : f32
    %broadcast_in_dim3A_324 = vector.broadcast %broadcast_in_dim3A_323 : f32 to vector<16xf32>
    %swap3A_325 = arith.constant 54 : i32
    %swap3A_326 = arith.index_cast %swap3A_325 : i32 to index
    %swap3A_327 = arith.constant 0 : index
    %swap3A_328 = tpu.vector_load %arg7[%swap3A_326, %swap3A_327] {strides = array<i32>} : memref<128x16xf32, #tpu.memory_space<vmem>>, vector<16xf32>,
    tpu.vector_store %arg7[%swap3A_326, %swap3A_327], %broadcast_in_dim3A_324 {strides = array<i32>} : memref<128x16xf32, #tpu.memory_space<vmem>>, vector<16xf32>,
    %broadcast_in_dim3A_329 = arith.constant 0.000000e+00 : f32
    %broadcast_in_dim3A_330 = vector.broadcast %broadcast_in_dim3A_329 : f32 to vector<16xf32>
    %swap3A_331 = arith.constant 55 : i32
    %swap3A_332 = arith.index_cast %swap3A_331 : i32 to index
    %swap3A_333 = arith.constant 0 : index
    %swap3A_334 = tpu.vector_load %arg7[%swap3A_332, %swap3A_333] {strides = array<i32>} : memref<128x16xf32, #tpu.memory_space<vmem>>, vector<16xf32>,
    tpu.vector_store %arg7[%swap3A_332, %swap3A_333], %broadcast_in_dim3A_330 {strides = array<i32>} : memref<128x16xf32, #tpu.memory_space<vmem>>, vector<16xf32>,
    %broadcast_in_dim3A_335 = arith.constant 0.000000e+00 : f32
    %broadcast_in_dim3A_336 = vector.broadcast %broadcast_in_dim3A_335 : f32 to vector<16xf32>
    %swap3A_337 = arith.constant 56 : i32
    %swap3A_338 = arith.index_cast %swap3A_337 : i32 to index
    %swap3A_339 = arith.constant 0 : index
    %swap3A_340 = tpu.vector_load %arg7[%swap3A_338, %swap3A_339] {strides = array<i32>} : memref<128x16xf32, #tpu.memory_space<vmem>>, vector<16xf32>,
    tpu.vector_store %arg7[%swap3A_338, %swap3A_339], %broadcast_in_dim3A_336 {strides = array<i32>} : memref<128x16xf32, #tpu.memory_space<vmem>>, vector<16xf32>,
    %broadcast_in_dim3A_341 = arith.constant 0.000000e+00 : f32
    %broadcast_in_dim3A_342 = vector.broadcast %broadcast_in_dim3A_341 : f32 to vector<16xf32>
    %swap3A_343 = arith.constant 57 : i32
    %swap3A_344 = arith.index_cast %swap3A_343 : i32 to index
    %swap3A_345 = arith.constant 0 : index
    %swap3A_346 = tpu.vector_load %arg7[%swap3A_344, %swap3A_345] {strides = array<i32>} : memref<128x16xf32, #tpu.memory_space<vmem>>, vector<16xf32>,
    tpu.vector_store %arg7[%swap3A_344, %swap3A_345], %broadcast_in_dim3A_342 {strides = array<i32>} : memref<128x16xf32, #tpu.memory_space<vmem>>, vector<16xf32>,
    %broadcast_in_dim3A_347 = arith.constant 0.000000e+00 : f32
    %broadcast_in_dim3A_348 = vector.broadcast %broadcast_in_dim3A_347 : f32 to vector<16xf32>
    %swap3A_349 = arith.constant 58 : i32
    %swap3A_350 = arith.index_cast %swap3A_349 : i32 to index
    %swap3A_351 = arith.constant 0 : index
    %swap3A_352 = tpu.vector_load %arg7[%swap3A_350, %swap3A_351] {strides = array<i32>} : memref<128x16xf32, #tpu.memory_space<vmem>>, vector<16xf32>,
    tpu.vector_store %arg7[%swap3A_350, %swap3A_351], %broadcast_in_dim3A_348 {strides = array<i32>} : memref<128x16xf32, #tpu.memory_space<vmem>>, vector<16xf32>,
    %broadcast_in_dim3A_353 = arith.constant 0.000000e+00 : f32
    %broadcast_in_dim3A_354 = vector.broadcast %broadcast_in_dim3A_353 : f32 to vector<16xf32>
    %swap3A_355 = arith.constant 59 : i32
    %swap3A_356 = arith.index_cast %swap3A_355 : i32 to index
    %swap3A_357 = arith.constant 0 : index
    %swap3A_358 = tpu.vector_load %arg7[%swap3A_356, %swap3A_357] {strides = array<i32>} : memref<128x16xf32, #tpu.memory_space<vmem>>, vector<16xf32>,
    tpu.vector_store %arg7[%swap3A_356, %swap3A_357], %broadcast_in_dim3A_354 {strides = array<i32>} : memref<128x16xf32, #tpu.memory_space<vmem>>, vector<16xf32>,
    %broadcast_in_dim3A_359 = arith.constant 0.000000e+00 : f32
    %broadcast_in_dim3A_360 = vector.broadcast %broadcast_in_dim3A_359 : f32 to vector<16xf32>
    %swap3A_361 = arith.constant 60 : i32
    %swap3A_362 = arith.index_cast %swap3A_361 : i32 to index
    %swap3A_363 = arith.constant 0 : index
    %swap3A_364 = tpu.vector_load %arg7[%swap3A_362, %swap3A_363] {strides = array<i32>} : memref<128x16xf32, #tpu.memory_space<vmem>>, vector<16xf32>,
    tpu.vector_store %arg7[%swap3A_362, %swap3A_363], %broadcast_in_dim3A_360 {strides = array<i32>} : memref<128x16xf32, #tpu.memory_space<vmem>>, vector<16xf32>,
    %broadcast_in_dim3A_365 = arith.constant 0.000000e+00 : f32
    %broadcast_in_dim3A_366 = vector.broadcast %broadcast_in_dim3A_365 : f32 to vector<16xf32>
    %swap3A_367 = arith.constant 61 : i32
    %swap3A_368 = arith.index_cast %swap3A_367 : i32 to index
    %swap3A_369 = arith.constant 0 : index
    %swap3A_370 = tpu.vector_load %arg7[%swap3A_368, %swap3A_369] {strides = array<i32>} : memref<128x16xf32, #tpu.memory_space<vmem>>, vector<16xf32>,
    tpu.vector_store %arg7[%swap3A_368, %swap3A_369], %broadcast_in_dim3A_366 {strides = array<i32>} : memref<128x16xf32, #tpu.memory_space<vmem>>, vector<16xf32>,
    %broadcast_in_dim3A_371 = arith.constant 0.000000e+00 : f32
    %broadcast_in_dim3A_372 = vector.broadcast %broadcast_in_dim3A_371 : f32 to vector<16xf32>
    %swap3A_373 = arith.constant 62 : i32
    %swap3A_374 = arith.index_cast %swap3A_373 : i32 to index
    %swap3A_375 = arith.constant 0 : index
    %swap3A_376 = tpu.vector_load %arg7[%swap3A_374, %swap3A_375] {strides = array<i32>} : memref<128x16xf32, #tpu.memory_space<vmem>>, vector<16xf32>,
    tpu.vector_store %arg7[%swap3A_374, %swap3A_375], %broadcast_in_dim3A_372 {strides = array<i32>} : memref<128x16xf32, #tpu.memory_space<vmem>>, vector<16xf32>,
    %broadcast_in_dim3A_377 = arith.constant 0.000000e+00 : f32
    %broadcast_in_dim3A_378 = vector.broadcast %broadcast_in_dim3A_377 : f32 to vector<16xf32>
    %swap3A_379 = arith.constant 63 : i32
    %swap3A_380 = arith.index_cast %swap3A_379 : i32 to index
    %swap3A_381 = arith.constant 0 : index
    %swap3A_382 = tpu.vector_load %arg7[%swap3A_380, %swap3A_381] {strides = array<i32>} : memref<128x16xf32, #tpu.memory_space<vmem>>, vector<16xf32>,
    tpu.vector_store %arg7[%swap3A_380, %swap3A_381], %broadcast_in_dim3A_378 {strides = array<i32>} : memref<128x16xf32, #tpu.memory_space<vmem>>, vector<16xf32>,
    %broadcast_in_dim3A_383 = arith.constant 0.000000e+00 : f32
    %broadcast_in_dim3A_384 = vector.broadcast %broadcast_in_dim3A_383 : f32 to vector<16xf32>
    %swap3A_385 = arith.constant 64 : i32
    %swap3A_386 = arith.index_cast %swap3A_385 : i32 to index
    %swap3A_387 = arith.constant 0 : index
    %swap3A_388 = tpu.vector_load %arg7[%swap3A_386, %swap3A_387] {strides = array<i32>} : memref<128x16xf32, #tpu.memory_space<vmem>>, vector<16xf32>,
    tpu.vector_store %arg7[%swap3A_386, %swap3A_387], %broadcast_in_dim3A_384 {strides = array<i32>} : memref<128x16xf32, #tpu.memory_space<vmem>>, vector<16xf32>,
    %broadcast_in_dim3A_389 = arith.constant 0.000000e+00 : f32
    %broadcast_in_dim3A_390 = vector.broadcast %broadcast_in_dim3A_389 : f32 to vector<16xf32>
    %swap3A_391 = arith.constant 65 : i32
    %swap3A_392 = arith.index_cast %swap3A_391 : i32 to index
    %swap3A_393 = arith.constant 0 : index
    %swap3A_394 = tpu.vector_load %arg7[%swap3A_392, %swap3A_393] {strides = array<i32>} : memref<128x16xf32, #tpu.memory_space<vmem>>, vector<16xf32>,
    tpu.vector_store %arg7[%swap3A_392, %swap3A_393], %broadcast_in_dim3A_390 {strides = array<i32>} : memref<128x16xf32, #tpu.memory_space<vmem>>, vector<16xf32>,
    %broadcast_in_dim3A_395 = arith.constant 0.000000e+00 : f32
    %broadcast_in_dim3A_396 = vector.broadcast %broadcast_in_dim3A_395 : f32 to vector<16xf32>
    %swap3A_397 = arith.constant 66 : i32
    %swap3A_398 = arith.index_cast %swap3A_397 : i32 to index
    %swap3A_399 = arith.constant 0 : index
    %swap3A_400 = tpu.vector_load %arg7[%swap3A_398, %swap3A_399] {strides = array<i32>} : memref<128x16xf32, #tpu.memory_space<vmem>>, vector<16xf32>,
    tpu.vector_store %arg7[%swap3A_398, %swap3A_399], %broadcast_in_dim3A_396 {strides = array<i32>} : memref<128x16xf32, #tpu.memory_space<vmem>>, vector<16xf32>,
    %broadcast_in_dim3A_401 = arith.constant 0.000000e+00 : f32
    %broadcast_in_dim3A_402 = vector.broadcast %broadcast_in_dim3A_401 : f32 to vector<16xf32>
    %swap3A_403 = arith.constant 67 : i32
    %swap3A_404 = arith.index_cast %swap3A_403 : i32 to index
    %swap3A_405 = arith.constant 0 : index
    %swap3A_406 = tpu.vector_load %arg7[%swap3A_404, %swap3A_405] {strides = array<i32>} : memref<128x16xf32, #tpu.memory_space<vmem>>, vector<16xf32>,
    tpu.vector_store %arg7[%swap3A_404, %swap3A_405], %broadcast_in_dim3A_402 {strides = array<i32>} : memref<128x16xf32, #tpu.memory_space<vmem>>, vector<16xf32>,
    %broadcast_in_dim3A_407 = arith.constant 0.000000e+00 : f32
    %broadcast_in_dim3A_408 = vector.broadcast %broadcast_in_dim3A_407 : f32 to vector<16xf32>
    %swap3A_409 = arith.constant 68 : i32
    %swap3A_410 = arith.index_cast %swap3A_409 : i32 to index
    %swap3A_411 = arith.constant 0 : index
    %swap3A_412 = tpu.vector_load %arg7[%swap3A_410, %swap3A_411] {strides = array<i32>} : memref<128x16xf32, #tpu.memory_space<vmem>>, vector<16xf32>,
    tpu.vector_store %arg7[%swap3A_410, %swap3A_411], %broadcast_in_dim3A_408 {strides = array<i32>} : memref<128x16xf32, #tpu.memory_space<vmem>>, vector<16xf32>,
    %broadcast_in_dim3A_413 = arith.constant 0.000000e+00 : f32
    %broadcast_in_dim3A_414 = vector.broadcast %broadcast_in_dim3A_413 : f32 to vector<16xf32>
    %swap3A_415 = arith.constant 69 : i32
    %swap3A_416 = arith.index_cast %swap3A_415 : i32 to index
    %swap3A_417 = arith.constant 0 : index
    %swap3A_418 = tpu.vector_load %arg7[%swap3A_416, %swap3A_417] {strides = array<i32>} : memref<128x16xf32, #tpu.memory_space<vmem>>, vector<16xf32>,
    tpu.vector_store %arg7[%swap3A_416, %swap3A_417], %broadcast_in_dim3A_414 {strides = array<i32>} : memref<128x16xf32, #tpu.memory_space<vmem>>, vector<16xf32>,
    %broadcast_in_dim3A_419 = arith.constant 0.000000e+00 : f32
    %broadcast_in_dim3A_420 = vector.broadcast %broadcast_in_dim3A_419 : f32 to vector<16xf32>
    %swap3A_421 = arith.constant 70 : i32
    %swap3A_422 = arith.index_cast %swap3A_421 : i32 to index
    %swap3A_423 = arith.constant 0 : index
    %swap3A_424 = tpu.vector_load %arg7[%swap3A_422, %swap3A_423] {strides = array<i32>} : memref<128x16xf32, #tpu.memory_space<vmem>>, vector<16xf32>,
    tpu.vector_store %arg7[%swap3A_422, %swap3A_423], %broadcast_in_dim3A_420 {strides = array<i32>} : memref<128x16xf32, #tpu.memory_space<vmem>>, vector<16xf32>,
    %broadcast_in_dim3A_425 = arith.constant 0.000000e+00 : f32
    %broadcast_in_dim3A_426 = vector.broadcast %broadcast_in_dim3A_425 : f32 to vector<16xf32>
    %swap3A_427 = arith.constant 71 : i32
    %swap3A_428 = arith.index_cast %swap3A_427 : i32 to index
    %swap3A_429 = arith.constant 0 : index
    %swap3A_430 = tpu.vector_load %arg7[%swap3A_428, %swap3A_429] {strides = array<i32>} : memref<128x16xf32, #tpu.memory_space<vmem>>, vector<16xf32>,
    tpu.vector_store %arg7[%swap3A_428, %swap3A_429], %broadcast_in_dim3A_426 {strides = array<i32>} : memref<128x16xf32, #tpu.memory_space<vmem>>, vector<16xf32>,
    %broadcast_in_dim3A_431 = arith.constant 0.000000e+00 : f32
    %broadcast_in_dim3A_432 = vector.broadcast %broadcast_in_dim3A_431 : f32 to vector<16xf32>
    %swap3A_433 = arith.constant 72 : i32
    %swap3A_434 = arith.index_cast %swap3A_433 : i32 to index
    %swap3A_435 = arith.constant 0 : index
    %swap3A_436 = tpu.vector_load %arg7[%swap3A_434, %swap3A_435] {strides = array<i32>} : memref<128x16xf32, #tpu.memory_space<vmem>>, vector<16xf32>,
    tpu.vector_store %arg7[%swap3A_434, %swap3A_435], %broadcast_in_dim3A_432 {strides = array<i32>} : memref<128x16xf32, #tpu.memory_space<vmem>>, vector<16xf32>,
    %broadcast_in_dim3A_437 = arith.constant 0.000000e+00 : f32
    %broadcast_in_dim3A_438 = vector.broadcast %broadcast_in_dim3A_437 : f32 to vector<16xf32>
    %swap3A_439 = arith.constant 73 : i32
    %swap3A_440 = arith.index_cast %swap3A_439 : i32 to index
    %swap3A_441 = arith.constant 0 : index
    %swap3A_442 = tpu.vector_load %arg7[%swap3A_440, %swap3A_441] {strides = array<i32>} : memref<128x16xf32, #tpu.memory_space<vmem>>, vector<16xf32>,
    tpu.vector_store %arg7[%swap3A_440, %swap3A_441], %broadcast_in_dim3A_438 {strides = array<i32>} : memref<128x16xf32, #tpu.memory_space<vmem>>, vector<16xf32>,
    %broadcast_in_dim3A_443 = arith.constant 0.000000e+00 : f32
    %broadcast_in_dim3A_444 = vector.broadcast %broadcast_in_dim3A_443 : f32 to vector<16xf32>
    %swap3A_445 = arith.constant 74 : i32
    %swap3A_446 = arith.index_cast %swap3A_445 : i32 to index
    %swap3A_447 = arith.constant 0 : index
    %swap3A_448 = tpu.vector_load %arg7[%swap3A_446, %swap3A_447] {strides = array<i32>} : memref<128x16xf32, #tpu.memory_space<vmem>>, vector<16xf32>,
    tpu.vector_store %arg7[%swap3A_446, %swap3A_447], %broadcast_in_dim3A_444 {strides = array<i32>} : memref<128x16xf32, #tpu.memory_space<vmem>>, vector<16xf32>,
    %broadcast_in_dim3A_449 = arith.constant 0.000000e+00 : f32
    %broadcast_in_dim3A_450 = vector.broadcast %broadcast_in_dim3A_449 : f32 to vector<16xf32>
    %swap3A_451 = arith.constant 75 : i32
    %swap3A_452 = arith.index_cast %swap3A_451 : i32 to index
    %swap3A_453 = arith.constant 0 : index
    %swap3A_454 = tpu.vector_load %arg7[%swap3A_452, %swap3A_453] {strides = array<i32>} : memref<128x16xf32, #tpu.memory_space<vmem>>, vector<16xf32>,
    tpu.vector_store %arg7[%swap3A_452, %swap3A_453], %broadcast_in_dim3A_450 {strides = array<i32>} : memref<128x16xf32, #tpu.memory_space<vmem>>, vector<16xf32>,
    %broadcast_in_dim3A_455 = arith.constant 0.000000e+00 : f32
    %broadcast_in_dim3A_456 = vector.broadcast %broadcast_in_dim3A_455 : f32 to vector<16xf32>
    %swap3A_457 = arith.constant 76 : i32
    %swap3A_458 = arith.index_cast %swap3A_457 : i32 to index
    %swap3A_459 = arith.constant 0 : index
    %swap3A_460 = tpu.vector_load %arg7[%swap3A_458, %swap3A_459] {strides = array<i32>} : memref<128x16xf32, #tpu.memory_space<vmem>>, vector<16xf32>,
    tpu.vector_store %arg7[%swap3A_458, %swap3A_459], %broadcast_in_dim3A_456 {strides = array<i32>} : memref<128x16xf32, #tpu.memory_space<vmem>>, vector<16xf32>,
    %broadcast_in_dim3A_461 = arith.constant 0.000000e+00 : f32
    %broadcast_in_dim3A_462 = vector.broadcast %broadcast_in_dim3A_461 : f32 to vector<16xf32>
    %swap3A_463 = arith.constant 77 : i32
    %swap3A_464 = arith.index_cast %swap3A_463 : i32 to index
    %swap3A_465 = arith.constant 0 : index
    %swap3A_466 = tpu.vector_load %arg7[%swap3A_464, %swap3A_465] {strides = array<i32>} : memref<128x16xf32, #tpu.memory_space<vmem>>, vector<16xf32>,
    tpu.vector_store %arg7[%swap3A_464, %swap3A_465], %broadcast_in_dim3A_462 {strides = array<i32>} : memref<128x16xf32, #tpu.memory_space<vmem>>, vector<16xf32>,
    %broadcast_in_dim3A_467 = arith.constant 0.000000e+00 : f32
    %broadcast_in_dim3A_468 = vector.broadcast %broadcast_in_dim3A_467 : f32 to vector<16xf32>
    %swap3A_469 = arith.constant 78 : i32
    %swap3A_470 = arith.index_cast %swap3A_469 : i32 to index
    %swap3A_471 = arith.constant 0 : index
    %swap3A_472 = tpu.vector_load %arg7[%swap3A_470, %swap3A_471] {strides = array<i32>} : memref<128x16xf32, #tpu.memory_space<vmem>>, vector<16xf32>,
    tpu.vector_store %arg7[%swap3A_470, %swap3A_471], %broadcast_in_dim3A_468 {strides = array<i32>} : memref<128x16xf32, #tpu.memory_space<vmem>>, vector<16xf32>,
    %broadcast_in_dim3A_473 = arith.constant 0.000000e+00 : f32
    %broadcast_in_dim3A_474 = vector.broadcast %broadcast_in_dim3A_473 : f32 to vector<16xf32>
    %swap3A_475 = arith.constant 79 : i32
    %swap3A_476 = arith.index_cast %swap3A_475 : i32 to index
    %swap3A_477 = arith.constant 0 : index
    %swap3A_478 = tpu.vector_load %arg7[%swap3A_476, %swap3A_477] {strides = array<i32>} : memref<128x16xf32, #tpu.memory_space<vmem>>, vector<16xf32>,
    tpu.vector_store %arg7[%swap3A_476, %swap3A_477], %broadcast_in_dim3A_474 {strides = array<i32>} : memref<128x16xf32, #tpu.memory_space<vmem>>, vector<16xf32>,
    %broadcast_in_dim3A_479 = arith.constant 0.000000e+00 : f32
    %broadcast_in_dim3A_480 = vector.broadcast %broadcast_in_dim3A_479 : f32 to vector<16xf32>
    %swap3A_481 = arith.constant 80 : i32
    %swap3A_482 = arith.index_cast %swap3A_481 : i32 to index
    %swap3A_483 = arith.constant 0 : index
    %swap3A_484 = tpu.vector_load %arg7[%swap3A_482, %swap3A_483] {strides = array<i32>} : memref<128x16xf32, #tpu.memory_space<vmem>>, vector<16xf32>,
    tpu.vector_store %arg7[%swap3A_482, %swap3A_483], %broadcast_in_dim3A_480 {strides = array<i32>} : memref<128x16xf32, #tpu.memory_space<vmem>>, vector<16xf32>,
    %broadcast_in_dim3A_485 = arith.constant 0.000000e+00 : f32
    %broadcast_in_dim3A_486 = vector.broadcast %broadcast_in_dim3A_485 : f32 to vector<16xf32>
    %swap3A_487 = arith.constant 81 : i32
    %swap3A_488 = arith.index_cast %swap3A_487 : i32 to index
    %swap3A_489 = arith.constant 0 : index
    %swap3A_490 = tpu.vector_load %arg7[%swap3A_488, %swap3A_489] {strides = array<i32>} : memref<128x16xf32, #tpu.memory_space<vmem>>, vector<16xf32>,
    tpu.vector_store %arg7[%swap3A_488, %swap3A_489], %broadcast_in_dim3A_486 {strides = array<i32>} : memref<128x16xf32, #tpu.memory_space<vmem>>, vector<16xf32>,
    %broadcast_in_dim3A_491 = arith.constant 0.000000e+00 : f32
    %broadcast_in_dim3A_492 = vector.broadcast %broadcast_in_dim3A_491 : f32 to vector<16xf32>
    %swap3A_493 = arith.constant 82 : i32
    %swap3A_494 = arith.index_cast %swap3A_493 : i32 to index
    %swap3A_495 = arith.constant 0 : index
    %swap3A_496 = tpu.vector_load %arg7[%swap3A_494, %swap3A_495] {strides = array<i32>} : memref<128x16xf32, #tpu.memory_space<vmem>>, vector<16xf32>,
    tpu.vector_store %arg7[%swap3A_494, %swap3A_495], %broadcast_in_dim3A_492 {strides = array<i32>} : memref<128x16xf32, #tpu.memory_space<vmem>>, vector<16xf32>,
    %broadcast_in_dim3A_497 = arith.constant 0.000000e+00 : f32
    %broadcast_in_dim3A_498 = vector.broadcast %broadcast_in_dim3A_497 : f32 to vector<16xf32>
    %swap3A_499 = arith.constant 83 : i32
    %swap3A_500 = arith.index_cast %swap3A_499 : i32 to index
    %swap3A_501 = arith.constant 0 : index
    %swap3A_502 = tpu.vector_load %arg7[%swap3A_500, %swap3A_501] {strides = array<i32>} : memref<128x16xf32, #tpu.memory_space<vmem>>, vector<16xf32>,
    tpu.vector_store %arg7[%swap3A_500, %swap3A_501], %broadcast_in_dim3A_498 {strides = array<i32>} : memref<128x16xf32, #tpu.memory_space<vmem>>, vector<16xf32>,
    %broadcast_in_dim3A_503 = arith.constant 0.000000e+00 : f32
    %broadcast_in_dim3A_504 = vector.broadcast %broadcast_in_dim3A_503 : f32 to vector<16xf32>
    %swap3A_505 = arith.constant 84 : i32
    %swap3A_506 = arith.index_cast %swap3A_505 : i32 to index
    %swap3A_507 = arith.constant 0 : index
    %swap3A_508 = tpu.vector_load %arg7[%swap3A_506, %swap3A_507] {strides = array<i32>} : memref<128x16xf32, #tpu.memory_space<vmem>>, vector<16xf32>,
    tpu.vector_store %arg7[%swap3A_506, %swap3A_507], %broadcast_in_dim3A_504 {strides = array<i32>} : memref<128x16xf32, #tpu.memory_space<vmem>>, vector<16xf32>,
    %broadcast_in_dim3A_509 = arith.constant 0.000000e+00 : f32
    %broadcast_in_dim3A_510 = vector.broadcast %broadcast_in_dim3A_509 : f32 to vector<16xf32>
    %swap3A_511 = arith.constant 85 : i32
    %swap3A_512 = arith.index_cast %swap3A_511 : i32 to index
    %swap3A_513 = arith.constant 0 : index
    %swap3A_514 = tpu.vector_load %arg7[%swap3A_512, %swap3A_513] {strides = array<i32>} : memref<128x16xf32, #tpu.memory_space<vmem>>, vector<16xf32>,
    tpu.vector_store %arg7[%swap3A_512, %swap3A_513], %broadcast_in_dim3A_510 {strides = array<i32>} : memref<128x16xf32, #tpu.memory_space<vmem>>, vector<16xf32>,
    %broadcast_in_dim3A_515 = arith.constant 0.000000e+00 : f32
    %broadcast_in_dim3A_516 = vector.broadcast %broadcast_in_dim3A_515 : f32 to vector<16xf32>
    %swap3A_517 = arith.constant 86 : i32
    %swap3A_518 = arith.index_cast %swap3A_517 : i32 to index
    %swap3A_519 = arith.constant 0 : index
    %swap3A_520 = tpu.vector_load %arg7[%swap3A_518, %swap3A_519] {strides = array<i32>} : memref<128x16xf32, #tpu.memory_space<vmem>>, vector<16xf32>,
    tpu.vector_store %arg7[%swap3A_518, %swap3A_519], %broadcast_in_dim3A_516 {strides = array<i32>} : memref<128x16xf32, #tpu.memory_space<vmem>>, vector<16xf32>,
    %broadcast_in_dim3A_521 = arith.constant 0.000000e+00 : f32
    %broadcast_in_dim3A_522 = vector.broadcast %broadcast_in_dim3A_521 : f32 to vector<16xf32>
    %swap3A_523 = arith.constant 87 : i32
    %swap3A_524 = arith.index_cast %swap3A_523 : i32 to index
    %swap3A_525 = arith.constant 0 : index
    %swap3A_526 = tpu.vector_load %arg7[%swap3A_524, %swap3A_525] {strides = array<i32>} : memref<128x16xf32, #tpu.memory_space<vmem>>, vector<16xf32>,
    tpu.vector_store %arg7[%swap3A_524, %swap3A_525], %broadcast_in_dim3A_522 {strides = array<i32>} : memref<128x16xf32, #tpu.memory_space<vmem>>, vector<16xf32>,
    %broadcast_in_dim3A_527 = arith.constant 0.000000e+00 : f32
    %broadcast_in_dim3A_528 = vector.broadcast %broadcast_in_dim3A_527 : f32 to vector<16xf32>
    %swap3A_529 = arith.constant 88 : i32
    %swap3A_530 = arith.index_cast %swap3A_529 : i32 to index
    %swap3A_531 = arith.constant 0 : index
    %swap3A_532 = tpu.vector_load %arg7[%swap3A_530, %swap3A_531] {strides = array<i32>} : memref<128x16xf32, #tpu.memory_space<vmem>>, vector<16xf32>,
    tpu.vector_store %arg7[%swap3A_530, %swap3A_531], %broadcast_in_dim3A_528 {strides = array<i32>} : memref<128x16xf32, #tpu.memory_space<vmem>>, vector<16xf32>,
    %broadcast_in_dim3A_533 = arith.constant 0.000000e+00 : f32
    %broadcast_in_dim3A_534 = vector.broadcast %broadcast_in_dim3A_533 : f32 to vector<16xf32>
    %swap3A_535 = arith.constant 89 : i32
    %swap3A_536 = arith.index_cast %swap3A_535 : i32 to index
    %swap3A_537 = arith.constant 0 : index
    %swap3A_538 = tpu.vector_load %arg7[%swap3A_536, %swap3A_537] {strides = array<i32>} : memref<128x16xf32, #tpu.memory_space<vmem>>, vector<16xf32>,
    tpu.vector_store %arg7[%swap3A_536, %swap3A_537], %broadcast_in_dim3A_534 {strides = array<i32>} : memref<128x16xf32, #tpu.memory_space<vmem>>, vector<16xf32>,
    %broadcast_in_dim3A_539 = arith.constant 0.000000e+00 : f32
    %broadcast_in_dim3A_540 = vector.broadcast %broadcast_in_dim3A_539 : f32 to vector<16xf32>
    %swap3A_541 = arith.constant 90 : i32
    %swap3A_542 = arith.index_cast %swap3A_541 : i32 to index
    %swap3A_543 = arith.constant 0 : index
    %swap3A_544 = tpu.vector_load %arg7[%swap3A_542, %swap3A_543] {strides = array<i32>} : memref<128x16xf32, #tpu.memory_space<vmem>>, vector<16xf32>,
    tpu.vector_store %arg7[%swap3A_542, %swap3A_543], %broadcast_in_dim3A_540 {strides = array<i32>} : memref<128x16xf32, #tpu.memory_space<vmem>>, vector<16xf32>,
    %broadcast_in_dim3A_545 = arith.constant 0.000000e+00 : f32
    %broadcast_in_dim3A_546 = vector.broadcast %broadcast_in_dim3A_545 : f32 to vector<16xf32>
    %swap3A_547 = arith.constant 91 : i32
    %swap3A_548 = arith.index_cast %swap3A_547 : i32 to index
    %swap3A_549 = arith.constant 0 : index
    %swap3A_550 = tpu.vector_load %arg7[%swap3A_548, %swap3A_549] {strides = array<i32>} : memref<128x16xf32, #tpu.memory_space<vmem>>, vector<16xf32>,
    tpu.vector_store %arg7[%swap3A_548, %swap3A_549], %broadcast_in_dim3A_546 {strides = array<i32>} : memref<128x16xf32, #tpu.memory_space<vmem>>, vector<16xf32>,
    %broadcast_in_dim3A_551 = arith.constant 0.000000e+00 : f32
    %broadcast_in_dim3A_552 = vector.broadcast %broadcast_in_dim3A_551 : f32 to vector<16xf32>
    %swap3A_553 = arith.constant 92 : i32
    %swap3A_554 = arith.index_cast %swap3A_553 : i32 to index
    %swap3A_555 = arith.constant 0 : index
    %swap3A_556 = tpu.vector_load %arg7[%swap3A_554, %swap3A_555] {strides = array<i32>} : memref<128x16xf32, #tpu.memory_space<vmem>>, vector<16xf32>,
    tpu.vector_store %arg7[%swap3A_554, %swap3A_555], %broadcast_in_dim3A_552 {strides = array<i32>} : memref<128x16xf32, #tpu.memory_space<vmem>>, vector<16xf32>,
    %broadcast_in_dim3A_557 = arith.constant 0.000000e+00 : f32
    %broadcast_in_dim3A_558 = vector.broadcast %broadcast_in_dim3A_557 : f32 to vector<16xf32>
    %swap3A_559 = arith.constant 93 : i32
    %swap3A_560 = arith.index_cast %swap3A_559 : i32 to index
    %swap3A_561 = arith.constant 0 : index
    %swap3A_562 = tpu.vector_load %arg7[%swap3A_560, %swap3A_561] {strides = array<i32>} : memref<128x16xf32, #tpu.memory_space<vmem>>, vector<16xf32>,
    tpu.vector_store %arg7[%swap3A_560, %swap3A_561], %broadcast_in_dim3A_558 {strides = array<i32>} : memref<128x16xf32, #tpu.memory_space<vmem>>, vector<16xf32>,
    %broadcast_in_dim3A_563 = arith.constant 0.000000e+00 : f32
    %broadcast_in_dim3A_564 = vector.broadcast %broadcast_in_dim3A_563 : f32 to vector<16xf32>
    %swap3A_565 = arith.constant 94 : i32
    %swap3A_566 = arith.index_cast %swap3A_565 : i32 to index
    %swap3A_567 = arith.constant 0 : index
    %swap3A_568 = tpu.vector_load %arg7[%swap3A_566, %swap3A_567] {strides = array<i32>} : memref<128x16xf32, #tpu.memory_space<vmem>>, vector<16xf32>,
    tpu.vector_store %arg7[%swap3A_566, %swap3A_567], %broadcast_in_dim3A_564 {strides = array<i32>} : memref<128x16xf32, #tpu.memory_space<vmem>>, vector<16xf32>,
    %broadcast_in_dim3A_569 = arith.constant 0.000000e+00 : f32
    %broadcast_in_dim3A_570 = vector.broadcast %broadcast_in_dim3A_569 : f32 to vector<16xf32>
    %swap3A_571 = arith.constant 95 : i32
    %swap3A_572 = arith.index_cast %swap3A_571 : i32 to index
    %swap3A_573 = arith.constant 0 : index
    %swap3A_574 = tpu.vector_load %arg7[%swap3A_572, %swap3A_573] {strides = array<i32>} : memref<128x16xf32, #tpu.memory_space<vmem>>, vector<16xf32>,
    tpu.vector_store %arg7[%swap3A_572, %swap3A_573], %broadcast_in_dim3A_570 {strides = array<i32>} : memref<128x16xf32, #tpu.memory_space<vmem>>, vector<16xf32>,
    %broadcast_in_dim3A_575 = arith.constant 0.000000e+00 : f32
    %broadcast_in_dim3A_576 = vector.broadcast %broadcast_in_dim3A_575 : f32 to vector<16xf32>
    %swap3A_577 = arith.constant 96 : i32
    %swap3A_578 = arith.index_cast %swap3A_577 : i32 to index
    %swap3A_579 = arith.constant 0 : index
    %swap3A_580 = tpu.vector_load %arg7[%swap3A_578, %swap3A_579] {strides = array<i32>} : memref<128x16xf32, #tpu.memory_space<vmem>>, vector<16xf32>,
    tpu.vector_store %arg7[%swap3A_578, %swap3A_579], %broadcast_in_dim3A_576 {strides = array<i32>} : memref<128x16xf32, #tpu.memory_space<vmem>>, vector<16xf32>,
    %broadcast_in_dim3A_581 = arith.constant 0.000000e+00 : f32
    %broadcast_in_dim3A_582 = vector.broadcast %broadcast_in_dim3A_581 : f32 to vector<16xf32>
    %swap3A_583 = arith.constant 97 : i32
    %swap3A_584 = arith.index_cast %swap3A_583 : i32 to index
    %swap3A_585 = arith.constant 0 : index
    %swap3A_586 = tpu.vector_load %arg7[%swap3A_584, %swap3A_585] {strides = array<i32>} : memref<128x16xf32, #tpu.memory_space<vmem>>, vector<16xf32>,
    tpu.vector_store %arg7[%swap3A_584, %swap3A_585], %broadcast_in_dim3A_582 {strides = array<i32>} : memref<128x16xf32, #tpu.memory_space<vmem>>, vector<16xf32>,
    %broadcast_in_dim3A_587 = arith.constant 0.000000e+00 : f32
    %broadcast_in_dim3A_588 = vector.broadcast %broadcast_in_dim3A_587 : f32 to vector<16xf32>
    %swap3A_589 = arith.constant 98 : i32
    %swap3A_590 = arith.index_cast %swap3A_589 : i32 to index
    %swap3A_591 = arith.constant 0 : index
    %swap3A_592 = tpu.vector_load %arg7[%swap3A_590, %swap3A_591] {strides = array<i32>} : memref<128x16xf32, #tpu.memory_space<vmem>>, vector<16xf32>,
    tpu.vector_store %arg7[%swap3A_590, %swap3A_591], %broadcast_in_dim3A_588 {strides = array<i32>} : memref<128x16xf32, #tpu.memory_space<vmem>>, vector<16xf32>,
    %broadcast_in_dim3A_593 = arith.constant 0.000000e+00 : f32
    %broadcast_in_dim3A_594 = vector.broadcast %broadcast_in_dim3A_593 : f32 to vector<16xf32>
    %swap3A_595 = arith.constant 99 : i32
    %swap3A_596 = arith.index_cast %swap3A_595 : i32 to index
    %swap3A_597 = arith.constant 0 : index
    %swap3A_598 = tpu.vector_load %arg7[%swap3A_596, %swap3A_597] {strides = array<i32>} : memref<128x16xf32, #tpu.memory_space<vmem>>, vector<16xf32>,
    tpu.vector_store %arg7[%swap3A_596, %swap3A_597], %broadcast_in_dim3A_594 {strides = array<i32>} : memref<128x16xf32, #tpu.memory_space<vmem>>, vector<16xf32>,
    %broadcast_in_dim3A_599 = arith.constant 0.000000e+00 : f32
    %broadcast_in_dim3A_600 = vector.broadcast %broadcast_in_dim3A_599 : f32 to vector<16xf32>
    %swap3A_601 = arith.constant 100 : i32
    %swap3A_602 = arith.index_cast %swap3A_601 : i32 to index
    %swap3A_603 = arith.constant 0 : index
    %swap3A_604 = tpu.vector_load %arg7[%swap3A_602, %swap3A_603] {strides = array<i32>} : memref<128x16xf32, #tpu.memory_space<vmem>>, vector<16xf32>,
    tpu.vector_store %arg7[%swap3A_602, %swap3A_603], %broadcast_in_dim3A_600 {strides = array<i32>} : memref<128x16xf32, #tpu.memory_space<vmem>>, vector<16xf32>,
    %broadcast_in_dim3A_605 = arith.constant 0.000000e+00 : f32
    %broadcast_in_dim3A_606 = vector.broadcast %broadcast_in_dim3A_605 : f32 to vector<16xf32>
    %swap3A_607 = arith.constant 101 : i32
    %swap3A_608 = arith.index_cast %swap3A_607 : i32 to index
    %swap3A_609 = arith.constant 0 : index
    %swap3A_610 = tpu.vector_load %arg7[%swap3A_608, %swap3A_609] {strides = array<i32>} : memref<128x16xf32, #tpu.memory_space<vmem>>, vector<16xf32>,
    tpu.vector_store %arg7[%swap3A_608, %swap3A_609], %broadcast_in_dim3A_606 {strides = array<i32>} : memref<128x16xf32, #tpu.memory_space<vmem>>, vector<16xf32>,
    %broadcast_in_dim3A_611 = arith.constant 0.000000e+00 : f32
    %broadcast_in_dim3A_612 = vector.broadcast %broadcast_in_dim3A_611 : f32 to vector<16xf32>
    %swap3A_613 = arith.constant 102 : i32
    %swap3A_614 = arith.index_cast %swap3A_613 : i32 to index
    %swap3A_615 = arith.constant 0 : index
    %swap3A_616 = tpu.vector_load %arg7[%swap3A_614, %swap3A_615] {strides = array<i32>} : memref<128x16xf32, #tpu.memory_space<vmem>>, vector<16xf32>,
    tpu.vector_store %arg7[%swap3A_614, %swap3A_615], %broadcast_in_dim3A_612 {strides = array<i32>} : memref<128x16xf32, #tpu.memory_space<vmem>>, vector<16xf32>,
    %broadcast_in_dim3A_617 = arith.constant 0.000000e+00 : f32
    %broadcast_in_dim3A_618 = vector.broadcast %broadcast_in_dim3A_617 : f32 to vector<16xf32>
    %swap3A_619 = arith.constant 103 : i32
    %swap3A_620 = arith.index_cast %swap3A_619 : i32 to index
    %swap3A_621 = arith.constant 0 : index
    %swap3A_622 = tpu.vector_load %arg7[%swap3A_620, %swap3A_621] {strides = array<i32>} : memref<128x16xf32, #tpu.memory_space<vmem>>, vector<16xf32>,
    tpu.vector_store %arg7[%swap3A_620, %swap3A_621], %broadcast_in_dim3A_618 {strides = array<i32>} : memref<128x16xf32, #tpu.memory_space<vmem>>, vector<16xf32>,
    %broadcast_in_dim3A_623 = arith.constant 0.000000e+00 : f32
    %broadcast_in_dim3A_624 = vector.broadcast %broadcast_in_dim3A_623 : f32 to vector<16xf32>
    %swap3A_625 = arith.constant 104 : i32
    %swap3A_626 = arith.index_cast %swap3A_625 : i32 to index
    %swap3A_627 = arith.constant 0 : index
    %swap3A_628 = tpu.vector_load %arg7[%swap3A_626, %swap3A_627] {strides = array<i32>} : memref<128x16xf32, #tpu.memory_space<vmem>>, vector<16xf32>,
    tpu.vector_store %arg7[%swap3A_626, %swap3A_627], %broadcast_in_dim3A_624 {strides = array<i32>} : memref<128x16xf32, #tpu.memory_space<vmem>>, vector<16xf32>,
    %broadcast_in_dim3A_629 = arith.constant 0.000000e+00 : f32
    %broadcast_in_dim3A_630 = vector.broadcast %broadcast_in_dim3A_629 : f32 to vector<16xf32>
    %swap3A_631 = arith.constant 105 : i32
    %swap3A_632 = arith.index_cast %swap3A_631 : i32 to index
    %swap3A_633 = arith.constant 0 : index
    %swap3A_634 = tpu.vector_load %arg7[%swap3A_632, %swap3A_633] {strides = array<i32>} : memref<128x16xf32, #tpu.memory_space<vmem>>, vector<16xf32>,
    tpu.vector_store %arg7[%swap3A_632, %swap3A_633], %broadcast_in_dim3A_630 {strides = array<i32>} : memref<128x16xf32, #tpu.memory_space<vmem>>, vector<16xf32>,
    %broadcast_in_dim3A_635 = arith.constant 0.000000e+00 : f32
    %broadcast_in_dim3A_636 = vector.broadcast %broadcast_in_dim3A_635 : f32 to vector<16xf32>
    %swap3A_637 = arith.constant 106 : i32
    %swap3A_638 = arith.index_cast %swap3A_637 : i32 to index
    %swap3A_639 = arith.constant 0 : index
    %swap3A_640 = tpu.vector_load %arg7[%swap3A_638, %swap3A_639] {strides = array<i32>} : memref<128x16xf32, #tpu.memory_space<vmem>>, vector<16xf32>,
    tpu.vector_store %arg7[%swap3A_638, %swap3A_639], %broadcast_in_dim3A_636 {strides = array<i32>} : memref<128x16xf32, #tpu.memory_space<vmem>>, vector<16xf32>,
    %broadcast_in_dim3A_641 = arith.constant 0.000000e+00 : f32
    %broadcast_in_dim3A_642 = vector.broadcast %broadcast_in_dim3A_641 : f32 to vector<16xf32>
    %swap3A_643 = arith.constant 107 : i32
    %swap3A_644 = arith.index_cast %swap3A_643 : i32 to index
    %swap3A_645 = arith.constant 0 : index
    %swap3A_646 = tpu.vector_load %arg7[%swap3A_644, %swap3A_645] {strides = array<i32>} : memref<128x16xf32, #tpu.memory_space<vmem>>, vector<16xf32>,
    tpu.vector_store %arg7[%swap3A_644, %swap3A_645], %broadcast_in_dim3A_642 {strides = array<i32>} : memref<128x16xf32, #tpu.memory_space<vmem>>, vector<16xf32>,
    %broadcast_in_dim3A_647 = arith.constant 0.000000e+00 : f32
    %broadcast_in_dim3A_648 = vector.broadcast %broadcast_in_dim3A_647 : f32 to vector<16xf32>
    %swap3A_649 = arith.constant 108 : i32
    %swap3A_650 = arith.index_cast %swap3A_649 : i32 to index
    %swap3A_651 = arith.constant 0 : index
    %swap3A_652 = tpu.vector_load %arg7[%swap3A_650, %swap3A_651] {strides = array<i32>} : memref<128x16xf32, #tpu.memory_space<vmem>>, vector<16xf32>,
    tpu.vector_store %arg7[%swap3A_650, %swap3A_651], %broadcast_in_dim3A_648 {strides = array<i32>} : memref<128x16xf32, #tpu.memory_space<vmem>>, vector<16xf32>,
    %broadcast_in_dim3A_653 = arith.constant 0.000000e+00 : f32
    %broadcast_in_dim3A_654 = vector.broadcast %broadcast_in_dim3A_653 : f32 to vector<16xf32>
    %swap3A_655 = arith.constant 109 : i32
    %swap3A_656 = arith.index_cast %swap3A_655 : i32 to index
    %swap3A_657 = arith.constant 0 : index
    %swap3A_658 = tpu.vector_load %arg7[%swap3A_656, %swap3A_657] {strides = array<i32>} : memref<128x16xf32, #tpu.memory_space<vmem>>, vector<16xf32>,
    tpu.vector_store %arg7[%swap3A_656, %swap3A_657], %broadcast_in_dim3A_654 {strides = array<i32>} : memref<128x16xf32, #tpu.memory_space<vmem>>, vector<16xf32>,
    %broadcast_in_dim3A_659 = arith.constant 0.000000e+00 : f32
    %broadcast_in_dim3A_660 = vector.broadcast %broadcast_in_dim3A_659 : f32 to vector<16xf32>
    %swap3A_661 = arith.constant 110 : i32
    %swap3A_662 = arith.index_cast %swap3A_661 : i32 to index
    %swap3A_663 = arith.constant 0 : index
    %swap3A_664 = tpu.vector_load %arg7[%swap3A_662, %swap3A_663] {strides = array<i32>} : memref<128x16xf32, #tpu.memory_space<vmem>>, vector<16xf32>,
    tpu.vector_store %arg7[%swap3A_662, %swap3A_663], %broadcast_in_dim3A_660 {strides = array<i32>} : memref<128x16xf32, #tpu.memory_space<vmem>>, vector<16xf32>,
    %broadcast_in_dim3A_665 = arith.constant 0.000000e+00 : f32
    %broadcast_in_dim3A_666 = vector.broadcast %broadcast_in_dim3A_665 : f32 to vector<16xf32>
    %swap3A_667 = arith.constant 111 : i32
    %swap3A_668 = arith.index_cast %swap3A_667 : i32 to index
    %swap3A_669 = arith.constant 0 : index
    %swap3A_670 = tpu.vector_load %arg7[%swap3A_668, %swap3A_669] {strides = array<i32>} : memref<128x16xf32, #tpu.memory_space<vmem>>, vector<16xf32>,
    tpu.vector_store %arg7[%swap3A_668, %swap3A_669], %broadcast_in_dim3A_666 {strides = array<i32>} : memref<128x16xf32, #tpu.memory_space<vmem>>, vector<16xf32>,
    %broadcast_in_dim3A_671 = arith.constant 0.000000e+00 : f32
    %broadcast_in_dim3A_672 = vector.broadcast %broadcast_in_dim3A_671 : f32 to vector<16xf32>
    %swap3A_673 = arith.constant 112 : i32
    %swap3A_674 = arith.index_cast %swap3A_673 : i32 to index
    %swap3A_675 = arith.constant 0 : index
    %swap3A_676 = tpu.vector_load %arg7[%swap3A_674, %swap3A_675] {strides = array<i32>} : memref<128x16xf32, #tpu.memory_space<vmem>>, vector<16xf32>,
    tpu.vector_store %arg7[%swap3A_674, %swap3A_675], %broadcast_in_dim3A_672 {strides = array<i32>} : memref<128x16xf32, #tpu.memory_space<vmem>>, vector<16xf32>,
    %broadcast_in_dim3A_677 = arith.constant 0.000000e+00 : f32
    %broadcast_in_dim3A_678 = vector.broadcast %broadcast_in_dim3A_677 : f32 to vector<16xf32>
    %swap3A_679 = arith.constant 113 : i32
    %swap3A_680 = arith.index_cast %swap3A_679 : i32 to index
    %swap3A_681 = arith.constant 0 : index
    %swap3A_682 = tpu.vector_load %arg7[%swap3A_680, %swap3A_681] {strides = array<i32>} : memref<128x16xf32, #tpu.memory_space<vmem>>, vector<16xf32>,
    tpu.vector_store %arg7[%swap3A_680, %swap3A_681], %broadcast_in_dim3A_678 {strides = array<i32>} : memref<128x16xf32, #tpu.memory_space<vmem>>, vector<16xf32>,
    %broadcast_in_dim3A_683 = arith.constant 0.000000e+00 : f32
    %broadcast_in_dim3A_684 = vector.broadcast %broadcast_in_dim3A_683 : f32 to vector<16xf32>
    %swap3A_685 = arith.constant 114 : i32
    %swap3A_686 = arith.index_cast %swap3A_685 : i32 to index
    %swap3A_687 = arith.constant 0 : index
    %swap3A_688 = tpu.vector_load %arg7[%swap3A_686, %swap3A_687] {strides = array<i32>} : memref<128x16xf32, #tpu.memory_space<vmem>>, vector<16xf32>,
    tpu.vector_store %arg7[%swap3A_686, %swap3A_687], %broadcast_in_dim3A_684 {strides = array<i32>} : memref<128x16xf32, #tpu.memory_space<vmem>>, vector<16xf32>,
    %broadcast_in_dim3A_689 = arith.constant 0.000000e+00 : f32
    %broadcast_in_dim3A_690 = vector.broadcast %broadcast_in_dim3A_689 : f32 to vector<16xf32>
    %swap3A_691 = arith.constant 115 : i32
    %swap3A_692 = arith.index_cast %swap3A_691 : i32 to index
    %swap3A_693 = arith.constant 0 : index
    %swap3A_694 = tpu.vector_load %arg7[%swap3A_692, %swap3A_693] {strides = array<i32>} : memref<128x16xf32, #tpu.memory_space<vmem>>, vector<16xf32>,
    tpu.vector_store %arg7[%swap3A_692, %swap3A_693], %broadcast_in_dim3A_690 {strides = array<i32>} : memref<128x16xf32, #tpu.memory_space<vmem>>, vector<16xf32>,
    %broadcast_in_dim3A_695 = arith.constant 0.000000e+00 : f32
    %broadcast_in_dim3A_696 = vector.broadcast %broadcast_in_dim3A_695 : f32 to vector<16xf32>
    %swap3A_697 = arith.constant 116 : i32
    %swap3A_698 = arith.index_cast %swap3A_697 : i32 to index
    %swap3A_699 = arith.constant 0 : index
    %swap3A_700 = tpu.vector_load %arg7[%swap3A_698, %swap3A_699] {strides = array<i32>} : memref<128x16xf32, #tpu.memory_space<vmem>>, vector<16xf32>,
    tpu.vector_store %arg7[%swap3A_698, %swap3A_699], %broadcast_in_dim3A_696 {strides = array<i32>} : memref<128x16xf32, #tpu.memory_space<vmem>>, vector<16xf32>,
    %broadcast_in_dim3A_701 = arith.constant 0.000000e+00 : f32
    %broadcast_in_dim3A_702 = vector.broadcast %broadcast_in_dim3A_701 : f32 to vector<16xf32>
    %swap3A_703 = arith.constant 117 : i32
    %swap3A_704 = arith.index_cast %swap3A_703 : i32 to index
    %swap3A_705 = arith.constant 0 : index
    %swap3A_706 = tpu.vector_load %arg7[%swap3A_704, %swap3A_705] {strides = array<i32>} : memref<128x16xf32, #tpu.memory_space<vmem>>, vector<16xf32>,
    tpu.vector_store %arg7[%swap3A_704, %swap3A_705], %broadcast_in_dim3A_702 {strides = array<i32>} : memref<128x16xf32, #tpu.memory_space<vmem>>, vector<16xf32>,
    %broadcast_in_dim3A_707 = arith.constant 0.000000e+00 : f32
    %broadcast_in_dim3A_708 = vector.broadcast %broadcast_in_dim3A_707 : f32 to vector<16xf32>
    %swap3A_709 = arith.constant 118 : i32
    %swap3A_710 = arith.index_cast %swap3A_709 : i32 to index
    %swap3A_711 = arith.constant 0 : index
    %swap3A_712 = tpu.vector_load %arg7[%swap3A_710, %swap3A_711] {strides = array<i32>} : memref<128x16xf32, #tpu.memory_space<vmem>>, vector<16xf32>,
    tpu.vector_store %arg7[%swap3A_710, %swap3A_711], %broadcast_in_dim3A_708 {strides = array<i32>} : memref<128x16xf32, #tpu.memory_space<vmem>>, vector<16xf32>,
    %broadcast_in_dim3A_713 = arith.constant 0.000000e+00 : f32
    %broadcast_in_dim3A_714 = vector.broadcast %broadcast_in_dim3A_713 : f32 to vector<16xf32>
    %swap3A_715 = arith.constant 119 : i32
    %swap3A_716 = arith.index_cast %swap3A_715 : i32 to index
    %swap3A_717 = arith.constant 0 : index
    %swap3A_718 = tpu.vector_load %arg7[%swap3A_716, %swap3A_717] {strides = array<i32>} : memref<128x16xf32, #tpu.memory_space<vmem>>, vector<16xf32>,
    tpu.vector_store %arg7[%swap3A_716, %swap3A_717], %broadcast_in_dim3A_714 {strides = array<i32>} : memref<128x16xf32, #tpu.memory_space<vmem>>, vector<16xf32>,
    %broadcast_in_dim3A_719 = arith.constant 0.000000e+00 : f32
    %broadcast_in_dim3A_720 = vector.broadcast %broadcast_in_dim3A_719 : f32 to vector<16xf32>
    %swap3A_721 = arith.constant 120 : i32
    %swap3A_722 = arith.index_cast %swap3A_721 : i32 to index
    %swap3A_723 = arith.constant 0 : index
    %swap3A_724 = tpu.vector_load %arg7[%swap3A_722, %swap3A_723] {strides = array<i32>} : memref<128x16xf32, #tpu.memory_space<vmem>>, vector<16xf32>,
    tpu.vector_store %arg7[%swap3A_722, %swap3A_723], %broadcast_in_dim3A_720 {strides = array<i32>} : memref<128x16xf32, #tpu.memory_space<vmem>>, vector<16xf32>,
    %broadcast_in_dim3A_725 = arith.constant 0.000000e+00 : f32
    %broadcast_in_dim3A_726 = vector.broadcast %broadcast_in_dim3A_725 : f32 to vector<16xf32>
    %swap3A_727 = arith.constant 121 : i32
    %swap3A_728 = arith.index_cast %swap3A_727 : i32 to index
    %swap3A_729 = arith.constant 0 : index
    %swap3A_730 = tpu.vector_load %arg7[%swap3A_728, %swap3A_729] {strides = array<i32>} : memref<128x16xf32, #tpu.memory_space<vmem>>, vector<16xf32>,
    tpu.vector_store %arg7[%swap3A_728, %swap3A_729], %broadcast_in_dim3A_726 {strides = array<i32>} : memref<128x16xf32, #tpu.memory_space<vmem>>, vector<16xf32>,
    %broadcast_in_dim3A_731 = arith.constant 0.000000e+00 : f32
    %broadcast_in_dim3A_732 = vector.broadcast %broadcast_in_dim3A_731 : f32 to vector<16xf32>
    %swap3A_733 = arith.constant 122 : i32
    %swap3A_734 = arith.index_cast %swap3A_733 : i32 to index
    %swap3A_735 = arith.constant 0 : index
    %swap3A_736 = tpu.vector_load %arg7[%swap3A_734, %swap3A_735] {strides = array<i32>} : memref<128x16xf32, #tpu.memory_space<vmem>>, vector<16xf32>,
    tpu.vector_store %arg7[%swap3A_734, %swap3A_735], %broadcast_in_dim3A_732 {strides = array<i32>} : memref<128x16xf32, #tpu.memory_space<vmem>>, vector<16xf32>,
    %broadcast_in_dim3A_737 = arith.constant 0.000000e+00 : f32
    %broadcast_in_dim3A_738 = vector.broadcast %broadcast_in_dim3A_737 : f32 to vector<16xf32>
    %swap3A_739 = arith.constant 123 : i32
    %swap3A_740 = arith.index_cast %swap3A_739 : i32 to index
    %swap3A_741 = arith.constant 0 : index
    %swap3A_742 = tpu.vector_load %arg7[%swap3A_740, %swap3A_741] {strides = array<i32>} : memref<128x16xf32, #tpu.memory_space<vmem>>, vector<16xf32>,
    tpu.vector_store %arg7[%swap3A_740, %swap3A_741], %broadcast_in_dim3A_738 {strides = array<i32>} : memref<128x16xf32, #tpu.memory_space<vmem>>, vector<16xf32>,
    %broadcast_in_dim3A_743 = arith.constant 0.000000e+00 : f32
    %broadcast_in_dim3A_744 = vector.broadcast %broadcast_in_dim3A_743 : f32 to vector<16xf32>
    %swap3A_745 = arith.constant 124 : i32
    %swap3A_746 = arith.index_cast %swap3A_745 : i32 to index
    %swap3A_747 = arith.constant 0 : index
    %swap3A_748 = tpu.vector_load %arg7[%swap3A_746, %swap3A_747] {strides = array<i32>} : memref<128x16xf32, #tpu.memory_space<vmem>>, vector<16xf32>,
    tpu.vector_store %arg7[%swap3A_746, %swap3A_747], %broadcast_in_dim3A_744 {strides = array<i32>} : memref<128x16xf32, #tpu.memory_space<vmem>>, vector<16xf32>,
    %broadcast_in_dim3A_749 = arith.constant 0.000000e+00 : f32
    %broadcast_in_dim3A_750 = vector.broadcast %broadcast_in_dim3A_749 : f32 to vector<16xf32>
    %swap3A_751 = arith.constant 125 : i32
    %swap3A_752 = arith.index_cast %swap3A_751 : i32 to index
    %swap3A_753 = arith.constant 0 : index
    %swap3A_754 = tpu.vector_load %arg7[%swap3A_752, %swap3A_753] {strides = array<i32>} : memref<128x16xf32, #tpu.memory_space<vmem>>, vector<16xf32>,
    tpu.vector_store %arg7[%swap3A_752, %swap3A_753], %broadcast_in_dim3A_750 {strides = array<i32>} : memref<128x16xf32, #tpu.memory_space<vmem>>, vector<16xf32>,
    %broadcast_in_dim3A_755 = arith.constant 0.000000e+00 : f32
    %broadcast_in_dim3A_756 = vector.broadcast %broadcast_in_dim3A_755 : f32 to vector<16xf32>
    %swap3A_757 = arith.constant 126 : i32
    %swap3A_758 = arith.index_cast %swap3A_757 : i32 to index
    %swap3A_759 = arith.constant 0 : index
    %swap3A_760 = tpu.vector_load %arg7[%swap3A_758, %swap3A_759] {strides = array<i32>} : memref<128x16xf32, #tpu.memory_space<vmem>>, vector<16xf32>,
    tpu.vector_store %arg7[%swap3A_758, %swap3A_759], %broadcast_in_dim3A_756 {strides = array<i32>} : memref<128x16xf32, #tpu.memory_space<vmem>>, vector<16xf32>,
    %broadcast_in_dim3A_761 = arith.constant 0.000000e+00 : f32
    %broadcast_in_dim3A_762 = vector.broadcast %broadcast_in_dim3A_761 : f32 to vector<16xf32>
    %swap3A_763 = arith.constant 127 : i32
    %swap3A_764 = arith.index_cast %swap3A_763 : i32 to index
    %swap3A_765 = arith.constant 0 : index
    %swap3A_766 = tpu.vector_load %arg7[%swap3A_764, %swap3A_765] {strides = array<i32>} : memref<128x16xf32, #tpu.memory_space<vmem>>, vector<16xf32>,
    tpu.vector_store %arg7[%swap3A_764, %swap3A_765], %broadcast_in_dim3A_762 {strides = array<i32>} : memref<128x16xf32, #tpu.memory_space<vmem>>, vector<16xf32>,
    %add3A_767 = arith.constant 0 : i32
    %add3A_768 = arith.addi %add3A, %add3A_767 : i32
    %lt3A = arith.constant 125 : i32
    %lt3A_769 = arith.cmpi slt, %add3A_768, %lt3A : i32
    %convert_element_type3A = arith.extui %lt3A_769 : i1 to i32
    %cond3A = arith.constant 0 : i32
    %cond3A_770 = arith.cmpi ne, %convert_element_type3A, %cond3A : i32
    scf.if %cond3A_770 {
      %mul3A_792 = arith.constant 800 : i32
      %mul3A_793 = arith.muli %add3A_768, %mul3A_792 : i32
      "tpu.region"() ({
        %run_scoped3A = tpu.sem_alloc : memref<!tpu.dma_semaphore, #tpu.memory_space<semaphore_mem>>
        %dma_start3A = tpu.memref_slice %arg2[%mul3A_793] : memref<100000xi32, #tpu.memory_space<hbm>> -> memref<800xi32, #tpu.memory_space<hbm>>
        %dma_start3A_993 = tpu.memref_slice %arg2[%mul3A_793] : memref<100000xi32, #tpu.memory_space<hbm>> -> memref<800xi32, #tpu.memory_space<hbm>>
        tpu.enqueue_dma source(%dma_start3A_993 : memref<800xi32, #tpu.memory_space<hbm>>) target(%arg5 : memref<800xi32, #tpu.memory_space<vmem>>) target_semaphore(%run_scoped3A : memref<!tpu.dma_semaphore, #tpu.memory_space<semaphore_mem>>)
        %dma_wait3A = tpu.memref_slice %arg2[%mul3A_793] : memref<100000xi32, #tpu.memory_space<hbm>> -> memref<800xi32, #tpu.memory_space<hbm>>
        %dma_wait3A_994 = tpu.memref_slice %arg2[%mul3A_793] : memref<100000xi32, #tpu.memory_space<hbm>> -> memref<800xi32, #tpu.memory_space<hbm>>
        tpu.wait_dma2 semaphore(%run_scoped3A : memref<!tpu.dma_semaphore, #tpu.memory_space<semaphore_mem>>) src(%dma_wait3A_994 : memref<800xi32, #tpu.memory_space<hbm>>) dst(%arg5 : memref<800xi32, #tpu.memory_space<vmem>>)
        tpu.yield
      }) : () -> ()
      "tpu.region"() ({
        %run_scoped3A = tpu.sem_alloc : memref<!tpu.dma_semaphore, #tpu.memory_space<semaphore_mem>>
        %dma_start3A = tpu.memref_slice %arg3[%mul3A_793] : memref<100000xf32, #tpu.memory_space<hbm>> -> memref<800xf32, #tpu.memory_space<hbm>>
        %dma_start3A_993 = tpu.memref_slice %arg3[%mul3A_793] : memref<100000xf32, #tpu.memory_space<hbm>> -> memref<800xf32, #tpu.memory_space<hbm>>
        tpu.enqueue_dma source(%dma_start3A_993 : memref<800xf32, #tpu.memory_space<hbm>>) target(%arg6 : memref<800xf32, #tpu.memory_space<vmem>>) target_semaphore(%run_scoped3A : memref<!tpu.dma_semaphore, #tpu.memory_space<semaphore_mem>>)
        %dma_wait3A = tpu.memref_slice %arg3[%mul3A_793] : memref<100000xf32, #tpu.memory_space<hbm>> -> memref<800xf32, #tpu.memory_space<hbm>>
        %dma_wait3A_994 = tpu.memref_slice %arg3[%mul3A_793] : memref<100000xf32, #tpu.memory_space<hbm>> -> memref<800xf32, #tpu.memory_space<hbm>>
        tpu.wait_dma2 semaphore(%run_scoped3A : memref<!tpu.dma_semaphore, #tpu.memory_space<semaphore_mem>>) src(%dma_wait3A_994 : memref<800xf32, #tpu.memory_space<hbm>>) dst(%arg6 : memref<800xf32, #tpu.memory_space<vmem>>)
        tpu.yield
      }) : () -> ()
      %get3A = arith.constant 0 : index
      %get3A_794 = tpu.vector_load %arg5[%get3A] {strides = array<i32>} : memref<800xi32, #tpu.memory_space<vmem>>, vector<16xi32>,
      %get3A_795 = arith.constant 0 : index
      %get3A_796 = tpu.vector_load %arg6[%get3A_795] {strides = array<i32>} : memref<800xf32, #tpu.memory_space<vmem>>, vector<16xf32>,
      tpu.vector_store_idx %arg7[%get3A_794, %iota3A], %get3A_796 {add = true} : memref<128x16xf32, #tpu.memory_space<vmem>>[vector<16xi32>, vector<16xi32>], vector<16xf32>,
      %get3A_797 = arith.constant 16 : index
      %get3A_798 = tpu.vector_load %arg5[%get3A_797] {strides = array<i32>} : memref<800xi32, #tpu.memory_space<vmem>>, vector<16xi32>,
      %get3A_799 = arith.constant 16 : index
      %get3A_800 = tpu.vector_load %arg6[%get3A_799] {strides = array<i32>} : memref<800xf32, #tpu.memory_space<vmem>>, vector<16xf32>,
      tpu.vector_store_idx %arg7[%get3A_798, %iota3A], %get3A_800 {add = true} : memref<128x16xf32, #tpu.memory_space<vmem>>[vector<16xi32>, vector<16xi32>], vector<16xf32>,
      %get3A_801 = arith.constant 32 : index
      %get3A_802 = tpu.vector_load %arg5[%get3A_801] {strides = array<i32>} : memref<800xi32, #tpu.memory_space<vmem>>, vector<16xi32>,
      %get3A_803 = arith.constant 32 : index
      %get3A_804 = tpu.vector_load %arg6[%get3A_803] {strides = array<i32>} : memref<800xf32, #tpu.memory_space<vmem>>, vector<16xf32>,
      tpu.vector_store_idx %arg7[%get3A_802, %iota3A], %get3A_804 {add = true} : memref<128x16xf32, #tpu.memory_space<vmem>>[vector<16xi32>, vector<16xi32>], vector<16xf32>,
      %get3A_805 = arith.constant 48 : index
      %get3A_806 = tpu.vector_load %arg5[%get3A_805] {strides = array<i32>} : memref<800xi32, #tpu.memory_space<vmem>>, vector<16xi32>,
      %get3A_807 = arith.constant 48 : index
      %get3A_808 = tpu.vector_load %arg6[%get3A_807] {strides = array<i32>} : memref<800xf32, #tpu.memory_space<vmem>>, vector<16xf32>,
      tpu.vector_store_idx %arg7[%get3A_806, %iota3A], %get3A_808 {add = true} : memref<128x16xf32, #tpu.memory_space<vmem>>[vector<16xi32>, vector<16xi32>], vector<16xf32>,
      %get3A_809 = arith.constant 64 : index
      %get3A_810 = tpu.vector_load %arg5[%get3A_809] {strides = array<i32>} : memref<800xi32, #tpu.memory_space<vmem>>, vector<16xi32>,
      %get3A_811 = arith.constant 64 : index
      %get3A_812 = tpu.vector_load %arg6[%get3A_811] {strides = array<i32>} : memref<800xf32, #tpu.memory_space<vmem>>, vector<16xf32>,
      tpu.vector_store_idx %arg7[%get3A_810, %iota3A], %get3A_812 {add = true} : memref<128x16xf32, #tpu.memory_space<vmem>>[vector<16xi32>, vector<16xi32>], vector<16xf32>,
      %get3A_813 = arith.constant 80 : index
      %get3A_814 = tpu.vector_load %arg5[%get3A_813] {strides = array<i32>} : memref<800xi32, #tpu.memory_space<vmem>>, vector<16xi32>,
      %get3A_815 = arith.constant 80 : index
      %get3A_816 = tpu.vector_load %arg6[%get3A_815] {strides = array<i32>} : memref<800xf32, #tpu.memory_space<vmem>>, vector<16xf32>,
      tpu.vector_store_idx %arg7[%get3A_814, %iota3A], %get3A_816 {add = true} : memref<128x16xf32, #tpu.memory_space<vmem>>[vector<16xi32>, vector<16xi32>], vector<16xf32>,
      %get3A_817 = arith.constant 96 : index
      %get3A_818 = tpu.vector_load %arg5[%get3A_817] {strides = array<i32>} : memref<800xi32, #tpu.memory_space<vmem>>, vector<16xi32>,
      %get3A_819 = arith.constant 96 : index
      %get3A_820 = tpu.vector_load %arg6[%get3A_819] {strides = array<i32>} : memref<800xf32, #tpu.memory_space<vmem>>, vector<16xf32>,
      tpu.vector_store_idx %arg7[%get3A_818, %iota3A], %get3A_820 {add = true} : memref<128x16xf32, #tpu.memory_space<vmem>>[vector<16xi32>, vector<16xi32>], vector<16xf32>,
      %get3A_821 = arith.constant 112 : index
      %get3A_822 = tpu.vector_load %arg5[%get3A_821] {strides = array<i32>} : memref<800xi32, #tpu.memory_space<vmem>>, vector<16xi32>,
      %get3A_823 = arith.constant 112 : index
      %get3A_824 = tpu.vector_load %arg6[%get3A_823] {strides = array<i32>} : memref<800xf32, #tpu.memory_space<vmem>>, vector<16xf32>,
      tpu.vector_store_idx %arg7[%get3A_822, %iota3A], %get3A_824 {add = true} : memref<128x16xf32, #tpu.memory_space<vmem>>[vector<16xi32>, vector<16xi32>], vector<16xf32>,
      %get3A_825 = arith.constant 128 : index
      %get3A_826 = tpu.vector_load %arg5[%get3A_825] {strides = array<i32>} : memref<800xi32, #tpu.memory_space<vmem>>, vector<16xi32>,
      %get3A_827 = arith.constant 128 : index
      %get3A_828 = tpu.vector_load %arg6[%get3A_827] {strides = array<i32>} : memref<800xf32, #tpu.memory_space<vmem>>, vector<16xf32>,
      tpu.vector_store_idx %arg7[%get3A_826, %iota3A], %get3A_828 {add = true} : memref<128x16xf32, #tpu.memory_space<vmem>>[vector<16xi32>, vector<16xi32>], vector<16xf32>,
      %get3A_829 = arith.constant 144 : index
      %get3A_830 = tpu.vector_load %arg5[%get3A_829] {strides = array<i32>} : memref<800xi32, #tpu.memory_space<vmem>>, vector<16xi32>,
      %get3A_831 = arith.constant 144 : index
      %get3A_832 = tpu.vector_load %arg6[%get3A_831] {strides = array<i32>} : memref<800xf32, #tpu.memory_space<vmem>>, vector<16xf32>,
      tpu.vector_store_idx %arg7[%get3A_830, %iota3A], %get3A_832 {add = true} : memref<128x16xf32, #tpu.memory_space<vmem>>[vector<16xi32>, vector<16xi32>], vector<16xf32>,
      %get3A_833 = arith.constant 160 : index
      %get3A_834 = tpu.vector_load %arg5[%get3A_833] {strides = array<i32>} : memref<800xi32, #tpu.memory_space<vmem>>, vector<16xi32>,
      %get3A_835 = arith.constant 160 : index
      %get3A_836 = tpu.vector_load %arg6[%get3A_835] {strides = array<i32>} : memref<800xf32, #tpu.memory_space<vmem>>, vector<16xf32>,
      tpu.vector_store_idx %arg7[%get3A_834, %iota3A], %get3A_836 {add = true} : memref<128x16xf32, #tpu.memory_space<vmem>>[vector<16xi32>, vector<16xi32>], vector<16xf32>,
      %get3A_837 = arith.constant 176 : index
      %get3A_838 = tpu.vector_load %arg5[%get3A_837] {strides = array<i32>} : memref<800xi32, #tpu.memory_space<vmem>>, vector<16xi32>,
      %get3A_839 = arith.constant 176 : index
      %get3A_840 = tpu.vector_load %arg6[%get3A_839] {strides = array<i32>} : memref<800xf32, #tpu.memory_space<vmem>>, vector<16xf32>,
      tpu.vector_store_idx %arg7[%get3A_838, %iota3A], %get3A_840 {add = true} : memref<128x16xf32, #tpu.memory_space<vmem>>[vector<16xi32>, vector<16xi32>], vector<16xf32>,
      %get3A_841 = arith.constant 192 : index
      %get3A_842 = tpu.vector_load %arg5[%get3A_841] {strides = array<i32>} : memref<800xi32, #tpu.memory_space<vmem>>, vector<16xi32>,
      %get3A_843 = arith.constant 192 : index
      %get3A_844 = tpu.vector_load %arg6[%get3A_843] {strides = array<i32>} : memref<800xf32, #tpu.memory_space<vmem>>, vector<16xf32>,
      tpu.vector_store_idx %arg7[%get3A_842, %iota3A], %get3A_844 {add = true} : memref<128x16xf32, #tpu.memory_space<vmem>>[vector<16xi32>, vector<16xi32>], vector<16xf32>,
      %get3A_845 = arith.constant 208 : index
      %get3A_846 = tpu.vector_load %arg5[%get3A_845] {strides = array<i32>} : memref<800xi32, #tpu.memory_space<vmem>>, vector<16xi32>,
      %get3A_847 = arith.constant 208 : index
      %get3A_848 = tpu.vector_load %arg6[%get3A_847] {strides = array<i32>} : memref<800xf32, #tpu.memory_space<vmem>>, vector<16xf32>,
      tpu.vector_store_idx %arg7[%get3A_846, %iota3A], %get3A_848 {add = true} : memref<128x16xf32, #tpu.memory_space<vmem>>[vector<16xi32>, vector<16xi32>], vector<16xf32>,
      %get3A_849 = arith.constant 224 : index
      %get3A_850 = tpu.vector_load %arg5[%get3A_849] {strides = array<i32>} : memref<800xi32, #tpu.memory_space<vmem>>, vector<16xi32>,
      %get3A_851 = arith.constant 224 : index
      %get3A_852 = tpu.vector_load %arg6[%get3A_851] {strides = array<i32>} : memref<800xf32, #tpu.memory_space<vmem>>, vector<16xf32>,
      tpu.vector_store_idx %arg7[%get3A_850, %iota3A], %get3A_852 {add = true} : memref<128x16xf32, #tpu.memory_space<vmem>>[vector<16xi32>, vector<16xi32>], vector<16xf32>,
      %get3A_853 = arith.constant 240 : index
      %get3A_854 = tpu.vector_load %arg5[%get3A_853] {strides = array<i32>} : memref<800xi32, #tpu.memory_space<vmem>>, vector<16xi32>,
      %get3A_855 = arith.constant 240 : index
      %get3A_856 = tpu.vector_load %arg6[%get3A_855] {strides = array<i32>} : memref<800xf32, #tpu.memory_space<vmem>>, vector<16xf32>,
      tpu.vector_store_idx %arg7[%get3A_854, %iota3A], %get3A_856 {add = true} : memref<128x16xf32, #tpu.memory_space<vmem>>[vector<16xi32>, vector<16xi32>], vector<16xf32>,
      %get3A_857 = arith.constant 256 : index
      %get3A_858 = tpu.vector_load %arg5[%get3A_857] {strides = array<i32>} : memref<800xi32, #tpu.memory_space<vmem>>, vector<16xi32>,
      %get3A_859 = arith.constant 256 : index
      %get3A_860 = tpu.vector_load %arg6[%get3A_859] {strides = array<i32>} : memref<800xf32, #tpu.memory_space<vmem>>, vector<16xf32>,
      tpu.vector_store_idx %arg7[%get3A_858, %iota3A], %get3A_860 {add = true} : memref<128x16xf32, #tpu.memory_space<vmem>>[vector<16xi32>, vector<16xi32>], vector<16xf32>,
      %get3A_861 = arith.constant 272 : index
      %get3A_862 = tpu.vector_load %arg5[%get3A_861] {strides = array<i32>} : memref<800xi32, #tpu.memory_space<vmem>>, vector<16xi32>,
      %get3A_863 = arith.constant 272 : index
      %get3A_864 = tpu.vector_load %arg6[%get3A_863] {strides = array<i32>} : memref<800xf32, #tpu.memory_space<vmem>>, vector<16xf32>,
      tpu.vector_store_idx %arg7[%get3A_862, %iota3A], %get3A_864 {add = true} : memref<128x16xf32, #tpu.memory_space<vmem>>[vector<16xi32>, vector<16xi32>], vector<16xf32>,
      %get3A_865 = arith.constant 288 : index
      %get3A_866 = tpu.vector_load %arg5[%get3A_865] {strides = array<i32>} : memref<800xi32, #tpu.memory_space<vmem>>, vector<16xi32>,
      %get3A_867 = arith.constant 288 : index
      %get3A_868 = tpu.vector_load %arg6[%get3A_867] {strides = array<i32>} : memref<800xf32, #tpu.memory_space<vmem>>, vector<16xf32>,
      tpu.vector_store_idx %arg7[%get3A_866, %iota3A], %get3A_868 {add = true} : memref<128x16xf32, #tpu.memory_space<vmem>>[vector<16xi32>, vector<16xi32>], vector<16xf32>,
      %get3A_869 = arith.constant 304 : index
      %get3A_870 = tpu.vector_load %arg5[%get3A_869] {strides = array<i32>} : memref<800xi32, #tpu.memory_space<vmem>>, vector<16xi32>,
      %get3A_871 = arith.constant 304 : index
      %get3A_872 = tpu.vector_load %arg6[%get3A_871] {strides = array<i32>} : memref<800xf32, #tpu.memory_space<vmem>>, vector<16xf32>,
      tpu.vector_store_idx %arg7[%get3A_870, %iota3A], %get3A_872 {add = true} : memref<128x16xf32, #tpu.memory_space<vmem>>[vector<16xi32>, vector<16xi32>], vector<16xf32>,
      %get3A_873 = arith.constant 320 : index
      %get3A_874 = tpu.vector_load %arg5[%get3A_873] {strides = array<i32>} : memref<800xi32, #tpu.memory_space<vmem>>, vector<16xi32>,
      %get3A_875 = arith.constant 320 : index
      %get3A_876 = tpu.vector_load %arg6[%get3A_875] {strides = array<i32>} : memref<800xf32, #tpu.memory_space<vmem>>, vector<16xf32>,
      tpu.vector_store_idx %arg7[%get3A_874, %iota3A], %get3A_876 {add = true} : memref<128x16xf32, #tpu.memory_space<vmem>>[vector<16xi32>, vector<16xi32>], vector<16xf32>,
      %get3A_877 = arith.constant 336 : index
      %get3A_878 = tpu.vector_load %arg5[%get3A_877] {strides = array<i32>} : memref<800xi32, #tpu.memory_space<vmem>>, vector<16xi32>,
      %get3A_879 = arith.constant 336 : index
      %get3A_880 = tpu.vector_load %arg6[%get3A_879] {strides = array<i32>} : memref<800xf32, #tpu.memory_space<vmem>>, vector<16xf32>,
      tpu.vector_store_idx %arg7[%get3A_878, %iota3A], %get3A_880 {add = true} : memref<128x16xf32, #tpu.memory_space<vmem>>[vector<16xi32>, vector<16xi32>], vector<16xf32>,
      %get3A_881 = arith.constant 352 : index
      %get3A_882 = tpu.vector_load %arg5[%get3A_881] {strides = array<i32>} : memref<800xi32, #tpu.memory_space<vmem>>, vector<16xi32>,
      %get3A_883 = arith.constant 352 : index
      %get3A_884 = tpu.vector_load %arg6[%get3A_883] {strides = array<i32>} : memref<800xf32, #tpu.memory_space<vmem>>, vector<16xf32>,
      tpu.vector_store_idx %arg7[%get3A_882, %iota3A], %get3A_884 {add = true} : memref<128x16xf32, #tpu.memory_space<vmem>>[vector<16xi32>, vector<16xi32>], vector<16xf32>,
      %get3A_885 = arith.constant 368 : index
      %get3A_886 = tpu.vector_load %arg5[%get3A_885] {strides = array<i32>} : memref<800xi32, #tpu.memory_space<vmem>>, vector<16xi32>,
      %get3A_887 = arith.constant 368 : index
      %get3A_888 = tpu.vector_load %arg6[%get3A_887] {strides = array<i32>} : memref<800xf32, #tpu.memory_space<vmem>>, vector<16xf32>,
      tpu.vector_store_idx %arg7[%get3A_886, %iota3A], %get3A_888 {add = true} : memref<128x16xf32, #tpu.memory_space<vmem>>[vector<16xi32>, vector<16xi32>], vector<16xf32>,
      %get3A_889 = arith.constant 384 : index
      %get3A_890 = tpu.vector_load %arg5[%get3A_889] {strides = array<i32>} : memref<800xi32, #tpu.memory_space<vmem>>, vector<16xi32>,
      %get3A_891 = arith.constant 384 : index
      %get3A_892 = tpu.vector_load %arg6[%get3A_891] {strides = array<i32>} : memref<800xf32, #tpu.memory_space<vmem>>, vector<16xf32>,
      tpu.vector_store_idx %arg7[%get3A_890, %iota3A], %get3A_892 {add = true} : memref<128x16xf32, #tpu.memory_space<vmem>>[vector<16xi32>, vector<16xi32>], vector<16xf32>,
      %get3A_893 = arith.constant 400 : index
      %get3A_894 = tpu.vector_load %arg5[%get3A_893] {strides = array<i32>} : memref<800xi32, #tpu.memory_space<vmem>>, vector<16xi32>,
      %get3A_895 = arith.constant 400 : index
      %get3A_896 = tpu.vector_load %arg6[%get3A_895] {strides = array<i32>} : memref<800xf32, #tpu.memory_space<vmem>>, vector<16xf32>,
      tpu.vector_store_idx %arg7[%get3A_894, %iota3A], %get3A_896 {add = true} : memref<128x16xf32, #tpu.memory_space<vmem>>[vector<16xi32>, vector<16xi32>], vector<16xf32>,
      %get3A_897 = arith.constant 416 : index
      %get3A_898 = tpu.vector_load %arg5[%get3A_897] {strides = array<i32>} : memref<800xi32, #tpu.memory_space<vmem>>, vector<16xi32>,
      %get3A_899 = arith.constant 416 : index
      %get3A_900 = tpu.vector_load %arg6[%get3A_899] {strides = array<i32>} : memref<800xf32, #tpu.memory_space<vmem>>, vector<16xf32>,
      tpu.vector_store_idx %arg7[%get3A_898, %iota3A], %get3A_900 {add = true} : memref<128x16xf32, #tpu.memory_space<vmem>>[vector<16xi32>, vector<16xi32>], vector<16xf32>,
      %get3A_901 = arith.constant 432 : index
      %get3A_902 = tpu.vector_load %arg5[%get3A_901] {strides = array<i32>} : memref<800xi32, #tpu.memory_space<vmem>>, vector<16xi32>,
      %get3A_903 = arith.constant 432 : index
      %get3A_904 = tpu.vector_load %arg6[%get3A_903] {strides = array<i32>} : memref<800xf32, #tpu.memory_space<vmem>>, vector<16xf32>,
      tpu.vector_store_idx %arg7[%get3A_902, %iota3A], %get3A_904 {add = true} : memref<128x16xf32, #tpu.memory_space<vmem>>[vector<16xi32>, vector<16xi32>], vector<16xf32>,
      %get3A_905 = arith.constant 448 : index
      %get3A_906 = tpu.vector_load %arg5[%get3A_905] {strides = array<i32>} : memref<800xi32, #tpu.memory_space<vmem>>, vector<16xi32>,
      %get3A_907 = arith.constant 448 : index
      %get3A_908 = tpu.vector_load %arg6[%get3A_907] {strides = array<i32>} : memref<800xf32, #tpu.memory_space<vmem>>, vector<16xf32>,
      tpu.vector_store_idx %arg7[%get3A_906, %iota3A], %get3A_908 {add = true} : memref<128x16xf32, #tpu.memory_space<vmem>>[vector<16xi32>, vector<16xi32>], vector<16xf32>,
      %get3A_909 = arith.constant 464 : index
      %get3A_910 = tpu.vector_load %arg5[%get3A_909] {strides = array<i32>} : memref<800xi32, #tpu.memory_space<vmem>>, vector<16xi32>,
      %get3A_911 = arith.constant 464 : index
      %get3A_912 = tpu.vector_load %arg6[%get3A_911] {strides = array<i32>} : memref<800xf32, #tpu.memory_space<vmem>>, vector<16xf32>,
      tpu.vector_store_idx %arg7[%get3A_910, %iota3A], %get3A_912 {add = true} : memref<128x16xf32, #tpu.memory_space<vmem>>[vector<16xi32>, vector<16xi32>], vector<16xf32>,
      %get3A_913 = arith.constant 480 : index
      %get3A_914 = tpu.vector_load %arg5[%get3A_913] {strides = array<i32>} : memref<800xi32, #tpu.memory_space<vmem>>, vector<16xi32>,
      %get3A_915 = arith.constant 480 : index
      %get3A_916 = tpu.vector_load %arg6[%get3A_915] {strides = array<i32>} : memref<800xf32, #tpu.memory_space<vmem>>, vector<16xf32>,
      tpu.vector_store_idx %arg7[%get3A_914, %iota3A], %get3A_916 {add = true} : memref<128x16xf32, #tpu.memory_space<vmem>>[vector<16xi32>, vector<16xi32>], vector<16xf32>,
      %get3A_917 = arith.constant 496 : index
      %get3A_918 = tpu.vector_load %arg5[%get3A_917] {strides = array<i32>} : memref<800xi32, #tpu.memory_space<vmem>>, vector<16xi32>,
      %get3A_919 = arith.constant 496 : index
      %get3A_920 = tpu.vector_load %arg6[%get3A_919] {strides = array<i32>} : memref<800xf32, #tpu.memory_space<vmem>>, vector<16xf32>,
      tpu.vector_store_idx %arg7[%get3A_918, %iota3A], %get3A_920 {add = true} : memref<128x16xf32, #tpu.memory_space<vmem>>[vector<16xi32>, vector<16xi32>], vector<16xf32>,
      %get3A_921 = arith.constant 512 : index
      %get3A_922 = tpu.vector_load %arg5[%get3A_921] {strides = array<i32>} : memref<800xi32, #tpu.memory_space<vmem>>, vector<16xi32>,
      %get3A_923 = arith.constant 512 : index
      %get3A_924 = tpu.vector_load %arg6[%get3A_923] {strides = array<i32>} : memref<800xf32, #tpu.memory_space<vmem>>, vector<16xf32>,
      tpu.vector_store_idx %arg7[%get3A_922, %iota3A], %get3A_924 {add = true} : memref<128x16xf32, #tpu.memory_space<vmem>>[vector<16xi32>, vector<16xi32>], vector<16xf32>,
      %get3A_925 = arith.constant 528 : index
      %get3A_926 = tpu.vector_load %arg5[%get3A_925] {strides = array<i32>} : memref<800xi32, #tpu.memory_space<vmem>>, vector<16xi32>,
      %get3A_927 = arith.constant 528 : index
      %get3A_928 = tpu.vector_load %arg6[%get3A_927] {strides = array<i32>} : memref<800xf32, #tpu.memory_space<vmem>>, vector<16xf32>,
      tpu.vector_store_idx %arg7[%get3A_926, %iota3A], %get3A_928 {add = true} : memref<128x16xf32, #tpu.memory_space<vmem>>[vector<16xi32>, vector<16xi32>], vector<16xf32>,
      %get3A_929 = arith.constant 544 : index
      %get3A_930 = tpu.vector_load %arg5[%get3A_929] {strides = array<i32>} : memref<800xi32, #tpu.memory_space<vmem>>, vector<16xi32>,
      %get3A_931 = arith.constant 544 : index
      %get3A_932 = tpu.vector_load %arg6[%get3A_931] {strides = array<i32>} : memref<800xf32, #tpu.memory_space<vmem>>, vector<16xf32>,
      tpu.vector_store_idx %arg7[%get3A_930, %iota3A], %get3A_932 {add = true} : memref<128x16xf32, #tpu.memory_space<vmem>>[vector<16xi32>, vector<16xi32>], vector<16xf32>,
      %get3A_933 = arith.constant 560 : index
      %get3A_934 = tpu.vector_load %arg5[%get3A_933] {strides = array<i32>} : memref<800xi32, #tpu.memory_space<vmem>>, vector<16xi32>,
      %get3A_935 = arith.constant 560 : index
      %get3A_936 = tpu.vector_load %arg6[%get3A_935] {strides = array<i32>} : memref<800xf32, #tpu.memory_space<vmem>>, vector<16xf32>,
      tpu.vector_store_idx %arg7[%get3A_934, %iota3A], %get3A_936 {add = true} : memref<128x16xf32, #tpu.memory_space<vmem>>[vector<16xi32>, vector<16xi32>], vector<16xf32>,
      %get3A_937 = arith.constant 576 : index
      %get3A_938 = tpu.vector_load %arg5[%get3A_937] {strides = array<i32>} : memref<800xi32, #tpu.memory_space<vmem>>, vector<16xi32>,
      %get3A_939 = arith.constant 576 : index
      %get3A_940 = tpu.vector_load %arg6[%get3A_939] {strides = array<i32>} : memref<800xf32, #tpu.memory_space<vmem>>, vector<16xf32>,
      tpu.vector_store_idx %arg7[%get3A_938, %iota3A], %get3A_940 {add = true} : memref<128x16xf32, #tpu.memory_space<vmem>>[vector<16xi32>, vector<16xi32>], vector<16xf32>,
      %get3A_941 = arith.constant 592 : index
      %get3A_942 = tpu.vector_load %arg5[%get3A_941] {strides = array<i32>} : memref<800xi32, #tpu.memory_space<vmem>>, vector<16xi32>,
      %get3A_943 = arith.constant 592 : index
      %get3A_944 = tpu.vector_load %arg6[%get3A_943] {strides = array<i32>} : memref<800xf32, #tpu.memory_space<vmem>>, vector<16xf32>,
      tpu.vector_store_idx %arg7[%get3A_942, %iota3A], %get3A_944 {add = true} : memref<128x16xf32, #tpu.memory_space<vmem>>[vector<16xi32>, vector<16xi32>], vector<16xf32>,
      %get3A_945 = arith.constant 608 : index
      %get3A_946 = tpu.vector_load %arg5[%get3A_945] {strides = array<i32>} : memref<800xi32, #tpu.memory_space<vmem>>, vector<16xi32>,
      %get3A_947 = arith.constant 608 : index
      %get3A_948 = tpu.vector_load %arg6[%get3A_947] {strides = array<i32>} : memref<800xf32, #tpu.memory_space<vmem>>, vector<16xf32>,
      tpu.vector_store_idx %arg7[%get3A_946, %iota3A], %get3A_948 {add = true} : memref<128x16xf32, #tpu.memory_space<vmem>>[vector<16xi32>, vector<16xi32>], vector<16xf32>,
      %get3A_949 = arith.constant 624 : index
      %get3A_950 = tpu.vector_load %arg5[%get3A_949] {strides = array<i32>} : memref<800xi32, #tpu.memory_space<vmem>>, vector<16xi32>,
      %get3A_951 = arith.constant 624 : index
      %get3A_952 = tpu.vector_load %arg6[%get3A_951] {strides = array<i32>} : memref<800xf32, #tpu.memory_space<vmem>>, vector<16xf32>,
      tpu.vector_store_idx %arg7[%get3A_950, %iota3A], %get3A_952 {add = true} : memref<128x16xf32, #tpu.memory_space<vmem>>[vector<16xi32>, vector<16xi32>], vector<16xf32>,
      %get3A_953 = arith.constant 640 : index
      %get3A_954 = tpu.vector_load %arg5[%get3A_953] {strides = array<i32>} : memref<800xi32, #tpu.memory_space<vmem>>, vector<16xi32>,
      %get3A_955 = arith.constant 640 : index
      %get3A_956 = tpu.vector_load %arg6[%get3A_955] {strides = array<i32>} : memref<800xf32, #tpu.memory_space<vmem>>, vector<16xf32>,
      tpu.vector_store_idx %arg7[%get3A_954, %iota3A], %get3A_956 {add = true} : memref<128x16xf32, #tpu.memory_space<vmem>>[vector<16xi32>, vector<16xi32>], vector<16xf32>,
      %get3A_957 = arith.constant 656 : index
      %get3A_958 = tpu.vector_load %arg5[%get3A_957] {strides = array<i32>} : memref<800xi32, #tpu.memory_space<vmem>>, vector<16xi32>,
      %get3A_959 = arith.constant 656 : index
      %get3A_960 = tpu.vector_load %arg6[%get3A_959] {strides = array<i32>} : memref<800xf32, #tpu.memory_space<vmem>>, vector<16xf32>,
      tpu.vector_store_idx %arg7[%get3A_958, %iota3A], %get3A_960 {add = true} : memref<128x16xf32, #tpu.memory_space<vmem>>[vector<16xi32>, vector<16xi32>], vector<16xf32>,
      %get3A_961 = arith.constant 672 : index
      %get3A_962 = tpu.vector_load %arg5[%get3A_961] {strides = array<i32>} : memref<800xi32, #tpu.memory_space<vmem>>, vector<16xi32>,
      %get3A_963 = arith.constant 672 : index
      %get3A_964 = tpu.vector_load %arg6[%get3A_963] {strides = array<i32>} : memref<800xf32, #tpu.memory_space<vmem>>, vector<16xf32>,
      tpu.vector_store_idx %arg7[%get3A_962, %iota3A], %get3A_964 {add = true} : memref<128x16xf32, #tpu.memory_space<vmem>>[vector<16xi32>, vector<16xi32>], vector<16xf32>,
      %get3A_965 = arith.constant 688 : index
      %get3A_966 = tpu.vector_load %arg5[%get3A_965] {strides = array<i32>} : memref<800xi32, #tpu.memory_space<vmem>>, vector<16xi32>,
      %get3A_967 = arith.constant 688 : index
      %get3A_968 = tpu.vector_load %arg6[%get3A_967] {strides = array<i32>} : memref<800xf32, #tpu.memory_space<vmem>>, vector<16xf32>,
      tpu.vector_store_idx %arg7[%get3A_966, %iota3A], %get3A_968 {add = true} : memref<128x16xf32, #tpu.memory_space<vmem>>[vector<16xi32>, vector<16xi32>], vector<16xf32>,
      %get3A_969 = arith.constant 704 : index
      %get3A_970 = tpu.vector_load %arg5[%get3A_969] {strides = array<i32>} : memref<800xi32, #tpu.memory_space<vmem>>, vector<16xi32>,
      %get3A_971 = arith.constant 704 : index
      %get3A_972 = tpu.vector_load %arg6[%get3A_971] {strides = array<i32>} : memref<800xf32, #tpu.memory_space<vmem>>, vector<16xf32>,
      tpu.vector_store_idx %arg7[%get3A_970, %iota3A], %get3A_972 {add = true} : memref<128x16xf32, #tpu.memory_space<vmem>>[vector<16xi32>, vector<16xi32>], vector<16xf32>,
      %get3A_973 = arith.constant 720 : index
      %get3A_974 = tpu.vector_load %arg5[%get3A_973] {strides = array<i32>} : memref<800xi32, #tpu.memory_space<vmem>>, vector<16xi32>,
      %get3A_975 = arith.constant 720 : index
      %get3A_976 = tpu.vector_load %arg6[%get3A_975] {strides = array<i32>} : memref<800xf32, #tpu.memory_space<vmem>>, vector<16xf32>,
      tpu.vector_store_idx %arg7[%get3A_974, %iota3A], %get3A_976 {add = true} : memref<128x16xf32, #tpu.memory_space<vmem>>[vector<16xi32>, vector<16xi32>], vector<16xf32>,
      %get3A_977 = arith.constant 736 : index
      %get3A_978 = tpu.vector_load %arg5[%get3A_977] {strides = array<i32>} : memref<800xi32, #tpu.memory_space<vmem>>, vector<16xi32>,
      %get3A_979 = arith.constant 736 : index
      %get3A_980 = tpu.vector_load %arg6[%get3A_979] {strides = array<i32>} : memref<800xf32, #tpu.memory_space<vmem>>, vector<16xf32>,
      tpu.vector_store_idx %arg7[%get3A_978, %iota3A], %get3A_980 {add = true} : memref<128x16xf32, #tpu.memory_space<vmem>>[vector<16xi32>, vector<16xi32>], vector<16xf32>,
      %get3A_981 = arith.constant 752 : index
      %get3A_982 = tpu.vector_load %arg5[%get3A_981] {strides = array<i32>} : memref<800xi32, #tpu.memory_space<vmem>>, vector<16xi32>,
      %get3A_983 = arith.constant 752 : index
      %get3A_984 = tpu.vector_load %arg6[%get3A_983] {strides = array<i32>} : memref<800xf32, #tpu.memory_space<vmem>>, vector<16xf32>,
      tpu.vector_store_idx %arg7[%get3A_982, %iota3A], %get3A_984 {add = true} : memref<128x16xf32, #tpu.memory_space<vmem>>[vector<16xi32>, vector<16xi32>], vector<16xf32>,
      %get3A_985 = arith.constant 768 : index
      %get3A_986 = tpu.vector_load %arg5[%get3A_985] {strides = array<i32>} : memref<800xi32, #tpu.memory_space<vmem>>, vector<16xi32>,
      %get3A_987 = arith.constant 768 : index
      %get3A_988 = tpu.vector_load %arg6[%get3A_987] {strides = array<i32>} : memref<800xf32, #tpu.memory_space<vmem>>, vector<16xf32>,
      tpu.vector_store_idx %arg7[%get3A_986, %iota3A], %get3A_988 {add = true} : memref<128x16xf32, #tpu.memory_space<vmem>>[vector<16xi32>, vector<16xi32>], vector<16xf32>,
      %get3A_989 = arith.constant 784 : index
      %get3A_990 = tpu.vector_load %arg5[%get3A_989] {strides = array<i32>} : memref<800xi32, #tpu.memory_space<vmem>>, vector<16xi32>,
      %get3A_991 = arith.constant 784 : index
      %get3A_992 = tpu.vector_load %arg6[%get3A_991] {strides = array<i32>} : memref<800xf32, #tpu.memory_space<vmem>>, vector<16xf32>,
      tpu.vector_store_idx %arg7[%get3A_990, %iota3A], %get3A_992 {add = true} : memref<128x16xf32, #tpu.memory_space<vmem>>[vector<16xi32>, vector<16xi32>], vector<16xf32>,
    } else {
    }
    %add3A_771 = arith.constant 32 : i32
    %add3A_772 = arith.addi %add3A, %add3A_771 : i32
    %lt3A_773 = arith.constant 125 : i32
    %lt3A_774 = arith.cmpi slt, %add3A_772, %lt3A_773 : i32
    %convert_element_type3A_775 = arith.extui %lt3A_774 : i1 to i32
    %cond3A_776 = arith.constant 0 : i32
    %cond3A_777 = arith.cmpi ne, %convert_element_type3A_775, %cond3A_776 : i32
    scf.if %cond3A_777 {
      %mul3A_792 = arith.constant 800 : i32
      %mul3A_793 = arith.muli %add3A_772, %mul3A_792 : i32
      "tpu.region"() ({
        %run_scoped3A = tpu.sem_alloc : memref<!tpu.dma_semaphore, #tpu.memory_space<semaphore_mem>>
        %dma_start3A = tpu.memref_slice %arg2[%mul3A_793] : memref<100000xi32, #tpu.memory_space<hbm>> -> memref<800xi32, #tpu.memory_space<hbm>>
        %dma_start3A_993 = tpu.memref_slice %arg2[%mul3A_793] : memref<100000xi32, #tpu.memory_space<hbm>> -> memref<800xi32, #tpu.memory_space<hbm>>
        tpu.enqueue_dma source(%dma_start3A_993 : memref<800xi32, #tpu.memory_space<hbm>>) target(%arg5 : memref<800xi32, #tpu.memory_space<vmem>>) target_semaphore(%run_scoped3A : memref<!tpu.dma_semaphore, #tpu.memory_space<semaphore_mem>>)
        %dma_wait3A = tpu.memref_slice %arg2[%mul3A_793] : memref<100000xi32, #tpu.memory_space<hbm>> -> memref<800xi32, #tpu.memory_space<hbm>>
        %dma_wait3A_994 = tpu.memref_slice %arg2[%mul3A_793] : memref<100000xi32, #tpu.memory_space<hbm>> -> memref<800xi32, #tpu.memory_space<hbm>>
        tpu.wait_dma2 semaphore(%run_scoped3A : memref<!tpu.dma_semaphore, #tpu.memory_space<semaphore_mem>>) src(%dma_wait3A_994 : memref<800xi32, #tpu.memory_space<hbm>>) dst(%arg5 : memref<800xi32, #tpu.memory_space<vmem>>)
        tpu.yield
      }) : () -> ()
      "tpu.region"() ({
        %run_scoped3A = tpu.sem_alloc : memref<!tpu.dma_semaphore, #tpu.memory_space<semaphore_mem>>
        %dma_start3A = tpu.memref_slice %arg3[%mul3A_793] : memref<100000xf32, #tpu.memory_space<hbm>> -> memref<800xf32, #tpu.memory_space<hbm>>
        %dma_start3A_993 = tpu.memref_slice %arg3[%mul3A_793] : memref<100000xf32, #tpu.memory_space<hbm>> -> memref<800xf32, #tpu.memory_space<hbm>>
        tpu.enqueue_dma source(%dma_start3A_993 : memref<800xf32, #tpu.memory_space<hbm>>) target(%arg6 : memref<800xf32, #tpu.memory_space<vmem>>) target_semaphore(%run_scoped3A : memref<!tpu.dma_semaphore, #tpu.memory_space<semaphore_mem>>)
        %dma_wait3A = tpu.memref_slice %arg3[%mul3A_793] : memref<100000xf32, #tpu.memory_space<hbm>> -> memref<800xf32, #tpu.memory_space<hbm>>
        %dma_wait3A_994 = tpu.memref_slice %arg3[%mul3A_793] : memref<100000xf32, #tpu.memory_space<hbm>> -> memref<800xf32, #tpu.memory_space<hbm>>
        tpu.wait_dma2 semaphore(%run_scoped3A : memref<!tpu.dma_semaphore, #tpu.memory_space<semaphore_mem>>) src(%dma_wait3A_994 : memref<800xf32, #tpu.memory_space<hbm>>) dst(%arg6 : memref<800xf32, #tpu.memory_space<vmem>>)
        tpu.yield
      }) : () -> ()
      %get3A = arith.constant 0 : index
      %get3A_794 = tpu.vector_load %arg5[%get3A] {strides = array<i32>} : memref<800xi32, #tpu.memory_space<vmem>>, vector<16xi32>,
      %get3A_795 = arith.constant 0 : index
      %get3A_796 = tpu.vector_load %arg6[%get3A_795] {strides = array<i32>} : memref<800xf32, #tpu.memory_space<vmem>>, vector<16xf32>,
      tpu.vector_store_idx %arg7[%get3A_794, %iota3A], %get3A_796 {add = true} : memref<128x16xf32, #tpu.memory_space<vmem>>[vector<16xi32>, vector<16xi32>], vector<16xf32>,
      %get3A_797 = arith.constant 16 : index
      %get3A_798 = tpu.vector_load %arg5[%get3A_797] {strides = array<i32>} : memref<800xi32, #tpu.memory_space<vmem>>, vector<16xi32>,
      %get3A_799 = arith.constant 16 : index
      %get3A_800 = tpu.vector_load %arg6[%get3A_799] {strides = array<i32>} : memref<800xf32, #tpu.memory_space<vmem>>, vector<16xf32>,
      tpu.vector_store_idx %arg7[%get3A_798, %iota3A], %get3A_800 {add = true} : memref<128x16xf32, #tpu.memory_space<vmem>>[vector<16xi32>, vector<16xi32>], vector<16xf32>,
      %get3A_801 = arith.constant 32 : index
      %get3A_802 = tpu.vector_load %arg5[%get3A_801] {strides = array<i32>} : memref<800xi32, #tpu.memory_space<vmem>>, vector<16xi32>,
      %get3A_803 = arith.constant 32 : index
      %get3A_804 = tpu.vector_load %arg6[%get3A_803] {strides = array<i32>} : memref<800xf32, #tpu.memory_space<vmem>>, vector<16xf32>,
      tpu.vector_store_idx %arg7[%get3A_802, %iota3A], %get3A_804 {add = true} : memref<128x16xf32, #tpu.memory_space<vmem>>[vector<16xi32>, vector<16xi32>], vector<16xf32>,
      %get3A_805 = arith.constant 48 : index
      %get3A_806 = tpu.vector_load %arg5[%get3A_805] {strides = array<i32>} : memref<800xi32, #tpu.memory_space<vmem>>, vector<16xi32>,
      %get3A_807 = arith.constant 48 : index
      %get3A_808 = tpu.vector_load %arg6[%get3A_807] {strides = array<i32>} : memref<800xf32, #tpu.memory_space<vmem>>, vector<16xf32>,
      tpu.vector_store_idx %arg7[%get3A_806, %iota3A], %get3A_808 {add = true} : memref<128x16xf32, #tpu.memory_space<vmem>>[vector<16xi32>, vector<16xi32>], vector<16xf32>,
      %get3A_809 = arith.constant 64 : index
      %get3A_810 = tpu.vector_load %arg5[%get3A_809] {strides = array<i32>} : memref<800xi32, #tpu.memory_space<vmem>>, vector<16xi32>,
      %get3A_811 = arith.constant 64 : index
      %get3A_812 = tpu.vector_load %arg6[%get3A_811] {strides = array<i32>} : memref<800xf32, #tpu.memory_space<vmem>>, vector<16xf32>,
      tpu.vector_store_idx %arg7[%get3A_810, %iota3A], %get3A_812 {add = true} : memref<128x16xf32, #tpu.memory_space<vmem>>[vector<16xi32>, vector<16xi32>], vector<16xf32>,
      %get3A_813 = arith.constant 80 : index
      %get3A_814 = tpu.vector_load %arg5[%get3A_813] {strides = array<i32>} : memref<800xi32, #tpu.memory_space<vmem>>, vector<16xi32>,
      %get3A_815 = arith.constant 80 : index
      %get3A_816 = tpu.vector_load %arg6[%get3A_815] {strides = array<i32>} : memref<800xf32, #tpu.memory_space<vmem>>, vector<16xf32>,
      tpu.vector_store_idx %arg7[%get3A_814, %iota3A], %get3A_816 {add = true} : memref<128x16xf32, #tpu.memory_space<vmem>>[vector<16xi32>, vector<16xi32>], vector<16xf32>,
      %get3A_817 = arith.constant 96 : index
      %get3A_818 = tpu.vector_load %arg5[%get3A_817] {strides = array<i32>} : memref<800xi32, #tpu.memory_space<vmem>>, vector<16xi32>,
      %get3A_819 = arith.constant 96 : index
      %get3A_820 = tpu.vector_load %arg6[%get3A_819] {strides = array<i32>} : memref<800xf32, #tpu.memory_space<vmem>>, vector<16xf32>,
      tpu.vector_store_idx %arg7[%get3A_818, %iota3A], %get3A_820 {add = true} : memref<128x16xf32, #tpu.memory_space<vmem>>[vector<16xi32>, vector<16xi32>], vector<16xf32>,
      %get3A_821 = arith.constant 112 : index
      %get3A_822 = tpu.vector_load %arg5[%get3A_821] {strides = array<i32>} : memref<800xi32, #tpu.memory_space<vmem>>, vector<16xi32>,
      %get3A_823 = arith.constant 112 : index
      %get3A_824 = tpu.vector_load %arg6[%get3A_823] {strides = array<i32>} : memref<800xf32, #tpu.memory_space<vmem>>, vector<16xf32>,
      tpu.vector_store_idx %arg7[%get3A_822, %iota3A], %get3A_824 {add = true} : memref<128x16xf32, #tpu.memory_space<vmem>>[vector<16xi32>, vector<16xi32>], vector<16xf32>,
      %get3A_825 = arith.constant 128 : index
      %get3A_826 = tpu.vector_load %arg5[%get3A_825] {strides = array<i32>} : memref<800xi32, #tpu.memory_space<vmem>>, vector<16xi32>,
      %get3A_827 = arith.constant 128 : index
      %get3A_828 = tpu.vector_load %arg6[%get3A_827] {strides = array<i32>} : memref<800xf32, #tpu.memory_space<vmem>>, vector<16xf32>,
      tpu.vector_store_idx %arg7[%get3A_826, %iota3A], %get3A_828 {add = true} : memref<128x16xf32, #tpu.memory_space<vmem>>[vector<16xi32>, vector<16xi32>], vector<16xf32>,
      %get3A_829 = arith.constant 144 : index
      %get3A_830 = tpu.vector_load %arg5[%get3A_829] {strides = array<i32>} : memref<800xi32, #tpu.memory_space<vmem>>, vector<16xi32>,
      %get3A_831 = arith.constant 144 : index
      %get3A_832 = tpu.vector_load %arg6[%get3A_831] {strides = array<i32>} : memref<800xf32, #tpu.memory_space<vmem>>, vector<16xf32>,
      tpu.vector_store_idx %arg7[%get3A_830, %iota3A], %get3A_832 {add = true} : memref<128x16xf32, #tpu.memory_space<vmem>>[vector<16xi32>, vector<16xi32>], vector<16xf32>,
      %get3A_833 = arith.constant 160 : index
      %get3A_834 = tpu.vector_load %arg5[%get3A_833] {strides = array<i32>} : memref<800xi32, #tpu.memory_space<vmem>>, vector<16xi32>,
      %get3A_835 = arith.constant 160 : index
      %get3A_836 = tpu.vector_load %arg6[%get3A_835] {strides = array<i32>} : memref<800xf32, #tpu.memory_space<vmem>>, vector<16xf32>,
      tpu.vector_store_idx %arg7[%get3A_834, %iota3A], %get3A_836 {add = true} : memref<128x16xf32, #tpu.memory_space<vmem>>[vector<16xi32>, vector<16xi32>], vector<16xf32>,
      %get3A_837 = arith.constant 176 : index
      %get3A_838 = tpu.vector_load %arg5[%get3A_837] {strides = array<i32>} : memref<800xi32, #tpu.memory_space<vmem>>, vector<16xi32>,
      %get3A_839 = arith.constant 176 : index
      %get3A_840 = tpu.vector_load %arg6[%get3A_839] {strides = array<i32>} : memref<800xf32, #tpu.memory_space<vmem>>, vector<16xf32>,
      tpu.vector_store_idx %arg7[%get3A_838, %iota3A], %get3A_840 {add = true} : memref<128x16xf32, #tpu.memory_space<vmem>>[vector<16xi32>, vector<16xi32>], vector<16xf32>,
      %get3A_841 = arith.constant 192 : index
      %get3A_842 = tpu.vector_load %arg5[%get3A_841] {strides = array<i32>} : memref<800xi32, #tpu.memory_space<vmem>>, vector<16xi32>,
      %get3A_843 = arith.constant 192 : index
      %get3A_844 = tpu.vector_load %arg6[%get3A_843] {strides = array<i32>} : memref<800xf32, #tpu.memory_space<vmem>>, vector<16xf32>,
      tpu.vector_store_idx %arg7[%get3A_842, %iota3A], %get3A_844 {add = true} : memref<128x16xf32, #tpu.memory_space<vmem>>[vector<16xi32>, vector<16xi32>], vector<16xf32>,
      %get3A_845 = arith.constant 208 : index
      %get3A_846 = tpu.vector_load %arg5[%get3A_845] {strides = array<i32>} : memref<800xi32, #tpu.memory_space<vmem>>, vector<16xi32>,
      %get3A_847 = arith.constant 208 : index
      %get3A_848 = tpu.vector_load %arg6[%get3A_847] {strides = array<i32>} : memref<800xf32, #tpu.memory_space<vmem>>, vector<16xf32>,
      tpu.vector_store_idx %arg7[%get3A_846, %iota3A], %get3A_848 {add = true} : memref<128x16xf32, #tpu.memory_space<vmem>>[vector<16xi32>, vector<16xi32>], vector<16xf32>,
      %get3A_849 = arith.constant 224 : index
      %get3A_850 = tpu.vector_load %arg5[%get3A_849] {strides = array<i32>} : memref<800xi32, #tpu.memory_space<vmem>>, vector<16xi32>,
      %get3A_851 = arith.constant 224 : index
      %get3A_852 = tpu.vector_load %arg6[%get3A_851] {strides = array<i32>} : memref<800xf32, #tpu.memory_space<vmem>>, vector<16xf32>,
      tpu.vector_store_idx %arg7[%get3A_850, %iota3A], %get3A_852 {add = true} : memref<128x16xf32, #tpu.memory_space<vmem>>[vector<16xi32>, vector<16xi32>], vector<16xf32>,
      %get3A_853 = arith.constant 240 : index
      %get3A_854 = tpu.vector_load %arg5[%get3A_853] {strides = array<i32>} : memref<800xi32, #tpu.memory_space<vmem>>, vector<16xi32>,
      %get3A_855 = arith.constant 240 : index
      %get3A_856 = tpu.vector_load %arg6[%get3A_855] {strides = array<i32>} : memref<800xf32, #tpu.memory_space<vmem>>, vector<16xf32>,
      tpu.vector_store_idx %arg7[%get3A_854, %iota3A], %get3A_856 {add = true} : memref<128x16xf32, #tpu.memory_space<vmem>>[vector<16xi32>, vector<16xi32>], vector<16xf32>,
      %get3A_857 = arith.constant 256 : index
      %get3A_858 = tpu.vector_load %arg5[%get3A_857] {strides = array<i32>} : memref<800xi32, #tpu.memory_space<vmem>>, vector<16xi32>,
      %get3A_859 = arith.constant 256 : index
      %get3A_860 = tpu.vector_load %arg6[%get3A_859] {strides = array<i32>} : memref<800xf32, #tpu.memory_space<vmem>>, vector<16xf32>,
      tpu.vector_store_idx %arg7[%get3A_858, %iota3A], %get3A_860 {add = true} : memref<128x16xf32, #tpu.memory_space<vmem>>[vector<16xi32>, vector<16xi32>], vector<16xf32>,
      %get3A_861 = arith.constant 272 : index
      %get3A_862 = tpu.vector_load %arg5[%get3A_861] {strides = array<i32>} : memref<800xi32, #tpu.memory_space<vmem>>, vector<16xi32>,
      %get3A_863 = arith.constant 272 : index
      %get3A_864 = tpu.vector_load %arg6[%get3A_863] {strides = array<i32>} : memref<800xf32, #tpu.memory_space<vmem>>, vector<16xf32>,
      tpu.vector_store_idx %arg7[%get3A_862, %iota3A], %get3A_864 {add = true} : memref<128x16xf32, #tpu.memory_space<vmem>>[vector<16xi32>, vector<16xi32>], vector<16xf32>,
      %get3A_865 = arith.constant 288 : index
      %get3A_866 = tpu.vector_load %arg5[%get3A_865] {strides = array<i32>} : memref<800xi32, #tpu.memory_space<vmem>>, vector<16xi32>,
      %get3A_867 = arith.constant 288 : index
      %get3A_868 = tpu.vector_load %arg6[%get3A_867] {strides = array<i32>} : memref<800xf32, #tpu.memory_space<vmem>>, vector<16xf32>,
      tpu.vector_store_idx %arg7[%get3A_866, %iota3A], %get3A_868 {add = true} : memref<128x16xf32, #tpu.memory_space<vmem>>[vector<16xi32>, vector<16xi32>], vector<16xf32>,
      %get3A_869 = arith.constant 304 : index
      %get3A_870 = tpu.vector_load %arg5[%get3A_869] {strides = array<i32>} : memref<800xi32, #tpu.memory_space<vmem>>, vector<16xi32>,
      %get3A_871 = arith.constant 304 : index
      %get3A_872 = tpu.vector_load %arg6[%get3A_871] {strides = array<i32>} : memref<800xf32, #tpu.memory_space<vmem>>, vector<16xf32>,
      tpu.vector_store_idx %arg7[%get3A_870, %iota3A], %get3A_872 {add = true} : memref<128x16xf32, #tpu.memory_space<vmem>>[vector<16xi32>, vector<16xi32>], vector<16xf32>,
      %get3A_873 = arith.constant 320 : index
      %get3A_874 = tpu.vector_load %arg5[%get3A_873] {strides = array<i32>} : memref<800xi32, #tpu.memory_space<vmem>>, vector<16xi32>,
      %get3A_875 = arith.constant 320 : index
      %get3A_876 = tpu.vector_load %arg6[%get3A_875] {strides = array<i32>} : memref<800xf32, #tpu.memory_space<vmem>>, vector<16xf32>,
      tpu.vector_store_idx %arg7[%get3A_874, %iota3A], %get3A_876 {add = true} : memref<128x16xf32, #tpu.memory_space<vmem>>[vector<16xi32>, vector<16xi32>], vector<16xf32>,
      %get3A_877 = arith.constant 336 : index
      %get3A_878 = tpu.vector_load %arg5[%get3A_877] {strides = array<i32>} : memref<800xi32, #tpu.memory_space<vmem>>, vector<16xi32>,
      %get3A_879 = arith.constant 336 : index
      %get3A_880 = tpu.vector_load %arg6[%get3A_879] {strides = array<i32>} : memref<800xf32, #tpu.memory_space<vmem>>, vector<16xf32>,
      tpu.vector_store_idx %arg7[%get3A_878, %iota3A], %get3A_880 {add = true} : memref<128x16xf32, #tpu.memory_space<vmem>>[vector<16xi32>, vector<16xi32>], vector<16xf32>,
      %get3A_881 = arith.constant 352 : index
      %get3A_882 = tpu.vector_load %arg5[%get3A_881] {strides = array<i32>} : memref<800xi32, #tpu.memory_space<vmem>>, vector<16xi32>,
      %get3A_883 = arith.constant 352 : index
      %get3A_884 = tpu.vector_load %arg6[%get3A_883] {strides = array<i32>} : memref<800xf32, #tpu.memory_space<vmem>>, vector<16xf32>,
      tpu.vector_store_idx %arg7[%get3A_882, %iota3A], %get3A_884 {add = true} : memref<128x16xf32, #tpu.memory_space<vmem>>[vector<16xi32>, vector<16xi32>], vector<16xf32>,
      %get3A_885 = arith.constant 368 : index
      %get3A_886 = tpu.vector_load %arg5[%get3A_885] {strides = array<i32>} : memref<800xi32, #tpu.memory_space<vmem>>, vector<16xi32>,
      %get3A_887 = arith.constant 368 : index
      %get3A_888 = tpu.vector_load %arg6[%get3A_887] {strides = array<i32>} : memref<800xf32, #tpu.memory_space<vmem>>, vector<16xf32>,
      tpu.vector_store_idx %arg7[%get3A_886, %iota3A], %get3A_888 {add = true} : memref<128x16xf32, #tpu.memory_space<vmem>>[vector<16xi32>, vector<16xi32>], vector<16xf32>,
      %get3A_889 = arith.constant 384 : index
      %get3A_890 = tpu.vector_load %arg5[%get3A_889] {strides = array<i32>} : memref<800xi32, #tpu.memory_space<vmem>>, vector<16xi32>,
      %get3A_891 = arith.constant 384 : index
      %get3A_892 = tpu.vector_load %arg6[%get3A_891] {strides = array<i32>} : memref<800xf32, #tpu.memory_space<vmem>>, vector<16xf32>,
      tpu.vector_store_idx %arg7[%get3A_890, %iota3A], %get3A_892 {add = true} : memref<128x16xf32, #tpu.memory_space<vmem>>[vector<16xi32>, vector<16xi32>], vector<16xf32>,
      %get3A_893 = arith.constant 400 : index
      %get3A_894 = tpu.vector_load %arg5[%get3A_893] {strides = array<i32>} : memref<800xi32, #tpu.memory_space<vmem>>, vector<16xi32>,
      %get3A_895 = arith.constant 400 : index
      %get3A_896 = tpu.vector_load %arg6[%get3A_895] {strides = array<i32>} : memref<800xf32, #tpu.memory_space<vmem>>, vector<16xf32>,
      tpu.vector_store_idx %arg7[%get3A_894, %iota3A], %get3A_896 {add = true} : memref<128x16xf32, #tpu.memory_space<vmem>>[vector<16xi32>, vector<16xi32>], vector<16xf32>,
      %get3A_897 = arith.constant 416 : index
      %get3A_898 = tpu.vector_load %arg5[%get3A_897] {strides = array<i32>} : memref<800xi32, #tpu.memory_space<vmem>>, vector<16xi32>,
      %get3A_899 = arith.constant 416 : index
      %get3A_900 = tpu.vector_load %arg6[%get3A_899] {strides = array<i32>} : memref<800xf32, #tpu.memory_space<vmem>>, vector<16xf32>,
      tpu.vector_store_idx %arg7[%get3A_898, %iota3A], %get3A_900 {add = true} : memref<128x16xf32, #tpu.memory_space<vmem>>[vector<16xi32>, vector<16xi32>], vector<16xf32>,
      %get3A_901 = arith.constant 432 : index
      %get3A_902 = tpu.vector_load %arg5[%get3A_901] {strides = array<i32>} : memref<800xi32, #tpu.memory_space<vmem>>, vector<16xi32>,
      %get3A_903 = arith.constant 432 : index
      %get3A_904 = tpu.vector_load %arg6[%get3A_903] {strides = array<i32>} : memref<800xf32, #tpu.memory_space<vmem>>, vector<16xf32>,
      tpu.vector_store_idx %arg7[%get3A_902, %iota3A], %get3A_904 {add = true} : memref<128x16xf32, #tpu.memory_space<vmem>>[vector<16xi32>, vector<16xi32>], vector<16xf32>,
      %get3A_905 = arith.constant 448 : index
      %get3A_906 = tpu.vector_load %arg5[%get3A_905] {strides = array<i32>} : memref<800xi32, #tpu.memory_space<vmem>>, vector<16xi32>,
      %get3A_907 = arith.constant 448 : index
      %get3A_908 = tpu.vector_load %arg6[%get3A_907] {strides = array<i32>} : memref<800xf32, #tpu.memory_space<vmem>>, vector<16xf32>,
      tpu.vector_store_idx %arg7[%get3A_906, %iota3A], %get3A_908 {add = true} : memref<128x16xf32, #tpu.memory_space<vmem>>[vector<16xi32>, vector<16xi32>], vector<16xf32>,
      %get3A_909 = arith.constant 464 : index
      %get3A_910 = tpu.vector_load %arg5[%get3A_909] {strides = array<i32>} : memref<800xi32, #tpu.memory_space<vmem>>, vector<16xi32>,
      %get3A_911 = arith.constant 464 : index
      %get3A_912 = tpu.vector_load %arg6[%get3A_911] {strides = array<i32>} : memref<800xf32, #tpu.memory_space<vmem>>, vector<16xf32>,
      tpu.vector_store_idx %arg7[%get3A_910, %iota3A], %get3A_912 {add = true} : memref<128x16xf32, #tpu.memory_space<vmem>>[vector<16xi32>, vector<16xi32>], vector<16xf32>,
      %get3A_913 = arith.constant 480 : index
      %get3A_914 = tpu.vector_load %arg5[%get3A_913] {strides = array<i32>} : memref<800xi32, #tpu.memory_space<vmem>>, vector<16xi32>,
      %get3A_915 = arith.constant 480 : index
      %get3A_916 = tpu.vector_load %arg6[%get3A_915] {strides = array<i32>} : memref<800xf32, #tpu.memory_space<vmem>>, vector<16xf32>,
      tpu.vector_store_idx %arg7[%get3A_914, %iota3A], %get3A_916 {add = true} : memref<128x16xf32, #tpu.memory_space<vmem>>[vector<16xi32>, vector<16xi32>], vector<16xf32>,
      %get3A_917 = arith.constant 496 : index
      %get3A_918 = tpu.vector_load %arg5[%get3A_917] {strides = array<i32>} : memref<800xi32, #tpu.memory_space<vmem>>, vector<16xi32>,
      %get3A_919 = arith.constant 496 : index
      %get3A_920 = tpu.vector_load %arg6[%get3A_919] {strides = array<i32>} : memref<800xf32, #tpu.memory_space<vmem>>, vector<16xf32>,
      tpu.vector_store_idx %arg7[%get3A_918, %iota3A], %get3A_920 {add = true} : memref<128x16xf32, #tpu.memory_space<vmem>>[vector<16xi32>, vector<16xi32>], vector<16xf32>,
      %get3A_921 = arith.constant 512 : index
      %get3A_922 = tpu.vector_load %arg5[%get3A_921] {strides = array<i32>} : memref<800xi32, #tpu.memory_space<vmem>>, vector<16xi32>,
      %get3A_923 = arith.constant 512 : index
      %get3A_924 = tpu.vector_load %arg6[%get3A_923] {strides = array<i32>} : memref<800xf32, #tpu.memory_space<vmem>>, vector<16xf32>,
      tpu.vector_store_idx %arg7[%get3A_922, %iota3A], %get3A_924 {add = true} : memref<128x16xf32, #tpu.memory_space<vmem>>[vector<16xi32>, vector<16xi32>], vector<16xf32>,
      %get3A_925 = arith.constant 528 : index
      %get3A_926 = tpu.vector_load %arg5[%get3A_925] {strides = array<i32>} : memref<800xi32, #tpu.memory_space<vmem>>, vector<16xi32>,
      %get3A_927 = arith.constant 528 : index
      %get3A_928 = tpu.vector_load %arg6[%get3A_927] {strides = array<i32>} : memref<800xf32, #tpu.memory_space<vmem>>, vector<16xf32>,
      tpu.vector_store_idx %arg7[%get3A_926, %iota3A], %get3A_928 {add = true} : memref<128x16xf32, #tpu.memory_space<vmem>>[vector<16xi32>, vector<16xi32>], vector<16xf32>,
      %get3A_929 = arith.constant 544 : index
      %get3A_930 = tpu.vector_load %arg5[%get3A_929] {strides = array<i32>} : memref<800xi32, #tpu.memory_space<vmem>>, vector<16xi32>,
      %get3A_931 = arith.constant 544 : index
      %get3A_932 = tpu.vector_load %arg6[%get3A_931] {strides = array<i32>} : memref<800xf32, #tpu.memory_space<vmem>>, vector<16xf32>,
      tpu.vector_store_idx %arg7[%get3A_930, %iota3A], %get3A_932 {add = true} : memref<128x16xf32, #tpu.memory_space<vmem>>[vector<16xi32>, vector<16xi32>], vector<16xf32>,
      %get3A_933 = arith.constant 560 : index
      %get3A_934 = tpu.vector_load %arg5[%get3A_933] {strides = array<i32>} : memref<800xi32, #tpu.memory_space<vmem>>, vector<16xi32>,
      %get3A_935 = arith.constant 560 : index
      %get3A_936 = tpu.vector_load %arg6[%get3A_935] {strides = array<i32>} : memref<800xf32, #tpu.memory_space<vmem>>, vector<16xf32>,
      tpu.vector_store_idx %arg7[%get3A_934, %iota3A], %get3A_936 {add = true} : memref<128x16xf32, #tpu.memory_space<vmem>>[vector<16xi32>, vector<16xi32>], vector<16xf32>,
      %get3A_937 = arith.constant 576 : index
      %get3A_938 = tpu.vector_load %arg5[%get3A_937] {strides = array<i32>} : memref<800xi32, #tpu.memory_space<vmem>>, vector<16xi32>,
      %get3A_939 = arith.constant 576 : index
      %get3A_940 = tpu.vector_load %arg6[%get3A_939] {strides = array<i32>} : memref<800xf32, #tpu.memory_space<vmem>>, vector<16xf32>,
      tpu.vector_store_idx %arg7[%get3A_938, %iota3A], %get3A_940 {add = true} : memref<128x16xf32, #tpu.memory_space<vmem>>[vector<16xi32>, vector<16xi32>], vector<16xf32>,
      %get3A_941 = arith.constant 592 : index
      %get3A_942 = tpu.vector_load %arg5[%get3A_941] {strides = array<i32>} : memref<800xi32, #tpu.memory_space<vmem>>, vector<16xi32>,
      %get3A_943 = arith.constant 592 : index
      %get3A_944 = tpu.vector_load %arg6[%get3A_943] {strides = array<i32>} : memref<800xf32, #tpu.memory_space<vmem>>, vector<16xf32>,
      tpu.vector_store_idx %arg7[%get3A_942, %iota3A], %get3A_944 {add = true} : memref<128x16xf32, #tpu.memory_space<vmem>>[vector<16xi32>, vector<16xi32>], vector<16xf32>,
      %get3A_945 = arith.constant 608 : index
      %get3A_946 = tpu.vector_load %arg5[%get3A_945] {strides = array<i32>} : memref<800xi32, #tpu.memory_space<vmem>>, vector<16xi32>,
      %get3A_947 = arith.constant 608 : index
      %get3A_948 = tpu.vector_load %arg6[%get3A_947] {strides = array<i32>} : memref<800xf32, #tpu.memory_space<vmem>>, vector<16xf32>,
      tpu.vector_store_idx %arg7[%get3A_946, %iota3A], %get3A_948 {add = true} : memref<128x16xf32, #tpu.memory_space<vmem>>[vector<16xi32>, vector<16xi32>], vector<16xf32>,
      %get3A_949 = arith.constant 624 : index
      %get3A_950 = tpu.vector_load %arg5[%get3A_949] {strides = array<i32>} : memref<800xi32, #tpu.memory_space<vmem>>, vector<16xi32>,
      %get3A_951 = arith.constant 624 : index
      %get3A_952 = tpu.vector_load %arg6[%get3A_951] {strides = array<i32>} : memref<800xf32, #tpu.memory_space<vmem>>, vector<16xf32>,
      tpu.vector_store_idx %arg7[%get3A_950, %iota3A], %get3A_952 {add = true} : memref<128x16xf32, #tpu.memory_space<vmem>>[vector<16xi32>, vector<16xi32>], vector<16xf32>,
      %get3A_953 = arith.constant 640 : index
      %get3A_954 = tpu.vector_load %arg5[%get3A_953] {strides = array<i32>} : memref<800xi32, #tpu.memory_space<vmem>>, vector<16xi32>,
      %get3A_955 = arith.constant 640 : index
      %get3A_956 = tpu.vector_load %arg6[%get3A_955] {strides = array<i32>} : memref<800xf32, #tpu.memory_space<vmem>>, vector<16xf32>,
      tpu.vector_store_idx %arg7[%get3A_954, %iota3A], %get3A_956 {add = true} : memref<128x16xf32, #tpu.memory_space<vmem>>[vector<16xi32>, vector<16xi32>], vector<16xf32>,
      %get3A_957 = arith.constant 656 : index
      %get3A_958 = tpu.vector_load %arg5[%get3A_957] {strides = array<i32>} : memref<800xi32, #tpu.memory_space<vmem>>, vector<16xi32>,
      %get3A_959 = arith.constant 656 : index
      %get3A_960 = tpu.vector_load %arg6[%get3A_959] {strides = array<i32>} : memref<800xf32, #tpu.memory_space<vmem>>, vector<16xf32>,
      tpu.vector_store_idx %arg7[%get3A_958, %iota3A], %get3A_960 {add = true} : memref<128x16xf32, #tpu.memory_space<vmem>>[vector<16xi32>, vector<16xi32>], vector<16xf32>,
      %get3A_961 = arith.constant 672 : index
      %get3A_962 = tpu.vector_load %arg5[%get3A_961] {strides = array<i32>} : memref<800xi32, #tpu.memory_space<vmem>>, vector<16xi32>,
      %get3A_963 = arith.constant 672 : index
      %get3A_964 = tpu.vector_load %arg6[%get3A_963] {strides = array<i32>} : memref<800xf32, #tpu.memory_space<vmem>>, vector<16xf32>,
      tpu.vector_store_idx %arg7[%get3A_962, %iota3A], %get3A_964 {add = true} : memref<128x16xf32, #tpu.memory_space<vmem>>[vector<16xi32>, vector<16xi32>], vector<16xf32>,
      %get3A_965 = arith.constant 688 : index
      %get3A_966 = tpu.vector_load %arg5[%get3A_965] {strides = array<i32>} : memref<800xi32, #tpu.memory_space<vmem>>, vector<16xi32>,
      %get3A_967 = arith.constant 688 : index
      %get3A_968 = tpu.vector_load %arg6[%get3A_967] {strides = array<i32>} : memref<800xf32, #tpu.memory_space<vmem>>, vector<16xf32>,
      tpu.vector_store_idx %arg7[%get3A_966, %iota3A], %get3A_968 {add = true} : memref<128x16xf32, #tpu.memory_space<vmem>>[vector<16xi32>, vector<16xi32>], vector<16xf32>,
      %get3A_969 = arith.constant 704 : index
      %get3A_970 = tpu.vector_load %arg5[%get3A_969] {strides = array<i32>} : memref<800xi32, #tpu.memory_space<vmem>>, vector<16xi32>,
      %get3A_971 = arith.constant 704 : index
      %get3A_972 = tpu.vector_load %arg6[%get3A_971] {strides = array<i32>} : memref<800xf32, #tpu.memory_space<vmem>>, vector<16xf32>,
      tpu.vector_store_idx %arg7[%get3A_970, %iota3A], %get3A_972 {add = true} : memref<128x16xf32, #tpu.memory_space<vmem>>[vector<16xi32>, vector<16xi32>], vector<16xf32>,
      %get3A_973 = arith.constant 720 : index
      %get3A_974 = tpu.vector_load %arg5[%get3A_973] {strides = array<i32>} : memref<800xi32, #tpu.memory_space<vmem>>, vector<16xi32>,
      %get3A_975 = arith.constant 720 : index
      %get3A_976 = tpu.vector_load %arg6[%get3A_975] {strides = array<i32>} : memref<800xf32, #tpu.memory_space<vmem>>, vector<16xf32>,
      tpu.vector_store_idx %arg7[%get3A_974, %iota3A], %get3A_976 {add = true} : memref<128x16xf32, #tpu.memory_space<vmem>>[vector<16xi32>, vector<16xi32>], vector<16xf32>,
      %get3A_977 = arith.constant 736 : index
      %get3A_978 = tpu.vector_load %arg5[%get3A_977] {strides = array<i32>} : memref<800xi32, #tpu.memory_space<vmem>>, vector<16xi32>,
      %get3A_979 = arith.constant 736 : index
      %get3A_980 = tpu.vector_load %arg6[%get3A_979] {strides = array<i32>} : memref<800xf32, #tpu.memory_space<vmem>>, vector<16xf32>,
      tpu.vector_store_idx %arg7[%get3A_978, %iota3A], %get3A_980 {add = true} : memref<128x16xf32, #tpu.memory_space<vmem>>[vector<16xi32>, vector<16xi32>], vector<16xf32>,
      %get3A_981 = arith.constant 752 : index
      %get3A_982 = tpu.vector_load %arg5[%get3A_981] {strides = array<i32>} : memref<800xi32, #tpu.memory_space<vmem>>, vector<16xi32>,
      %get3A_983 = arith.constant 752 : index
      %get3A_984 = tpu.vector_load %arg6[%get3A_983] {strides = array<i32>} : memref<800xf32, #tpu.memory_space<vmem>>, vector<16xf32>,
      tpu.vector_store_idx %arg7[%get3A_982, %iota3A], %get3A_984 {add = true} : memref<128x16xf32, #tpu.memory_space<vmem>>[vector<16xi32>, vector<16xi32>], vector<16xf32>,
      %get3A_985 = arith.constant 768 : index
      %get3A_986 = tpu.vector_load %arg5[%get3A_985] {strides = array<i32>} : memref<800xi32, #tpu.memory_space<vmem>>, vector<16xi32>,
      %get3A_987 = arith.constant 768 : index
      %get3A_988 = tpu.vector_load %arg6[%get3A_987] {strides = array<i32>} : memref<800xf32, #tpu.memory_space<vmem>>, vector<16xf32>,
      tpu.vector_store_idx %arg7[%get3A_986, %iota3A], %get3A_988 {add = true} : memref<128x16xf32, #tpu.memory_space<vmem>>[vector<16xi32>, vector<16xi32>], vector<16xf32>,
      %get3A_989 = arith.constant 784 : index
      %get3A_990 = tpu.vector_load %arg5[%get3A_989] {strides = array<i32>} : memref<800xi32, #tpu.memory_space<vmem>>, vector<16xi32>,
      %get3A_991 = arith.constant 784 : index
      %get3A_992 = tpu.vector_load %arg6[%get3A_991] {strides = array<i32>} : memref<800xf32, #tpu.memory_space<vmem>>, vector<16xf32>,
      tpu.vector_store_idx %arg7[%get3A_990, %iota3A], %get3A_992 {add = true} : memref<128x16xf32, #tpu.memory_space<vmem>>[vector<16xi32>, vector<16xi32>], vector<16xf32>,
    } else {
    }
    %add3A_778 = arith.constant 64 : i32
    %add3A_779 = arith.addi %add3A, %add3A_778 : i32
    %lt3A_780 = arith.constant 125 : i32
    %lt3A_781 = arith.cmpi slt, %add3A_779, %lt3A_780 : i32
    %convert_element_type3A_782 = arith.extui %lt3A_781 : i1 to i32
    %cond3A_783 = arith.constant 0 : i32
    %cond3A_784 = arith.cmpi ne, %convert_element_type3A_782, %cond3A_783 : i32
    scf.if %cond3A_784 {
      %mul3A_792 = arith.constant 800 : i32
      %mul3A_793 = arith.muli %add3A_779, %mul3A_792 : i32
      "tpu.region"() ({
        %run_scoped3A = tpu.sem_alloc : memref<!tpu.dma_semaphore, #tpu.memory_space<semaphore_mem>>
        %dma_start3A = tpu.memref_slice %arg2[%mul3A_793] : memref<100000xi32, #tpu.memory_space<hbm>> -> memref<800xi32, #tpu.memory_space<hbm>>
        %dma_start3A_993 = tpu.memref_slice %arg2[%mul3A_793] : memref<100000xi32, #tpu.memory_space<hbm>> -> memref<800xi32, #tpu.memory_space<hbm>>
        tpu.enqueue_dma source(%dma_start3A_993 : memref<800xi32, #tpu.memory_space<hbm>>) target(%arg5 : memref<800xi32, #tpu.memory_space<vmem>>) target_semaphore(%run_scoped3A : memref<!tpu.dma_semaphore, #tpu.memory_space<semaphore_mem>>)
        %dma_wait3A = tpu.memref_slice %arg2[%mul3A_793] : memref<100000xi32, #tpu.memory_space<hbm>> -> memref<800xi32, #tpu.memory_space<hbm>>
        %dma_wait3A_994 = tpu.memref_slice %arg2[%mul3A_793] : memref<100000xi32, #tpu.memory_space<hbm>> -> memref<800xi32, #tpu.memory_space<hbm>>
        tpu.wait_dma2 semaphore(%run_scoped3A : memref<!tpu.dma_semaphore, #tpu.memory_space<semaphore_mem>>) src(%dma_wait3A_994 : memref<800xi32, #tpu.memory_space<hbm>>) dst(%arg5 : memref<800xi32, #tpu.memory_space<vmem>>)
        tpu.yield
      }) : () -> ()
      "tpu.region"() ({
        %run_scoped3A = tpu.sem_alloc : memref<!tpu.dma_semaphore, #tpu.memory_space<semaphore_mem>>
        %dma_start3A = tpu.memref_slice %arg3[%mul3A_793] : memref<100000xf32, #tpu.memory_space<hbm>> -> memref<800xf32, #tpu.memory_space<hbm>>
        %dma_start3A_993 = tpu.memref_slice %arg3[%mul3A_793] : memref<100000xf32, #tpu.memory_space<hbm>> -> memref<800xf32, #tpu.memory_space<hbm>>
        tpu.enqueue_dma source(%dma_start3A_993 : memref<800xf32, #tpu.memory_space<hbm>>) target(%arg6 : memref<800xf32, #tpu.memory_space<vmem>>) target_semaphore(%run_scoped3A : memref<!tpu.dma_semaphore, #tpu.memory_space<semaphore_mem>>)
        %dma_wait3A = tpu.memref_slice %arg3[%mul3A_793] : memref<100000xf32, #tpu.memory_space<hbm>> -> memref<800xf32, #tpu.memory_space<hbm>>
        %dma_wait3A_994 = tpu.memref_slice %arg3[%mul3A_793] : memref<100000xf32, #tpu.memory_space<hbm>> -> memref<800xf32, #tpu.memory_space<hbm>>
        tpu.wait_dma2 semaphore(%run_scoped3A : memref<!tpu.dma_semaphore, #tpu.memory_space<semaphore_mem>>) src(%dma_wait3A_994 : memref<800xf32, #tpu.memory_space<hbm>>) dst(%arg6 : memref<800xf32, #tpu.memory_space<vmem>>)
        tpu.yield
      }) : () -> ()
      %get3A = arith.constant 0 : index
      %get3A_794 = tpu.vector_load %arg5[%get3A] {strides = array<i32>} : memref<800xi32, #tpu.memory_space<vmem>>, vector<16xi32>,
      %get3A_795 = arith.constant 0 : index
      %get3A_796 = tpu.vector_load %arg6[%get3A_795] {strides = array<i32>} : memref<800xf32, #tpu.memory_space<vmem>>, vector<16xf32>,
      tpu.vector_store_idx %arg7[%get3A_794, %iota3A], %get3A_796 {add = true} : memref<128x16xf32, #tpu.memory_space<vmem>>[vector<16xi32>, vector<16xi32>], vector<16xf32>,
      %get3A_797 = arith.constant 16 : index
      %get3A_798 = tpu.vector_load %arg5[%get3A_797] {strides = array<i32>} : memref<800xi32, #tpu.memory_space<vmem>>, vector<16xi32>,
      %get3A_799 = arith.constant 16 : index
      %get3A_800 = tpu.vector_load %arg6[%get3A_799] {strides = array<i32>} : memref<800xf32, #tpu.memory_space<vmem>>, vector<16xf32>,
      tpu.vector_store_idx %arg7[%get3A_798, %iota3A], %get3A_800 {add = true} : memref<128x16xf32, #tpu.memory_space<vmem>>[vector<16xi32>, vector<16xi32>], vector<16xf32>,
      %get3A_801 = arith.constant 32 : index
      %get3A_802 = tpu.vector_load %arg5[%get3A_801] {strides = array<i32>} : memref<800xi32, #tpu.memory_space<vmem>>, vector<16xi32>,
      %get3A_803 = arith.constant 32 : index
      %get3A_804 = tpu.vector_load %arg6[%get3A_803] {strides = array<i32>} : memref<800xf32, #tpu.memory_space<vmem>>, vector<16xf32>,
      tpu.vector_store_idx %arg7[%get3A_802, %iota3A], %get3A_804 {add = true} : memref<128x16xf32, #tpu.memory_space<vmem>>[vector<16xi32>, vector<16xi32>], vector<16xf32>,
      %get3A_805 = arith.constant 48 : index
      %get3A_806 = tpu.vector_load %arg5[%get3A_805] {strides = array<i32>} : memref<800xi32, #tpu.memory_space<vmem>>, vector<16xi32>,
      %get3A_807 = arith.constant 48 : index
      %get3A_808 = tpu.vector_load %arg6[%get3A_807] {strides = array<i32>} : memref<800xf32, #tpu.memory_space<vmem>>, vector<16xf32>,
      tpu.vector_store_idx %arg7[%get3A_806, %iota3A], %get3A_808 {add = true} : memref<128x16xf32, #tpu.memory_space<vmem>>[vector<16xi32>, vector<16xi32>], vector<16xf32>,
      %get3A_809 = arith.constant 64 : index
      %get3A_810 = tpu.vector_load %arg5[%get3A_809] {strides = array<i32>} : memref<800xi32, #tpu.memory_space<vmem>>, vector<16xi32>,
      %get3A_811 = arith.constant 64 : index
      %get3A_812 = tpu.vector_load %arg6[%get3A_811] {strides = array<i32>} : memref<800xf32, #tpu.memory_space<vmem>>, vector<16xf32>,
      tpu.vector_store_idx %arg7[%get3A_810, %iota3A], %get3A_812 {add = true} : memref<128x16xf32, #tpu.memory_space<vmem>>[vector<16xi32>, vector<16xi32>], vector<16xf32>,
      %get3A_813 = arith.constant 80 : index
      %get3A_814 = tpu.vector_load %arg5[%get3A_813] {strides = array<i32>} : memref<800xi32, #tpu.memory_space<vmem>>, vector<16xi32>,
      %get3A_815 = arith.constant 80 : index
      %get3A_816 = tpu.vector_load %arg6[%get3A_815] {strides = array<i32>} : memref<800xf32, #tpu.memory_space<vmem>>, vector<16xf32>,
      tpu.vector_store_idx %arg7[%get3A_814, %iota3A], %get3A_816 {add = true} : memref<128x16xf32, #tpu.memory_space<vmem>>[vector<16xi32>, vector<16xi32>], vector<16xf32>,
      %get3A_817 = arith.constant 96 : index
      %get3A_818 = tpu.vector_load %arg5[%get3A_817] {strides = array<i32>} : memref<800xi32, #tpu.memory_space<vmem>>, vector<16xi32>,
      %get3A_819 = arith.constant 96 : index
      %get3A_820 = tpu.vector_load %arg6[%get3A_819] {strides = array<i32>} : memref<800xf32, #tpu.memory_space<vmem>>, vector<16xf32>,
      tpu.vector_store_idx %arg7[%get3A_818, %iota3A], %get3A_820 {add = true} : memref<128x16xf32, #tpu.memory_space<vmem>>[vector<16xi32>, vector<16xi32>], vector<16xf32>,
      %get3A_821 = arith.constant 112 : index
      %get3A_822 = tpu.vector_load %arg5[%get3A_821] {strides = array<i32>} : memref<800xi32, #tpu.memory_space<vmem>>, vector<16xi32>,
      %get3A_823 = arith.constant 112 : index
      %get3A_824 = tpu.vector_load %arg6[%get3A_823] {strides = array<i32>} : memref<800xf32, #tpu.memory_space<vmem>>, vector<16xf32>,
      tpu.vector_store_idx %arg7[%get3A_822, %iota3A], %get3A_824 {add = true} : memref<128x16xf32, #tpu.memory_space<vmem>>[vector<16xi32>, vector<16xi32>], vector<16xf32>,
      %get3A_825 = arith.constant 128 : index
      %get3A_826 = tpu.vector_load %arg5[%get3A_825] {strides = array<i32>} : memref<800xi32, #tpu.memory_space<vmem>>, vector<16xi32>,
      %get3A_827 = arith.constant 128 : index
      %get3A_828 = tpu.vector_load %arg6[%get3A_827] {strides = array<i32>} : memref<800xf32, #tpu.memory_space<vmem>>, vector<16xf32>,
      tpu.vector_store_idx %arg7[%get3A_826, %iota3A], %get3A_828 {add = true} : memref<128x16xf32, #tpu.memory_space<vmem>>[vector<16xi32>, vector<16xi32>], vector<16xf32>,
      %get3A_829 = arith.constant 144 : index
      %get3A_830 = tpu.vector_load %arg5[%get3A_829] {strides = array<i32>} : memref<800xi32, #tpu.memory_space<vmem>>, vector<16xi32>,
      %get3A_831 = arith.constant 144 : index
      %get3A_832 = tpu.vector_load %arg6[%get3A_831] {strides = array<i32>} : memref<800xf32, #tpu.memory_space<vmem>>, vector<16xf32>,
      tpu.vector_store_idx %arg7[%get3A_830, %iota3A], %get3A_832 {add = true} : memref<128x16xf32, #tpu.memory_space<vmem>>[vector<16xi32>, vector<16xi32>], vector<16xf32>,
      %get3A_833 = arith.constant 160 : index
      %get3A_834 = tpu.vector_load %arg5[%get3A_833] {strides = array<i32>} : memref<800xi32, #tpu.memory_space<vmem>>, vector<16xi32>,
      %get3A_835 = arith.constant 160 : index
      %get3A_836 = tpu.vector_load %arg6[%get3A_835] {strides = array<i32>} : memref<800xf32, #tpu.memory_space<vmem>>, vector<16xf32>,
      tpu.vector_store_idx %arg7[%get3A_834, %iota3A], %get3A_836 {add = true} : memref<128x16xf32, #tpu.memory_space<vmem>>[vector<16xi32>, vector<16xi32>], vector<16xf32>,
      %get3A_837 = arith.constant 176 : index
      %get3A_838 = tpu.vector_load %arg5[%get3A_837] {strides = array<i32>} : memref<800xi32, #tpu.memory_space<vmem>>, vector<16xi32>,
      %get3A_839 = arith.constant 176 : index
      %get3A_840 = tpu.vector_load %arg6[%get3A_839] {strides = array<i32>} : memref<800xf32, #tpu.memory_space<vmem>>, vector<16xf32>,
      tpu.vector_store_idx %arg7[%get3A_838, %iota3A], %get3A_840 {add = true} : memref<128x16xf32, #tpu.memory_space<vmem>>[vector<16xi32>, vector<16xi32>], vector<16xf32>,
      %get3A_841 = arith.constant 192 : index
      %get3A_842 = tpu.vector_load %arg5[%get3A_841] {strides = array<i32>} : memref<800xi32, #tpu.memory_space<vmem>>, vector<16xi32>,
      %get3A_843 = arith.constant 192 : index
      %get3A_844 = tpu.vector_load %arg6[%get3A_843] {strides = array<i32>} : memref<800xf32, #tpu.memory_space<vmem>>, vector<16xf32>,
      tpu.vector_store_idx %arg7[%get3A_842, %iota3A], %get3A_844 {add = true} : memref<128x16xf32, #tpu.memory_space<vmem>>[vector<16xi32>, vector<16xi32>], vector<16xf32>,
      %get3A_845 = arith.constant 208 : index
      %get3A_846 = tpu.vector_load %arg5[%get3A_845] {strides = array<i32>} : memref<800xi32, #tpu.memory_space<vmem>>, vector<16xi32>,
      %get3A_847 = arith.constant 208 : index
      %get3A_848 = tpu.vector_load %arg6[%get3A_847] {strides = array<i32>} : memref<800xf32, #tpu.memory_space<vmem>>, vector<16xf32>,
      tpu.vector_store_idx %arg7[%get3A_846, %iota3A], %get3A_848 {add = true} : memref<128x16xf32, #tpu.memory_space<vmem>>[vector<16xi32>, vector<16xi32>], vector<16xf32>,
      %get3A_849 = arith.constant 224 : index
      %get3A_850 = tpu.vector_load %arg5[%get3A_849] {strides = array<i32>} : memref<800xi32, #tpu.memory_space<vmem>>, vector<16xi32>,
      %get3A_851 = arith.constant 224 : index
      %get3A_852 = tpu.vector_load %arg6[%get3A_851] {strides = array<i32>} : memref<800xf32, #tpu.memory_space<vmem>>, vector<16xf32>,
      tpu.vector_store_idx %arg7[%get3A_850, %iota3A], %get3A_852 {add = true} : memref<128x16xf32, #tpu.memory_space<vmem>>[vector<16xi32>, vector<16xi32>], vector<16xf32>,
      %get3A_853 = arith.constant 240 : index
      %get3A_854 = tpu.vector_load %arg5[%get3A_853] {strides = array<i32>} : memref<800xi32, #tpu.memory_space<vmem>>, vector<16xi32>,
      %get3A_855 = arith.constant 240 : index
      %get3A_856 = tpu.vector_load %arg6[%get3A_855] {strides = array<i32>} : memref<800xf32, #tpu.memory_space<vmem>>, vector<16xf32>,
      tpu.vector_store_idx %arg7[%get3A_854, %iota3A], %get3A_856 {add = true} : memref<128x16xf32, #tpu.memory_space<vmem>>[vector<16xi32>, vector<16xi32>], vector<16xf32>,
      %get3A_857 = arith.constant 256 : index
      %get3A_858 = tpu.vector_load %arg5[%get3A_857] {strides = array<i32>} : memref<800xi32, #tpu.memory_space<vmem>>, vector<16xi32>,
      %get3A_859 = arith.constant 256 : index
      %get3A_860 = tpu.vector_load %arg6[%get3A_859] {strides = array<i32>} : memref<800xf32, #tpu.memory_space<vmem>>, vector<16xf32>,
      tpu.vector_store_idx %arg7[%get3A_858, %iota3A], %get3A_860 {add = true} : memref<128x16xf32, #tpu.memory_space<vmem>>[vector<16xi32>, vector<16xi32>], vector<16xf32>,
      %get3A_861 = arith.constant 272 : index
      %get3A_862 = tpu.vector_load %arg5[%get3A_861] {strides = array<i32>} : memref<800xi32, #tpu.memory_space<vmem>>, vector<16xi32>,
      %get3A_863 = arith.constant 272 : index
      %get3A_864 = tpu.vector_load %arg6[%get3A_863] {strides = array<i32>} : memref<800xf32, #tpu.memory_space<vmem>>, vector<16xf32>,
      tpu.vector_store_idx %arg7[%get3A_862, %iota3A], %get3A_864 {add = true} : memref<128x16xf32, #tpu.memory_space<vmem>>[vector<16xi32>, vector<16xi32>], vector<16xf32>,
      %get3A_865 = arith.constant 288 : index
      %get3A_866 = tpu.vector_load %arg5[%get3A_865] {strides = array<i32>} : memref<800xi32, #tpu.memory_space<vmem>>, vector<16xi32>,
      %get3A_867 = arith.constant 288 : index
      %get3A_868 = tpu.vector_load %arg6[%get3A_867] {strides = array<i32>} : memref<800xf32, #tpu.memory_space<vmem>>, vector<16xf32>,
      tpu.vector_store_idx %arg7[%get3A_866, %iota3A], %get3A_868 {add = true} : memref<128x16xf32, #tpu.memory_space<vmem>>[vector<16xi32>, vector<16xi32>], vector<16xf32>,
      %get3A_869 = arith.constant 304 : index
      %get3A_870 = tpu.vector_load %arg5[%get3A_869] {strides = array<i32>} : memref<800xi32, #tpu.memory_space<vmem>>, vector<16xi32>,
      %get3A_871 = arith.constant 304 : index
      %get3A_872 = tpu.vector_load %arg6[%get3A_871] {strides = array<i32>} : memref<800xf32, #tpu.memory_space<vmem>>, vector<16xf32>,
      tpu.vector_store_idx %arg7[%get3A_870, %iota3A], %get3A_872 {add = true} : memref<128x16xf32, #tpu.memory_space<vmem>>[vector<16xi32>, vector<16xi32>], vector<16xf32>,
      %get3A_873 = arith.constant 320 : index
      %get3A_874 = tpu.vector_load %arg5[%get3A_873] {strides = array<i32>} : memref<800xi32, #tpu.memory_space<vmem>>, vector<16xi32>,
      %get3A_875 = arith.constant 320 : index
      %get3A_876 = tpu.vector_load %arg6[%get3A_875] {strides = array<i32>} : memref<800xf32, #tpu.memory_space<vmem>>, vector<16xf32>,
      tpu.vector_store_idx %arg7[%get3A_874, %iota3A], %get3A_876 {add = true} : memref<128x16xf32, #tpu.memory_space<vmem>>[vector<16xi32>, vector<16xi32>], vector<16xf32>,
      %get3A_877 = arith.constant 336 : index
      %get3A_878 = tpu.vector_load %arg5[%get3A_877] {strides = array<i32>} : memref<800xi32, #tpu.memory_space<vmem>>, vector<16xi32>,
      %get3A_879 = arith.constant 336 : index
      %get3A_880 = tpu.vector_load %arg6[%get3A_879] {strides = array<i32>} : memref<800xf32, #tpu.memory_space<vmem>>, vector<16xf32>,
      tpu.vector_store_idx %arg7[%get3A_878, %iota3A], %get3A_880 {add = true} : memref<128x16xf32, #tpu.memory_space<vmem>>[vector<16xi32>, vector<16xi32>], vector<16xf32>,
      %get3A_881 = arith.constant 352 : index
      %get3A_882 = tpu.vector_load %arg5[%get3A_881] {strides = array<i32>} : memref<800xi32, #tpu.memory_space<vmem>>, vector<16xi32>,
      %get3A_883 = arith.constant 352 : index
      %get3A_884 = tpu.vector_load %arg6[%get3A_883] {strides = array<i32>} : memref<800xf32, #tpu.memory_space<vmem>>, vector<16xf32>,
      tpu.vector_store_idx %arg7[%get3A_882, %iota3A], %get3A_884 {add = true} : memref<128x16xf32, #tpu.memory_space<vmem>>[vector<16xi32>, vector<16xi32>], vector<16xf32>,
      %get3A_885 = arith.constant 368 : index
      %get3A_886 = tpu.vector_load %arg5[%get3A_885] {strides = array<i32>} : memref<800xi32, #tpu.memory_space<vmem>>, vector<16xi32>,
      %get3A_887 = arith.constant 368 : index
      %get3A_888 = tpu.vector_load %arg6[%get3A_887] {strides = array<i32>} : memref<800xf32, #tpu.memory_space<vmem>>, vector<16xf32>,
      tpu.vector_store_idx %arg7[%get3A_886, %iota3A], %get3A_888 {add = true} : memref<128x16xf32, #tpu.memory_space<vmem>>[vector<16xi32>, vector<16xi32>], vector<16xf32>,
      %get3A_889 = arith.constant 384 : index
      %get3A_890 = tpu.vector_load %arg5[%get3A_889] {strides = array<i32>} : memref<800xi32, #tpu.memory_space<vmem>>, vector<16xi32>,
      %get3A_891 = arith.constant 384 : index
      %get3A_892 = tpu.vector_load %arg6[%get3A_891] {strides = array<i32>} : memref<800xf32, #tpu.memory_space<vmem>>, vector<16xf32>,
      tpu.vector_store_idx %arg7[%get3A_890, %iota3A], %get3A_892 {add = true} : memref<128x16xf32, #tpu.memory_space<vmem>>[vector<16xi32>, vector<16xi32>], vector<16xf32>,
      %get3A_893 = arith.constant 400 : index
      %get3A_894 = tpu.vector_load %arg5[%get3A_893] {strides = array<i32>} : memref<800xi32, #tpu.memory_space<vmem>>, vector<16xi32>,
      %get3A_895 = arith.constant 400 : index
      %get3A_896 = tpu.vector_load %arg6[%get3A_895] {strides = array<i32>} : memref<800xf32, #tpu.memory_space<vmem>>, vector<16xf32>,
      tpu.vector_store_idx %arg7[%get3A_894, %iota3A], %get3A_896 {add = true} : memref<128x16xf32, #tpu.memory_space<vmem>>[vector<16xi32>, vector<16xi32>], vector<16xf32>,
      %get3A_897 = arith.constant 416 : index
      %get3A_898 = tpu.vector_load %arg5[%get3A_897] {strides = array<i32>} : memref<800xi32, #tpu.memory_space<vmem>>, vector<16xi32>,
      %get3A_899 = arith.constant 416 : index
      %get3A_900 = tpu.vector_load %arg6[%get3A_899] {strides = array<i32>} : memref<800xf32, #tpu.memory_space<vmem>>, vector<16xf32>,
      tpu.vector_store_idx %arg7[%get3A_898, %iota3A], %get3A_900 {add = true} : memref<128x16xf32, #tpu.memory_space<vmem>>[vector<16xi32>, vector<16xi32>], vector<16xf32>,
      %get3A_901 = arith.constant 432 : index
      %get3A_902 = tpu.vector_load %arg5[%get3A_901] {strides = array<i32>} : memref<800xi32, #tpu.memory_space<vmem>>, vector<16xi32>,
      %get3A_903 = arith.constant 432 : index
      %get3A_904 = tpu.vector_load %arg6[%get3A_903] {strides = array<i32>} : memref<800xf32, #tpu.memory_space<vmem>>, vector<16xf32>,
      tpu.vector_store_idx %arg7[%get3A_902, %iota3A], %get3A_904 {add = true} : memref<128x16xf32, #tpu.memory_space<vmem>>[vector<16xi32>, vector<16xi32>], vector<16xf32>,
      %get3A_905 = arith.constant 448 : index
      %get3A_906 = tpu.vector_load %arg5[%get3A_905] {strides = array<i32>} : memref<800xi32, #tpu.memory_space<vmem>>, vector<16xi32>,
      %get3A_907 = arith.constant 448 : index
      %get3A_908 = tpu.vector_load %arg6[%get3A_907] {strides = array<i32>} : memref<800xf32, #tpu.memory_space<vmem>>, vector<16xf32>,
      tpu.vector_store_idx %arg7[%get3A_906, %iota3A], %get3A_908 {add = true} : memref<128x16xf32, #tpu.memory_space<vmem>>[vector<16xi32>, vector<16xi32>], vector<16xf32>,
      %get3A_909 = arith.constant 464 : index
      %get3A_910 = tpu.vector_load %arg5[%get3A_909] {strides = array<i32>} : memref<800xi32, #tpu.memory_space<vmem>>, vector<16xi32>,
      %get3A_911 = arith.constant 464 : index
      %get3A_912 = tpu.vector_load %arg6[%get3A_911] {strides = array<i32>} : memref<800xf32, #tpu.memory_space<vmem>>, vector<16xf32>,
      tpu.vector_store_idx %arg7[%get3A_910, %iota3A], %get3A_912 {add = true} : memref<128x16xf32, #tpu.memory_space<vmem>>[vector<16xi32>, vector<16xi32>], vector<16xf32>,
      %get3A_913 = arith.constant 480 : index
      %get3A_914 = tpu.vector_load %arg5[%get3A_913] {strides = array<i32>} : memref<800xi32, #tpu.memory_space<vmem>>, vector<16xi32>,
      %get3A_915 = arith.constant 480 : index
      %get3A_916 = tpu.vector_load %arg6[%get3A_915] {strides = array<i32>} : memref<800xf32, #tpu.memory_space<vmem>>, vector<16xf32>,
      tpu.vector_store_idx %arg7[%get3A_914, %iota3A], %get3A_916 {add = true} : memref<128x16xf32, #tpu.memory_space<vmem>>[vector<16xi32>, vector<16xi32>], vector<16xf32>,
      %get3A_917 = arith.constant 496 : index
      %get3A_918 = tpu.vector_load %arg5[%get3A_917] {strides = array<i32>} : memref<800xi32, #tpu.memory_space<vmem>>, vector<16xi32>,
      %get3A_919 = arith.constant 496 : index
      %get3A_920 = tpu.vector_load %arg6[%get3A_919] {strides = array<i32>} : memref<800xf32, #tpu.memory_space<vmem>>, vector<16xf32>,
      tpu.vector_store_idx %arg7[%get3A_918, %iota3A], %get3A_920 {add = true} : memref<128x16xf32, #tpu.memory_space<vmem>>[vector<16xi32>, vector<16xi32>], vector<16xf32>,
      %get3A_921 = arith.constant 512 : index
      %get3A_922 = tpu.vector_load %arg5[%get3A_921] {strides = array<i32>} : memref<800xi32, #tpu.memory_space<vmem>>, vector<16xi32>,
      %get3A_923 = arith.constant 512 : index
      %get3A_924 = tpu.vector_load %arg6[%get3A_923] {strides = array<i32>} : memref<800xf32, #tpu.memory_space<vmem>>, vector<16xf32>,
      tpu.vector_store_idx %arg7[%get3A_922, %iota3A], %get3A_924 {add = true} : memref<128x16xf32, #tpu.memory_space<vmem>>[vector<16xi32>, vector<16xi32>], vector<16xf32>,
      %get3A_925 = arith.constant 528 : index
      %get3A_926 = tpu.vector_load %arg5[%get3A_925] {strides = array<i32>} : memref<800xi32, #tpu.memory_space<vmem>>, vector<16xi32>,
      %get3A_927 = arith.constant 528 : index
      %get3A_928 = tpu.vector_load %arg6[%get3A_927] {strides = array<i32>} : memref<800xf32, #tpu.memory_space<vmem>>, vector<16xf32>,
      tpu.vector_store_idx %arg7[%get3A_926, %iota3A], %get3A_928 {add = true} : memref<128x16xf32, #tpu.memory_space<vmem>>[vector<16xi32>, vector<16xi32>], vector<16xf32>,
      %get3A_929 = arith.constant 544 : index
      %get3A_930 = tpu.vector_load %arg5[%get3A_929] {strides = array<i32>} : memref<800xi32, #tpu.memory_space<vmem>>, vector<16xi32>,
      %get3A_931 = arith.constant 544 : index
      %get3A_932 = tpu.vector_load %arg6[%get3A_931] {strides = array<i32>} : memref<800xf32, #tpu.memory_space<vmem>>, vector<16xf32>,
      tpu.vector_store_idx %arg7[%get3A_930, %iota3A], %get3A_932 {add = true} : memref<128x16xf32, #tpu.memory_space<vmem>>[vector<16xi32>, vector<16xi32>], vector<16xf32>,
      %get3A_933 = arith.constant 560 : index
      %get3A_934 = tpu.vector_load %arg5[%get3A_933] {strides = array<i32>} : memref<800xi32, #tpu.memory_space<vmem>>, vector<16xi32>,
      %get3A_935 = arith.constant 560 : index
      %get3A_936 = tpu.vector_load %arg6[%get3A_935] {strides = array<i32>} : memref<800xf32, #tpu.memory_space<vmem>>, vector<16xf32>,
      tpu.vector_store_idx %arg7[%get3A_934, %iota3A], %get3A_936 {add = true} : memref<128x16xf32, #tpu.memory_space<vmem>>[vector<16xi32>, vector<16xi32>], vector<16xf32>,
      %get3A_937 = arith.constant 576 : index
      %get3A_938 = tpu.vector_load %arg5[%get3A_937] {strides = array<i32>} : memref<800xi32, #tpu.memory_space<vmem>>, vector<16xi32>,
      %get3A_939 = arith.constant 576 : index
      %get3A_940 = tpu.vector_load %arg6[%get3A_939] {strides = array<i32>} : memref<800xf32, #tpu.memory_space<vmem>>, vector<16xf32>,
      tpu.vector_store_idx %arg7[%get3A_938, %iota3A], %get3A_940 {add = true} : memref<128x16xf32, #tpu.memory_space<vmem>>[vector<16xi32>, vector<16xi32>], vector<16xf32>,
      %get3A_941 = arith.constant 592 : index
      %get3A_942 = tpu.vector_load %arg5[%get3A_941] {strides = array<i32>} : memref<800xi32, #tpu.memory_space<vmem>>, vector<16xi32>,
      %get3A_943 = arith.constant 592 : index
      %get3A_944 = tpu.vector_load %arg6[%get3A_943] {strides = array<i32>} : memref<800xf32, #tpu.memory_space<vmem>>, vector<16xf32>,
      tpu.vector_store_idx %arg7[%get3A_942, %iota3A], %get3A_944 {add = true} : memref<128x16xf32, #tpu.memory_space<vmem>>[vector<16xi32>, vector<16xi32>], vector<16xf32>,
      %get3A_945 = arith.constant 608 : index
      %get3A_946 = tpu.vector_load %arg5[%get3A_945] {strides = array<i32>} : memref<800xi32, #tpu.memory_space<vmem>>, vector<16xi32>,
      %get3A_947 = arith.constant 608 : index
      %get3A_948 = tpu.vector_load %arg6[%get3A_947] {strides = array<i32>} : memref<800xf32, #tpu.memory_space<vmem>>, vector<16xf32>,
      tpu.vector_store_idx %arg7[%get3A_946, %iota3A], %get3A_948 {add = true} : memref<128x16xf32, #tpu.memory_space<vmem>>[vector<16xi32>, vector<16xi32>], vector<16xf32>,
      %get3A_949 = arith.constant 624 : index
      %get3A_950 = tpu.vector_load %arg5[%get3A_949] {strides = array<i32>} : memref<800xi32, #tpu.memory_space<vmem>>, vector<16xi32>,
      %get3A_951 = arith.constant 624 : index
      %get3A_952 = tpu.vector_load %arg6[%get3A_951] {strides = array<i32>} : memref<800xf32, #tpu.memory_space<vmem>>, vector<16xf32>,
      tpu.vector_store_idx %arg7[%get3A_950, %iota3A], %get3A_952 {add = true} : memref<128x16xf32, #tpu.memory_space<vmem>>[vector<16xi32>, vector<16xi32>], vector<16xf32>,
      %get3A_953 = arith.constant 640 : index
      %get3A_954 = tpu.vector_load %arg5[%get3A_953] {strides = array<i32>} : memref<800xi32, #tpu.memory_space<vmem>>, vector<16xi32>,
      %get3A_955 = arith.constant 640 : index
      %get3A_956 = tpu.vector_load %arg6[%get3A_955] {strides = array<i32>} : memref<800xf32, #tpu.memory_space<vmem>>, vector<16xf32>,
      tpu.vector_store_idx %arg7[%get3A_954, %iota3A], %get3A_956 {add = true} : memref<128x16xf32, #tpu.memory_space<vmem>>[vector<16xi32>, vector<16xi32>], vector<16xf32>,
      %get3A_957 = arith.constant 656 : index
      %get3A_958 = tpu.vector_load %arg5[%get3A_957] {strides = array<i32>} : memref<800xi32, #tpu.memory_space<vmem>>, vector<16xi32>,
      %get3A_959 = arith.constant 656 : index
      %get3A_960 = tpu.vector_load %arg6[%get3A_959] {strides = array<i32>} : memref<800xf32, #tpu.memory_space<vmem>>, vector<16xf32>,
      tpu.vector_store_idx %arg7[%get3A_958, %iota3A], %get3A_960 {add = true} : memref<128x16xf32, #tpu.memory_space<vmem>>[vector<16xi32>, vector<16xi32>], vector<16xf32>,
      %get3A_961 = arith.constant 672 : index
      %get3A_962 = tpu.vector_load %arg5[%get3A_961] {strides = array<i32>} : memref<800xi32, #tpu.memory_space<vmem>>, vector<16xi32>,
      %get3A_963 = arith.constant 672 : index
      %get3A_964 = tpu.vector_load %arg6[%get3A_963] {strides = array<i32>} : memref<800xf32, #tpu.memory_space<vmem>>, vector<16xf32>,
      tpu.vector_store_idx %arg7[%get3A_962, %iota3A], %get3A_964 {add = true} : memref<128x16xf32, #tpu.memory_space<vmem>>[vector<16xi32>, vector<16xi32>], vector<16xf32>,
      %get3A_965 = arith.constant 688 : index
      %get3A_966 = tpu.vector_load %arg5[%get3A_965] {strides = array<i32>} : memref<800xi32, #tpu.memory_space<vmem>>, vector<16xi32>,
      %get3A_967 = arith.constant 688 : index
      %get3A_968 = tpu.vector_load %arg6[%get3A_967] {strides = array<i32>} : memref<800xf32, #tpu.memory_space<vmem>>, vector<16xf32>,
      tpu.vector_store_idx %arg7[%get3A_966, %iota3A], %get3A_968 {add = true} : memref<128x16xf32, #tpu.memory_space<vmem>>[vector<16xi32>, vector<16xi32>], vector<16xf32>,
      %get3A_969 = arith.constant 704 : index
      %get3A_970 = tpu.vector_load %arg5[%get3A_969] {strides = array<i32>} : memref<800xi32, #tpu.memory_space<vmem>>, vector<16xi32>,
      %get3A_971 = arith.constant 704 : index
      %get3A_972 = tpu.vector_load %arg6[%get3A_971] {strides = array<i32>} : memref<800xf32, #tpu.memory_space<vmem>>, vector<16xf32>,
      tpu.vector_store_idx %arg7[%get3A_970, %iota3A], %get3A_972 {add = true} : memref<128x16xf32, #tpu.memory_space<vmem>>[vector<16xi32>, vector<16xi32>], vector<16xf32>,
      %get3A_973 = arith.constant 720 : index
      %get3A_974 = tpu.vector_load %arg5[%get3A_973] {strides = array<i32>} : memref<800xi32, #tpu.memory_space<vmem>>, vector<16xi32>,
      %get3A_975 = arith.constant 720 : index
      %get3A_976 = tpu.vector_load %arg6[%get3A_975] {strides = array<i32>} : memref<800xf32, #tpu.memory_space<vmem>>, vector<16xf32>,
      tpu.vector_store_idx %arg7[%get3A_974, %iota3A], %get3A_976 {add = true} : memref<128x16xf32, #tpu.memory_space<vmem>>[vector<16xi32>, vector<16xi32>], vector<16xf32>,
      %get3A_977 = arith.constant 736 : index
      %get3A_978 = tpu.vector_load %arg5[%get3A_977] {strides = array<i32>} : memref<800xi32, #tpu.memory_space<vmem>>, vector<16xi32>,
      %get3A_979 = arith.constant 736 : index
      %get3A_980 = tpu.vector_load %arg6[%get3A_979] {strides = array<i32>} : memref<800xf32, #tpu.memory_space<vmem>>, vector<16xf32>,
      tpu.vector_store_idx %arg7[%get3A_978, %iota3A], %get3A_980 {add = true} : memref<128x16xf32, #tpu.memory_space<vmem>>[vector<16xi32>, vector<16xi32>], vector<16xf32>,
      %get3A_981 = arith.constant 752 : index
      %get3A_982 = tpu.vector_load %arg5[%get3A_981] {strides = array<i32>} : memref<800xi32, #tpu.memory_space<vmem>>, vector<16xi32>,
      %get3A_983 = arith.constant 752 : index
      %get3A_984 = tpu.vector_load %arg6[%get3A_983] {strides = array<i32>} : memref<800xf32, #tpu.memory_space<vmem>>, vector<16xf32>,
      tpu.vector_store_idx %arg7[%get3A_982, %iota3A], %get3A_984 {add = true} : memref<128x16xf32, #tpu.memory_space<vmem>>[vector<16xi32>, vector<16xi32>], vector<16xf32>,
      %get3A_985 = arith.constant 768 : index
      %get3A_986 = tpu.vector_load %arg5[%get3A_985] {strides = array<i32>} : memref<800xi32, #tpu.memory_space<vmem>>, vector<16xi32>,
      %get3A_987 = arith.constant 768 : index
      %get3A_988 = tpu.vector_load %arg6[%get3A_987] {strides = array<i32>} : memref<800xf32, #tpu.memory_space<vmem>>, vector<16xf32>,
      tpu.vector_store_idx %arg7[%get3A_986, %iota3A], %get3A_988 {add = true} : memref<128x16xf32, #tpu.memory_space<vmem>>[vector<16xi32>, vector<16xi32>], vector<16xf32>,
      %get3A_989 = arith.constant 784 : index
      %get3A_990 = tpu.vector_load %arg5[%get3A_989] {strides = array<i32>} : memref<800xi32, #tpu.memory_space<vmem>>, vector<16xi32>,
      %get3A_991 = arith.constant 784 : index
      %get3A_992 = tpu.vector_load %arg6[%get3A_991] {strides = array<i32>} : memref<800xf32, #tpu.memory_space<vmem>>, vector<16xf32>,
      tpu.vector_store_idx %arg7[%get3A_990, %iota3A], %get3A_992 {add = true} : memref<128x16xf32, #tpu.memory_space<vmem>>[vector<16xi32>, vector<16xi32>], vector<16xf32>,
    } else {
    }
    %add3A_785 = arith.constant 96 : i32
    %add3A_786 = arith.addi %add3A, %add3A_785 : i32
    %lt3A_787 = arith.constant 125 : i32
    %lt3A_788 = arith.cmpi slt, %add3A_786, %lt3A_787 : i32
    %convert_element_type3A_789 = arith.extui %lt3A_788 : i1 to i32
    %cond3A_790 = arith.constant 0 : i32
    %cond3A_791 = arith.cmpi ne, %convert_element_type3A_789, %cond3A_790 : i32
    scf.if %cond3A_791 {
      %mul3A_792 = arith.constant 800 : i32
      %mul3A_793 = arith.muli %add3A_786, %mul3A_792 : i32
      "tpu.region"() ({
        %run_scoped3A = tpu.sem_alloc : memref<!tpu.dma_semaphore, #tpu.memory_space<semaphore_mem>>
        %dma_start3A = tpu.memref_slice %arg2[%mul3A_793] : memref<100000xi32, #tpu.memory_space<hbm>> -> memref<800xi32, #tpu.memory_space<hbm>>
        %dma_start3A_993 = tpu.memref_slice %arg2[%mul3A_793] : memref<100000xi32, #tpu.memory_space<hbm>> -> memref<800xi32, #tpu.memory_space<hbm>>
        tpu.enqueue_dma source(%dma_start3A_993 : memref<800xi32, #tpu.memory_space<hbm>>) target(%arg5 : memref<800xi32, #tpu.memory_space<vmem>>) target_semaphore(%run_scoped3A : memref<!tpu.dma_semaphore, #tpu.memory_space<semaphore_mem>>)
        %dma_wait3A = tpu.memref_slice %arg2[%mul3A_793] : memref<100000xi32, #tpu.memory_space<hbm>> -> memref<800xi32, #tpu.memory_space<hbm>>
        %dma_wait3A_994 = tpu.memref_slice %arg2[%mul3A_793] : memref<100000xi32, #tpu.memory_space<hbm>> -> memref<800xi32, #tpu.memory_space<hbm>>
        tpu.wait_dma2 semaphore(%run_scoped3A : memref<!tpu.dma_semaphore, #tpu.memory_space<semaphore_mem>>) src(%dma_wait3A_994 : memref<800xi32, #tpu.memory_space<hbm>>) dst(%arg5 : memref<800xi32, #tpu.memory_space<vmem>>)
        tpu.yield
      }) : () -> ()
      "tpu.region"() ({
        %run_scoped3A = tpu.sem_alloc : memref<!tpu.dma_semaphore, #tpu.memory_space<semaphore_mem>>
        %dma_start3A = tpu.memref_slice %arg3[%mul3A_793] : memref<100000xf32, #tpu.memory_space<hbm>> -> memref<800xf32, #tpu.memory_space<hbm>>
        %dma_start3A_993 = tpu.memref_slice %arg3[%mul3A_793] : memref<100000xf32, #tpu.memory_space<hbm>> -> memref<800xf32, #tpu.memory_space<hbm>>
        tpu.enqueue_dma source(%dma_start3A_993 : memref<800xf32, #tpu.memory_space<hbm>>) target(%arg6 : memref<800xf32, #tpu.memory_space<vmem>>) target_semaphore(%run_scoped3A : memref<!tpu.dma_semaphore, #tpu.memory_space<semaphore_mem>>)
        %dma_wait3A = tpu.memref_slice %arg3[%mul3A_793] : memref<100000xf32, #tpu.memory_space<hbm>> -> memref<800xf32, #tpu.memory_space<hbm>>
        %dma_wait3A_994 = tpu.memref_slice %arg3[%mul3A_793] : memref<100000xf32, #tpu.memory_space<hbm>> -> memref<800xf32, #tpu.memory_space<hbm>>
        tpu.wait_dma2 semaphore(%run_scoped3A : memref<!tpu.dma_semaphore, #tpu.memory_space<semaphore_mem>>) src(%dma_wait3A_994 : memref<800xf32, #tpu.memory_space<hbm>>) dst(%arg6 : memref<800xf32, #tpu.memory_space<vmem>>)
        tpu.yield
      }) : () -> ()
      %get3A = arith.constant 0 : index
      %get3A_794 = tpu.vector_load %arg5[%get3A] {strides = array<i32>} : memref<800xi32, #tpu.memory_space<vmem>>, vector<16xi32>,
      %get3A_795 = arith.constant 0 : index
      %get3A_796 = tpu.vector_load %arg6[%get3A_795] {strides = array<i32>} : memref<800xf32, #tpu.memory_space<vmem>>, vector<16xf32>,
      tpu.vector_store_idx %arg7[%get3A_794, %iota3A], %get3A_796 {add = true} : memref<128x16xf32, #tpu.memory_space<vmem>>[vector<16xi32>, vector<16xi32>], vector<16xf32>,
      %get3A_797 = arith.constant 16 : index
      %get3A_798 = tpu.vector_load %arg5[%get3A_797] {strides = array<i32>} : memref<800xi32, #tpu.memory_space<vmem>>, vector<16xi32>,
      %get3A_799 = arith.constant 16 : index
      %get3A_800 = tpu.vector_load %arg6[%get3A_799] {strides = array<i32>} : memref<800xf32, #tpu.memory_space<vmem>>, vector<16xf32>,
      tpu.vector_store_idx %arg7[%get3A_798, %iota3A], %get3A_800 {add = true} : memref<128x16xf32, #tpu.memory_space<vmem>>[vector<16xi32>, vector<16xi32>], vector<16xf32>,
      %get3A_801 = arith.constant 32 : index
      %get3A_802 = tpu.vector_load %arg5[%get3A_801] {strides = array<i32>} : memref<800xi32, #tpu.memory_space<vmem>>, vector<16xi32>,
      %get3A_803 = arith.constant 32 : index
      %get3A_804 = tpu.vector_load %arg6[%get3A_803] {strides = array<i32>} : memref<800xf32, #tpu.memory_space<vmem>>, vector<16xf32>,
      tpu.vector_store_idx %arg7[%get3A_802, %iota3A], %get3A_804 {add = true} : memref<128x16xf32, #tpu.memory_space<vmem>>[vector<16xi32>, vector<16xi32>], vector<16xf32>,
      %get3A_805 = arith.constant 48 : index
      %get3A_806 = tpu.vector_load %arg5[%get3A_805] {strides = array<i32>} : memref<800xi32, #tpu.memory_space<vmem>>, vector<16xi32>,
      %get3A_807 = arith.constant 48 : index
      %get3A_808 = tpu.vector_load %arg6[%get3A_807] {strides = array<i32>} : memref<800xf32, #tpu.memory_space<vmem>>, vector<16xf32>,
      tpu.vector_store_idx %arg7[%get3A_806, %iota3A], %get3A_808 {add = true} : memref<128x16xf32, #tpu.memory_space<vmem>>[vector<16xi32>, vector<16xi32>], vector<16xf32>,
      %get3A_809 = arith.constant 64 : index
      %get3A_810 = tpu.vector_load %arg5[%get3A_809] {strides = array<i32>} : memref<800xi32, #tpu.memory_space<vmem>>, vector<16xi32>,
      %get3A_811 = arith.constant 64 : index
      %get3A_812 = tpu.vector_load %arg6[%get3A_811] {strides = array<i32>} : memref<800xf32, #tpu.memory_space<vmem>>, vector<16xf32>,
      tpu.vector_store_idx %arg7[%get3A_810, %iota3A], %get3A_812 {add = true} : memref<128x16xf32, #tpu.memory_space<vmem>>[vector<16xi32>, vector<16xi32>], vector<16xf32>,
      %get3A_813 = arith.constant 80 : index
      %get3A_814 = tpu.vector_load %arg5[%get3A_813] {strides = array<i32>} : memref<800xi32, #tpu.memory_space<vmem>>, vector<16xi32>,
      %get3A_815 = arith.constant 80 : index
      %get3A_816 = tpu.vector_load %arg6[%get3A_815] {strides = array<i32>} : memref<800xf32, #tpu.memory_space<vmem>>, vector<16xf32>,
      tpu.vector_store_idx %arg7[%get3A_814, %iota3A], %get3A_816 {add = true} : memref<128x16xf32, #tpu.memory_space<vmem>>[vector<16xi32>, vector<16xi32>], vector<16xf32>,
      %get3A_817 = arith.constant 96 : index
      %get3A_818 = tpu.vector_load %arg5[%get3A_817] {strides = array<i32>} : memref<800xi32, #tpu.memory_space<vmem>>, vector<16xi32>,
      %get3A_819 = arith.constant 96 : index
      %get3A_820 = tpu.vector_load %arg6[%get3A_819] {strides = array<i32>} : memref<800xf32, #tpu.memory_space<vmem>>, vector<16xf32>,
      tpu.vector_store_idx %arg7[%get3A_818, %iota3A], %get3A_820 {add = true} : memref<128x16xf32, #tpu.memory_space<vmem>>[vector<16xi32>, vector<16xi32>], vector<16xf32>,
      %get3A_821 = arith.constant 112 : index
      %get3A_822 = tpu.vector_load %arg5[%get3A_821] {strides = array<i32>} : memref<800xi32, #tpu.memory_space<vmem>>, vector<16xi32>,
      %get3A_823 = arith.constant 112 : index
      %get3A_824 = tpu.vector_load %arg6[%get3A_823] {strides = array<i32>} : memref<800xf32, #tpu.memory_space<vmem>>, vector<16xf32>,
      tpu.vector_store_idx %arg7[%get3A_822, %iota3A], %get3A_824 {add = true} : memref<128x16xf32, #tpu.memory_space<vmem>>[vector<16xi32>, vector<16xi32>], vector<16xf32>,
      %get3A_825 = arith.constant 128 : index
      %get3A_826 = tpu.vector_load %arg5[%get3A_825] {strides = array<i32>} : memref<800xi32, #tpu.memory_space<vmem>>, vector<16xi32>,
      %get3A_827 = arith.constant 128 : index
      %get3A_828 = tpu.vector_load %arg6[%get3A_827] {strides = array<i32>} : memref<800xf32, #tpu.memory_space<vmem>>, vector<16xf32>,
      tpu.vector_store_idx %arg7[%get3A_826, %iota3A], %get3A_828 {add = true} : memref<128x16xf32, #tpu.memory_space<vmem>>[vector<16xi32>, vector<16xi32>], vector<16xf32>,
      %get3A_829 = arith.constant 144 : index
      %get3A_830 = tpu.vector_load %arg5[%get3A_829] {strides = array<i32>} : memref<800xi32, #tpu.memory_space<vmem>>, vector<16xi32>,
      %get3A_831 = arith.constant 144 : index
      %get3A_832 = tpu.vector_load %arg6[%get3A_831] {strides = array<i32>} : memref<800xf32, #tpu.memory_space<vmem>>, vector<16xf32>,
      tpu.vector_store_idx %arg7[%get3A_830, %iota3A], %get3A_832 {add = true} : memref<128x16xf32, #tpu.memory_space<vmem>>[vector<16xi32>, vector<16xi32>], vector<16xf32>,
      %get3A_833 = arith.constant 160 : index
      %get3A_834 = tpu.vector_load %arg5[%get3A_833] {strides = array<i32>} : memref<800xi32, #tpu.memory_space<vmem>>, vector<16xi32>,
      %get3A_835 = arith.constant 160 : index
      %get3A_836 = tpu.vector_load %arg6[%get3A_835] {strides = array<i32>} : memref<800xf32, #tpu.memory_space<vmem>>, vector<16xf32>,
      tpu.vector_store_idx %arg7[%get3A_834, %iota3A], %get3A_836 {add = true} : memref<128x16xf32, #tpu.memory_space<vmem>>[vector<16xi32>, vector<16xi32>], vector<16xf32>,
      %get3A_837 = arith.constant 176 : index
      %get3A_838 = tpu.vector_load %arg5[%get3A_837] {strides = array<i32>} : memref<800xi32, #tpu.memory_space<vmem>>, vector<16xi32>,
      %get3A_839 = arith.constant 176 : index
      %get3A_840 = tpu.vector_load %arg6[%get3A_839] {strides = array<i32>} : memref<800xf32, #tpu.memory_space<vmem>>, vector<16xf32>,
      tpu.vector_store_idx %arg7[%get3A_838, %iota3A], %get3A_840 {add = true} : memref<128x16xf32, #tpu.memory_space<vmem>>[vector<16xi32>, vector<16xi32>], vector<16xf32>,
      %get3A_841 = arith.constant 192 : index
      %get3A_842 = tpu.vector_load %arg5[%get3A_841] {strides = array<i32>} : memref<800xi32, #tpu.memory_space<vmem>>, vector<16xi32>,
      %get3A_843 = arith.constant 192 : index
      %get3A_844 = tpu.vector_load %arg6[%get3A_843] {strides = array<i32>} : memref<800xf32, #tpu.memory_space<vmem>>, vector<16xf32>,
      tpu.vector_store_idx %arg7[%get3A_842, %iota3A], %get3A_844 {add = true} : memref<128x16xf32, #tpu.memory_space<vmem>>[vector<16xi32>, vector<16xi32>], vector<16xf32>,
      %get3A_845 = arith.constant 208 : index
      %get3A_846 = tpu.vector_load %arg5[%get3A_845] {strides = array<i32>} : memref<800xi32, #tpu.memory_space<vmem>>, vector<16xi32>,
      %get3A_847 = arith.constant 208 : index
      %get3A_848 = tpu.vector_load %arg6[%get3A_847] {strides = array<i32>} : memref<800xf32, #tpu.memory_space<vmem>>, vector<16xf32>,
      tpu.vector_store_idx %arg7[%get3A_846, %iota3A], %get3A_848 {add = true} : memref<128x16xf32, #tpu.memory_space<vmem>>[vector<16xi32>, vector<16xi32>], vector<16xf32>,
      %get3A_849 = arith.constant 224 : index
      %get3A_850 = tpu.vector_load %arg5[%get3A_849] {strides = array<i32>} : memref<800xi32, #tpu.memory_space<vmem>>, vector<16xi32>,
      %get3A_851 = arith.constant 224 : index
      %get3A_852 = tpu.vector_load %arg6[%get3A_851] {strides = array<i32>} : memref<800xf32, #tpu.memory_space<vmem>>, vector<16xf32>,
      tpu.vector_store_idx %arg7[%get3A_850, %iota3A], %get3A_852 {add = true} : memref<128x16xf32, #tpu.memory_space<vmem>>[vector<16xi32>, vector<16xi32>], vector<16xf32>,
      %get3A_853 = arith.constant 240 : index
      %get3A_854 = tpu.vector_load %arg5[%get3A_853] {strides = array<i32>} : memref<800xi32, #tpu.memory_space<vmem>>, vector<16xi32>,
      %get3A_855 = arith.constant 240 : index
      %get3A_856 = tpu.vector_load %arg6[%get3A_855] {strides = array<i32>} : memref<800xf32, #tpu.memory_space<vmem>>, vector<16xf32>,
      tpu.vector_store_idx %arg7[%get3A_854, %iota3A], %get3A_856 {add = true} : memref<128x16xf32, #tpu.memory_space<vmem>>[vector<16xi32>, vector<16xi32>], vector<16xf32>,
      %get3A_857 = arith.constant 256 : index
      %get3A_858 = tpu.vector_load %arg5[%get3A_857] {strides = array<i32>} : memref<800xi32, #tpu.memory_space<vmem>>, vector<16xi32>,
      %get3A_859 = arith.constant 256 : index
      %get3A_860 = tpu.vector_load %arg6[%get3A_859] {strides = array<i32>} : memref<800xf32, #tpu.memory_space<vmem>>, vector<16xf32>,
      tpu.vector_store_idx %arg7[%get3A_858, %iota3A], %get3A_860 {add = true} : memref<128x16xf32, #tpu.memory_space<vmem>>[vector<16xi32>, vector<16xi32>], vector<16xf32>,
      %get3A_861 = arith.constant 272 : index
      %get3A_862 = tpu.vector_load %arg5[%get3A_861] {strides = array<i32>} : memref<800xi32, #tpu.memory_space<vmem>>, vector<16xi32>,
      %get3A_863 = arith.constant 272 : index
      %get3A_864 = tpu.vector_load %arg6[%get3A_863] {strides = array<i32>} : memref<800xf32, #tpu.memory_space<vmem>>, vector<16xf32>,
      tpu.vector_store_idx %arg7[%get3A_862, %iota3A], %get3A_864 {add = true} : memref<128x16xf32, #tpu.memory_space<vmem>>[vector<16xi32>, vector<16xi32>], vector<16xf32>,
      %get3A_865 = arith.constant 288 : index
      %get3A_866 = tpu.vector_load %arg5[%get3A_865] {strides = array<i32>} : memref<800xi32, #tpu.memory_space<vmem>>, vector<16xi32>,
      %get3A_867 = arith.constant 288 : index
      %get3A_868 = tpu.vector_load %arg6[%get3A_867] {strides = array<i32>} : memref<800xf32, #tpu.memory_space<vmem>>, vector<16xf32>,
      tpu.vector_store_idx %arg7[%get3A_866, %iota3A], %get3A_868 {add = true} : memref<128x16xf32, #tpu.memory_space<vmem>>[vector<16xi32>, vector<16xi32>], vector<16xf32>,
      %get3A_869 = arith.constant 304 : index
      %get3A_870 = tpu.vector_load %arg5[%get3A_869] {strides = array<i32>} : memref<800xi32, #tpu.memory_space<vmem>>, vector<16xi32>,
      %get3A_871 = arith.constant 304 : index
      %get3A_872 = tpu.vector_load %arg6[%get3A_871] {strides = array<i32>} : memref<800xf32, #tpu.memory_space<vmem>>, vector<16xf32>,
      tpu.vector_store_idx %arg7[%get3A_870, %iota3A], %get3A_872 {add = true} : memref<128x16xf32, #tpu.memory_space<vmem>>[vector<16xi32>, vector<16xi32>], vector<16xf32>,
      %get3A_873 = arith.constant 320 : index
      %get3A_874 = tpu.vector_load %arg5[%get3A_873] {strides = array<i32>} : memref<800xi32, #tpu.memory_space<vmem>>, vector<16xi32>,
      %get3A_875 = arith.constant 320 : index
      %get3A_876 = tpu.vector_load %arg6[%get3A_875] {strides = array<i32>} : memref<800xf32, #tpu.memory_space<vmem>>, vector<16xf32>,
      tpu.vector_store_idx %arg7[%get3A_874, %iota3A], %get3A_876 {add = true} : memref<128x16xf32, #tpu.memory_space<vmem>>[vector<16xi32>, vector<16xi32>], vector<16xf32>,
      %get3A_877 = arith.constant 336 : index
      %get3A_878 = tpu.vector_load %arg5[%get3A_877] {strides = array<i32>} : memref<800xi32, #tpu.memory_space<vmem>>, vector<16xi32>,
      %get3A_879 = arith.constant 336 : index
      %get3A_880 = tpu.vector_load %arg6[%get3A_879] {strides = array<i32>} : memref<800xf32, #tpu.memory_space<vmem>>, vector<16xf32>,
      tpu.vector_store_idx %arg7[%get3A_878, %iota3A], %get3A_880 {add = true} : memref<128x16xf32, #tpu.memory_space<vmem>>[vector<16xi32>, vector<16xi32>], vector<16xf32>,
      %get3A_881 = arith.constant 352 : index
      %get3A_882 = tpu.vector_load %arg5[%get3A_881] {strides = array<i32>} : memref<800xi32, #tpu.memory_space<vmem>>, vector<16xi32>,
      %get3A_883 = arith.constant 352 : index
      %get3A_884 = tpu.vector_load %arg6[%get3A_883] {strides = array<i32>} : memref<800xf32, #tpu.memory_space<vmem>>, vector<16xf32>,
      tpu.vector_store_idx %arg7[%get3A_882, %iota3A], %get3A_884 {add = true} : memref<128x16xf32, #tpu.memory_space<vmem>>[vector<16xi32>, vector<16xi32>], vector<16xf32>,
      %get3A_885 = arith.constant 368 : index
      %get3A_886 = tpu.vector_load %arg5[%get3A_885] {strides = array<i32>} : memref<800xi32, #tpu.memory_space<vmem>>, vector<16xi32>,
      %get3A_887 = arith.constant 368 : index
      %get3A_888 = tpu.vector_load %arg6[%get3A_887] {strides = array<i32>} : memref<800xf32, #tpu.memory_space<vmem>>, vector<16xf32>,
      tpu.vector_store_idx %arg7[%get3A_886, %iota3A], %get3A_888 {add = true} : memref<128x16xf32, #tpu.memory_space<vmem>>[vector<16xi32>, vector<16xi32>], vector<16xf32>,
      %get3A_889 = arith.constant 384 : index
      %get3A_890 = tpu.vector_load %arg5[%get3A_889] {strides = array<i32>} : memref<800xi32, #tpu.memory_space<vmem>>, vector<16xi32>,
      %get3A_891 = arith.constant 384 : index
      %get3A_892 = tpu.vector_load %arg6[%get3A_891] {strides = array<i32>} : memref<800xf32, #tpu.memory_space<vmem>>, vector<16xf32>,
      tpu.vector_store_idx %arg7[%get3A_890, %iota3A], %get3A_892 {add = true} : memref<128x16xf32, #tpu.memory_space<vmem>>[vector<16xi32>, vector<16xi32>], vector<16xf32>,
      %get3A_893 = arith.constant 400 : index
      %get3A_894 = tpu.vector_load %arg5[%get3A_893] {strides = array<i32>} : memref<800xi32, #tpu.memory_space<vmem>>, vector<16xi32>,
      %get3A_895 = arith.constant 400 : index
      %get3A_896 = tpu.vector_load %arg6[%get3A_895] {strides = array<i32>} : memref<800xf32, #tpu.memory_space<vmem>>, vector<16xf32>,
      tpu.vector_store_idx %arg7[%get3A_894, %iota3A], %get3A_896 {add = true} : memref<128x16xf32, #tpu.memory_space<vmem>>[vector<16xi32>, vector<16xi32>], vector<16xf32>,
      %get3A_897 = arith.constant 416 : index
      %get3A_898 = tpu.vector_load %arg5[%get3A_897] {strides = array<i32>} : memref<800xi32, #tpu.memory_space<vmem>>, vector<16xi32>,
      %get3A_899 = arith.constant 416 : index
      %get3A_900 = tpu.vector_load %arg6[%get3A_899] {strides = array<i32>} : memref<800xf32, #tpu.memory_space<vmem>>, vector<16xf32>,
      tpu.vector_store_idx %arg7[%get3A_898, %iota3A], %get3A_900 {add = true} : memref<128x16xf32, #tpu.memory_space<vmem>>[vector<16xi32>, vector<16xi32>], vector<16xf32>,
      %get3A_901 = arith.constant 432 : index
      %get3A_902 = tpu.vector_load %arg5[%get3A_901] {strides = array<i32>} : memref<800xi32, #tpu.memory_space<vmem>>, vector<16xi32>,
      %get3A_903 = arith.constant 432 : index
      %get3A_904 = tpu.vector_load %arg6[%get3A_903] {strides = array<i32>} : memref<800xf32, #tpu.memory_space<vmem>>, vector<16xf32>,
      tpu.vector_store_idx %arg7[%get3A_902, %iota3A], %get3A_904 {add = true} : memref<128x16xf32, #tpu.memory_space<vmem>>[vector<16xi32>, vector<16xi32>], vector<16xf32>,
      %get3A_905 = arith.constant 448 : index
      %get3A_906 = tpu.vector_load %arg5[%get3A_905] {strides = array<i32>} : memref<800xi32, #tpu.memory_space<vmem>>, vector<16xi32>,
      %get3A_907 = arith.constant 448 : index
      %get3A_908 = tpu.vector_load %arg6[%get3A_907] {strides = array<i32>} : memref<800xf32, #tpu.memory_space<vmem>>, vector<16xf32>,
      tpu.vector_store_idx %arg7[%get3A_906, %iota3A], %get3A_908 {add = true} : memref<128x16xf32, #tpu.memory_space<vmem>>[vector<16xi32>, vector<16xi32>], vector<16xf32>,
      %get3A_909 = arith.constant 464 : index
      %get3A_910 = tpu.vector_load %arg5[%get3A_909] {strides = array<i32>} : memref<800xi32, #tpu.memory_space<vmem>>, vector<16xi32>,
      %get3A_911 = arith.constant 464 : index
      %get3A_912 = tpu.vector_load %arg6[%get3A_911] {strides = array<i32>} : memref<800xf32, #tpu.memory_space<vmem>>, vector<16xf32>,
      tpu.vector_store_idx %arg7[%get3A_910, %iota3A], %get3A_912 {add = true} : memref<128x16xf32, #tpu.memory_space<vmem>>[vector<16xi32>, vector<16xi32>], vector<16xf32>,
      %get3A_913 = arith.constant 480 : index
      %get3A_914 = tpu.vector_load %arg5[%get3A_913] {strides = array<i32>} : memref<800xi32, #tpu.memory_space<vmem>>, vector<16xi32>,
      %get3A_915 = arith.constant 480 : index
      %get3A_916 = tpu.vector_load %arg6[%get3A_915] {strides = array<i32>} : memref<800xf32, #tpu.memory_space<vmem>>, vector<16xf32>,
      tpu.vector_store_idx %arg7[%get3A_914, %iota3A], %get3A_916 {add = true} : memref<128x16xf32, #tpu.memory_space<vmem>>[vector<16xi32>, vector<16xi32>], vector<16xf32>,
      %get3A_917 = arith.constant 496 : index
      %get3A_918 = tpu.vector_load %arg5[%get3A_917] {strides = array<i32>} : memref<800xi32, #tpu.memory_space<vmem>>, vector<16xi32>,
      %get3A_919 = arith.constant 496 : index
      %get3A_920 = tpu.vector_load %arg6[%get3A_919] {strides = array<i32>} : memref<800xf32, #tpu.memory_space<vmem>>, vector<16xf32>,
      tpu.vector_store_idx %arg7[%get3A_918, %iota3A], %get3A_920 {add = true} : memref<128x16xf32, #tpu.memory_space<vmem>>[vector<16xi32>, vector<16xi32>], vector<16xf32>,
      %get3A_921 = arith.constant 512 : index
      %get3A_922 = tpu.vector_load %arg5[%get3A_921] {strides = array<i32>} : memref<800xi32, #tpu.memory_space<vmem>>, vector<16xi32>,
      %get3A_923 = arith.constant 512 : index
      %get3A_924 = tpu.vector_load %arg6[%get3A_923] {strides = array<i32>} : memref<800xf32, #tpu.memory_space<vmem>>, vector<16xf32>,
      tpu.vector_store_idx %arg7[%get3A_922, %iota3A], %get3A_924 {add = true} : memref<128x16xf32, #tpu.memory_space<vmem>>[vector<16xi32>, vector<16xi32>], vector<16xf32>,
      %get3A_925 = arith.constant 528 : index
      %get3A_926 = tpu.vector_load %arg5[%get3A_925] {strides = array<i32>} : memref<800xi32, #tpu.memory_space<vmem>>, vector<16xi32>,
      %get3A_927 = arith.constant 528 : index
      %get3A_928 = tpu.vector_load %arg6[%get3A_927] {strides = array<i32>} : memref<800xf32, #tpu.memory_space<vmem>>, vector<16xf32>,
      tpu.vector_store_idx %arg7[%get3A_926, %iota3A], %get3A_928 {add = true} : memref<128x16xf32, #tpu.memory_space<vmem>>[vector<16xi32>, vector<16xi32>], vector<16xf32>,
      %get3A_929 = arith.constant 544 : index
      %get3A_930 = tpu.vector_load %arg5[%get3A_929] {strides = array<i32>} : memref<800xi32, #tpu.memory_space<vmem>>, vector<16xi32>,
      %get3A_931 = arith.constant 544 : index
      %get3A_932 = tpu.vector_load %arg6[%get3A_931] {strides = array<i32>} : memref<800xf32, #tpu.memory_space<vmem>>, vector<16xf32>,
      tpu.vector_store_idx %arg7[%get3A_930, %iota3A], %get3A_932 {add = true} : memref<128x16xf32, #tpu.memory_space<vmem>>[vector<16xi32>, vector<16xi32>], vector<16xf32>,
      %get3A_933 = arith.constant 560 : index
      %get3A_934 = tpu.vector_load %arg5[%get3A_933] {strides = array<i32>} : memref<800xi32, #tpu.memory_space<vmem>>, vector<16xi32>,
      %get3A_935 = arith.constant 560 : index
      %get3A_936 = tpu.vector_load %arg6[%get3A_935] {strides = array<i32>} : memref<800xf32, #tpu.memory_space<vmem>>, vector<16xf32>,
      tpu.vector_store_idx %arg7[%get3A_934, %iota3A], %get3A_936 {add = true} : memref<128x16xf32, #tpu.memory_space<vmem>>[vector<16xi32>, vector<16xi32>], vector<16xf32>,
      %get3A_937 = arith.constant 576 : index
      %get3A_938 = tpu.vector_load %arg5[%get3A_937] {strides = array<i32>} : memref<800xi32, #tpu.memory_space<vmem>>, vector<16xi32>,
      %get3A_939 = arith.constant 576 : index
      %get3A_940 = tpu.vector_load %arg6[%get3A_939] {strides = array<i32>} : memref<800xf32, #tpu.memory_space<vmem>>, vector<16xf32>,
      tpu.vector_store_idx %arg7[%get3A_938, %iota3A], %get3A_940 {add = true} : memref<128x16xf32, #tpu.memory_space<vmem>>[vector<16xi32>, vector<16xi32>], vector<16xf32>,
      %get3A_941 = arith.constant 592 : index
      %get3A_942 = tpu.vector_load %arg5[%get3A_941] {strides = array<i32>} : memref<800xi32, #tpu.memory_space<vmem>>, vector<16xi32>,
      %get3A_943 = arith.constant 592 : index
      %get3A_944 = tpu.vector_load %arg6[%get3A_943] {strides = array<i32>} : memref<800xf32, #tpu.memory_space<vmem>>, vector<16xf32>,
      tpu.vector_store_idx %arg7[%get3A_942, %iota3A], %get3A_944 {add = true} : memref<128x16xf32, #tpu.memory_space<vmem>>[vector<16xi32>, vector<16xi32>], vector<16xf32>,
      %get3A_945 = arith.constant 608 : index
      %get3A_946 = tpu.vector_load %arg5[%get3A_945] {strides = array<i32>} : memref<800xi32, #tpu.memory_space<vmem>>, vector<16xi32>,
      %get3A_947 = arith.constant 608 : index
      %get3A_948 = tpu.vector_load %arg6[%get3A_947] {strides = array<i32>} : memref<800xf32, #tpu.memory_space<vmem>>, vector<16xf32>,
      tpu.vector_store_idx %arg7[%get3A_946, %iota3A], %get3A_948 {add = true} : memref<128x16xf32, #tpu.memory_space<vmem>>[vector<16xi32>, vector<16xi32>], vector<16xf32>,
      %get3A_949 = arith.constant 624 : index
      %get3A_950 = tpu.vector_load %arg5[%get3A_949] {strides = array<i32>} : memref<800xi32, #tpu.memory_space<vmem>>, vector<16xi32>,
      %get3A_951 = arith.constant 624 : index
      %get3A_952 = tpu.vector_load %arg6[%get3A_951] {strides = array<i32>} : memref<800xf32, #tpu.memory_space<vmem>>, vector<16xf32>,
      tpu.vector_store_idx %arg7[%get3A_950, %iota3A], %get3A_952 {add = true} : memref<128x16xf32, #tpu.memory_space<vmem>>[vector<16xi32>, vector<16xi32>], vector<16xf32>,
      %get3A_953 = arith.constant 640 : index
      %get3A_954 = tpu.vector_load %arg5[%get3A_953] {strides = array<i32>} : memref<800xi32, #tpu.memory_space<vmem>>, vector<16xi32>,
      %get3A_955 = arith.constant 640 : index
      %get3A_956 = tpu.vector_load %arg6[%get3A_955] {strides = array<i32>} : memref<800xf32, #tpu.memory_space<vmem>>, vector<16xf32>,
      tpu.vector_store_idx %arg7[%get3A_954, %iota3A], %get3A_956 {add = true} : memref<128x16xf32, #tpu.memory_space<vmem>>[vector<16xi32>, vector<16xi32>], vector<16xf32>,
      %get3A_957 = arith.constant 656 : index
      %get3A_958 = tpu.vector_load %arg5[%get3A_957] {strides = array<i32>} : memref<800xi32, #tpu.memory_space<vmem>>, vector<16xi32>,
      %get3A_959 = arith.constant 656 : index
      %get3A_960 = tpu.vector_load %arg6[%get3A_959] {strides = array<i32>} : memref<800xf32, #tpu.memory_space<vmem>>, vector<16xf32>,
      tpu.vector_store_idx %arg7[%get3A_958, %iota3A], %get3A_960 {add = true} : memref<128x16xf32, #tpu.memory_space<vmem>>[vector<16xi32>, vector<16xi32>], vector<16xf32>,
      %get3A_961 = arith.constant 672 : index
      %get3A_962 = tpu.vector_load %arg5[%get3A_961] {strides = array<i32>} : memref<800xi32, #tpu.memory_space<vmem>>, vector<16xi32>,
      %get3A_963 = arith.constant 672 : index
      %get3A_964 = tpu.vector_load %arg6[%get3A_963] {strides = array<i32>} : memref<800xf32, #tpu.memory_space<vmem>>, vector<16xf32>,
      tpu.vector_store_idx %arg7[%get3A_962, %iota3A], %get3A_964 {add = true} : memref<128x16xf32, #tpu.memory_space<vmem>>[vector<16xi32>, vector<16xi32>], vector<16xf32>,
      %get3A_965 = arith.constant 688 : index
      %get3A_966 = tpu.vector_load %arg5[%get3A_965] {strides = array<i32>} : memref<800xi32, #tpu.memory_space<vmem>>, vector<16xi32>,
      %get3A_967 = arith.constant 688 : index
      %get3A_968 = tpu.vector_load %arg6[%get3A_967] {strides = array<i32>} : memref<800xf32, #tpu.memory_space<vmem>>, vector<16xf32>,
      tpu.vector_store_idx %arg7[%get3A_966, %iota3A], %get3A_968 {add = true} : memref<128x16xf32, #tpu.memory_space<vmem>>[vector<16xi32>, vector<16xi32>], vector<16xf32>,
      %get3A_969 = arith.constant 704 : index
      %get3A_970 = tpu.vector_load %arg5[%get3A_969] {strides = array<i32>} : memref<800xi32, #tpu.memory_space<vmem>>, vector<16xi32>,
      %get3A_971 = arith.constant 704 : index
      %get3A_972 = tpu.vector_load %arg6[%get3A_971] {strides = array<i32>} : memref<800xf32, #tpu.memory_space<vmem>>, vector<16xf32>,
      tpu.vector_store_idx %arg7[%get3A_970, %iota3A], %get3A_972 {add = true} : memref<128x16xf32, #tpu.memory_space<vmem>>[vector<16xi32>, vector<16xi32>], vector<16xf32>,
      %get3A_973 = arith.constant 720 : index
      %get3A_974 = tpu.vector_load %arg5[%get3A_973] {strides = array<i32>} : memref<800xi32, #tpu.memory_space<vmem>>, vector<16xi32>,
      %get3A_975 = arith.constant 720 : index
      %get3A_976 = tpu.vector_load %arg6[%get3A_975] {strides = array<i32>} : memref<800xf32, #tpu.memory_space<vmem>>, vector<16xf32>,
      tpu.vector_store_idx %arg7[%get3A_974, %iota3A], %get3A_976 {add = true} : memref<128x16xf32, #tpu.memory_space<vmem>>[vector<16xi32>, vector<16xi32>], vector<16xf32>,
      %get3A_977 = arith.constant 736 : index
      %get3A_978 = tpu.vector_load %arg5[%get3A_977] {strides = array<i32>} : memref<800xi32, #tpu.memory_space<vmem>>, vector<16xi32>,
      %get3A_979 = arith.constant 736 : index
      %get3A_980 = tpu.vector_load %arg6[%get3A_979] {strides = array<i32>} : memref<800xf32, #tpu.memory_space<vmem>>, vector<16xf32>,
      tpu.vector_store_idx %arg7[%get3A_978, %iota3A], %get3A_980 {add = true} : memref<128x16xf32, #tpu.memory_space<vmem>>[vector<16xi32>, vector<16xi32>], vector<16xf32>,
      %get3A_981 = arith.constant 752 : index
      %get3A_982 = tpu.vector_load %arg5[%get3A_981] {strides = array<i32>} : memref<800xi32, #tpu.memory_space<vmem>>, vector<16xi32>,
      %get3A_983 = arith.constant 752 : index
      %get3A_984 = tpu.vector_load %arg6[%get3A_983] {strides = array<i32>} : memref<800xf32, #tpu.memory_space<vmem>>, vector<16xf32>,
      tpu.vector_store_idx %arg7[%get3A_982, %iota3A], %get3A_984 {add = true} : memref<128x16xf32, #tpu.memory_space<vmem>>[vector<16xi32>, vector<16xi32>], vector<16xf32>,
      %get3A_985 = arith.constant 768 : index
      %get3A_986 = tpu.vector_load %arg5[%get3A_985] {strides = array<i32>} : memref<800xi32, #tpu.memory_space<vmem>>, vector<16xi32>,
      %get3A_987 = arith.constant 768 : index
      %get3A_988 = tpu.vector_load %arg6[%get3A_987] {strides = array<i32>} : memref<800xf32, #tpu.memory_space<vmem>>, vector<16xf32>,
      tpu.vector_store_idx %arg7[%get3A_986, %iota3A], %get3A_988 {add = true} : memref<128x16xf32, #tpu.memory_space<vmem>>[vector<16xi32>, vector<16xi32>], vector<16xf32>,
      %get3A_989 = arith.constant 784 : index
      %get3A_990 = tpu.vector_load %arg5[%get3A_989] {strides = array<i32>} : memref<800xi32, #tpu.memory_space<vmem>>, vector<16xi32>,
      %get3A_991 = arith.constant 784 : index
      %get3A_992 = tpu.vector_load %arg6[%get3A_991] {strides = array<i32>} : memref<800xf32, #tpu.memory_space<vmem>>, vector<16xf32>,
      tpu.vector_store_idx %arg7[%get3A_990, %iota3A], %get3A_992 {add = true} : memref<128x16xf32, #tpu.memory_space<vmem>>[vector<16xi32>, vector<16xi32>], vector<16xf32>,
    } else {
    }
    "tpu.region"() ({
      %run_scoped3A = tpu.sem_alloc : memref<!tpu.dma_semaphore, #tpu.memory_space<semaphore_mem>>
      %dma_start3A = arith.constant 0 : i32
      %dma_start3A_792 = arith.constant 0 : i32
      %dma_start3A_793 = tpu.memref_slice %arg4[%add3A, %dma_start3A, %dma_start3A_792] : memref<32x128x16xf32, #tpu.memory_space<hbm>> -> memref<1x128x16xf32, #tpu.memory_space<hbm>>
      %dma_start3A_794 = tpu.memref_squeeze %dma_start3A_793 : memref<1x128x16xf32, #tpu.memory_space<hbm>> -> memref<128x16xf32, #tpu.memory_space<hbm>>
      %dma_start3A_795 = arith.constant 0 : i32
      %dma_start3A_796 = arith.constant 0 : i32
      %dma_start3A_797 = tpu.memref_slice %arg4[%add3A, %dma_start3A_795, %dma_start3A_796] : memref<32x128x16xf32, #tpu.memory_space<hbm>> -> memref<1x128x16xf32, #tpu.memory_space<hbm>>
      %dma_start3A_798 = tpu.memref_squeeze %dma_start3A_797 : memref<1x128x16xf32, #tpu.memory_space<hbm>> -> memref<128x16xf32, #tpu.memory_space<hbm>>
      tpu.enqueue_dma source(%arg7 : memref<128x16xf32, #tpu.memory_space<vmem>>) target(%dma_start3A_798 : memref<128x16xf32, #tpu.memory_space<hbm>>) target_semaphore(%run_scoped3A : memref<!tpu.dma_semaphore, #tpu.memory_space<semaphore_mem>>)
      %dma_wait3A = arith.constant 0 : i32
      %dma_wait3A_799 = arith.constant 0 : i32
      %dma_wait3A_800 = tpu.memref_slice %arg4[%add3A, %dma_wait3A, %dma_wait3A_799] : memref<32x128x16xf32, #tpu.memory_space<hbm>> -> memref<1x128x16xf32, #tpu.memory_space<hbm>>
      %dma_wait3A_801 = tpu.memref_squeeze %dma_wait3A_800 : memref<1x128x16xf32, #tpu.memory_space<hbm>> -> memref<128x16xf32, #tpu.memory_space<hbm>>
      %dma_wait3A_802 = arith.constant 0 : i32
      %dma_wait3A_803 = arith.constant 0 : i32
      %dma_wait3A_804 = tpu.memref_slice %arg4[%add3A, %dma_wait3A_802, %dma_wait3A_803] : memref<32x128x16xf32, #tpu.memory_space<hbm>> -> memref<1x128x16xf32, #tpu.memory_space<hbm>>
      %dma_wait3A_805 = tpu.memref_squeeze %dma_wait3A_804 : memref<1x128x16xf32, #tpu.memory_space<hbm>> -> memref<128x16xf32, #tpu.memory_space<hbm>>
      tpu.wait_dma2 semaphore(%run_scoped3A : memref<!tpu.dma_semaphore, #tpu.memory_space<semaphore_mem>>) src(%arg7 : memref<128x16xf32, #tpu.memory_space<vmem>>) dst(%dma_wait3A_805 : memref<128x16xf32, #tpu.memory_space<hbm>>)
      tpu.yield
    }) : () -> ()
    return
  }
}

module attributes {stable_mosaic.version = 14 : i64} {
  func.func @_head_body(%arg0: memref<64x128xf32, #tpu.memory_space<vmem>>, %arg1: memref<32x128x16xf32, #tpu.memory_space<vmem>>, %arg2: memref<128x256xf32, #tpu.memory_space<vmem>>, %arg3: memref<1x256xf32, #tpu.memory_space<vmem>>, %arg4: memref<256x128xf32, #tpu.memory_space<vmem>>, %arg5: memref<1x128xf32, #tpu.memory_space<vmem>>, %arg6: memref<64x128xf32, #tpu.memory_space<vmem>>) attributes {dimension_semantics = [], scalar_prefetch = 0 : i64, scratch_operands = 0 : i64, tpu.core_type = #tpu.core_type<tc>} {
    %get3A = arith.constant 0 : index
    %get3A_0 = arith.constant 0 : index
    %get3A_1 = arith.constant 0 : index
    %get3A_2 = vector.load %arg1[%get3A, %get3A_0, %get3A_1] : memref<32x128x16xf32, #tpu.memory_space<vmem>>, vector<32x128x16xf32>
    %reduce_sum3A = arith.constant dense<0.000000e+00> : vector<128xf32>
    %reduce_sum3A_3 = vector.multi_reduction <add>, %get3A_2, %reduce_sum3A [0, 2] : vector<32x128x16xf32> to vector<128xf32>
    %slice3A = vector.extract_strided_slice %reduce_sum3A_3 {offsets = [0], sizes = [64], strides = [1]} : vector<128xf32> to vector<64xf32>
    %get3A_4 = arith.constant 0 : index
    %get3A_5 = arith.constant 0 : index
    %get3A_6 = vector.load %arg0[%get3A_4, %get3A_5] : memref<64x128xf32, #tpu.memory_space<vmem>>, vector<64x128xf32>
    %broadcast_in_dim3A = vector.shape_cast %slice3A : vector<64xf32> to vector<64x1xf32>
    %max3A = arith.constant 1.000000e+00 : f32
    %max3A_7 = vector.broadcast %max3A : f32 to vector<64x1xf32>
    %max3A_8 = arith.maximumf %broadcast_in_dim3A, %max3A_7 : vector<64x1xf32>
    %div3A = vector.broadcast %max3A_8 : vector<64x1xf32> to vector<64x128xf32>
    %div3A_9 = arith.divf %get3A_6, %div3A : vector<64x128xf32>
    %get3A_10 = arith.constant 0 : index
    %get3A_11 = arith.constant 0 : index
    %get3A_12 = vector.load %arg2[%get3A_10, %get3A_11] : memref<128x256xf32, #tpu.memory_space<vmem>>, vector<128x256xf32>
    %dot_general3A = arith.constant dense<0.000000e+00> : vector<64x256xf32>
    %dot_general3A_13 = tpu.matmul %div3A_9, %get3A_12, %dot_general3A {dimension_numbers = #tpu.dot_dimension_numbers<[1], [0], [0], [1], [0, 0, 1, 1], [], []>, transpose_lhs_hint = false} : vector<64x128xf32>, vector<128x256xf32>, vector<64x256xf32> -> vector<64x256xf32>
    %get3A_14 = arith.constant 0 : index
    %get3A_15 = arith.constant 0 : index
    %get3A_16 = vector.load %arg3[%get3A_14, %get3A_15] : memref<1x256xf32, #tpu.memory_space<vmem>>, vector<1x256xf32>
    %add3A = vector.broadcast %get3A_16 : vector<1x256xf32> to vector<64x256xf32>
    %add3A_17 = arith.addf %dot_general3A_13, %add3A : vector<64x256xf32>
    %max3A_18 = arith.constant 0.000000e+00 : f32
    %max3A_19 = vector.broadcast %max3A_18 : f32 to vector<64x256xf32>
    %max3A_20 = arith.maximumf %add3A_17, %max3A_19 : vector<64x256xf32>
    %get3A_21 = arith.constant 0 : index
    %get3A_22 = arith.constant 0 : index
    %get3A_23 = vector.load %arg4[%get3A_21, %get3A_22] : memref<256x128xf32, #tpu.memory_space<vmem>>, vector<256x128xf32>
    %dot_general3A_24 = arith.constant dense<0.000000e+00> : vector<64x128xf32>
    %dot_general3A_25 = tpu.matmul %max3A_20, %get3A_23, %dot_general3A_24 {dimension_numbers = #tpu.dot_dimension_numbers<[1], [0], [0], [1], [0, 0, 1, 1], [], []>, transpose_lhs_hint = false} : vector<64x256xf32>, vector<256x128xf32>, vector<64x128xf32> -> vector<64x128xf32>
    %get3A_26 = arith.constant 0 : index
    %get3A_27 = arith.constant 0 : index
    %get3A_28 = vector.load %arg5[%get3A_26, %get3A_27] : memref<1x128xf32, #tpu.memory_space<vmem>>, vector<1x128xf32>
    %add3A_29 = vector.broadcast %get3A_28 : vector<1x128xf32> to vector<64x128xf32>
    %add3A_30 = arith.addf %dot_general3A_25, %add3A_29 : vector<64x128xf32>
    %swap3A = arith.constant 0 : index
    %swap3A_31 = arith.constant 0 : index
    %swap3A_32 = vector.load %arg6[%swap3A, %swap3A_31] : memref<64x128xf32, #tpu.memory_space<vmem>>, vector<64x128xf32>
    tpu.vector_store %arg6[%swap3A, %swap3A_31], %add3A_30 {strides = array<i32>} : memref<64x128xf32, #tpu.memory_space<vmem>>, vector<64x128xf32>,
    return
  }
}

module attributes {stable_mosaic.version = 14 : i64} {
  func.func @_main_body(%arg0: i32, %arg1: memref<20000x128xf32, #tpu.memory_space<vmem>>, %arg2: memref<1x1x20000xf32, #tpu.memory_space<vmem>>, %arg3: memref<1x1x20000xi32, #tpu.memory_space<vmem>>, %arg4: memref<128x128xf32, #tpu.memory_space<vmem>>, %arg5: memref<1x128xf32, #tpu.memory_space<vmem>>, %arg6: memref<64x128xf32, #tpu.memory_space<vmem>>) attributes {dimension_semantics = [#tpu.dimension_semantics<arbitrary>], iteration_bounds = array<i64: 5>, scalar_prefetch = 0 : i64, scratch_operands = 0 : i64, tpu.core_type = #tpu.core_type<tc>, window_params = [{transform_indices = @transform_0, window_bounds = array<i64: 20000, 128>}, {transform_indices = @transform_1, window_bounds = array<i64: 1, 1, 20000>}, {transform_indices = @transform_2, window_bounds = array<i64: 1, 1, 20000>}, {pipeline_mode = #tpu.pipeline_mode<synchronous>, transform_indices = @transform_3, window_bounds = array<i64: 128, 128>}, {pipeline_mode = #tpu.pipeline_mode<synchronous>, transform_indices = @transform_4, window_bounds = array<i64: 1, 128>}, {pipeline_mode = #tpu.pipeline_mode<synchronous>, transform_indices = @transform_5, window_bounds = array<i64: 64, 128>}]} {
    %eq3A = arith.constant 0 : i32
    %eq3A_0 = arith.cmpi eq, %arg0, %eq3A : i32
    %convert_element_type3A = arith.extui %eq3A_0 : i1 to i32
    %cond3A = arith.constant 0 : i32
    %cond3A_1 = arith.cmpi ne, %convert_element_type3A, %cond3A : i32
    scf.if %cond3A_1 {
      %broadcast_in_dim3A_38 = arith.constant 0.000000e+00 : f32
      %broadcast_in_dim3A_39 = vector.broadcast %broadcast_in_dim3A_38 : f32 to vector<64x128xf32>
      %swap3A_40 = arith.constant 0 : index
      %swap3A_41 = arith.constant 0 : index
      %swap3A_42 = vector.load %arg6[%swap3A_40, %swap3A_41] : memref<64x128xf32, #tpu.memory_space<vmem>>, vector<64x128xf32>
      tpu.vector_store %arg6[%swap3A_40, %swap3A_41], %broadcast_in_dim3A_39 {strides = array<i32>} : memref<64x128xf32, #tpu.memory_space<vmem>>, vector<64x128xf32>,
    } else {
    }
    %get3A = arith.constant 0 : index
    %get3A_2 = arith.constant 0 : index
    %get3A_3 = vector.load %arg1[%get3A, %get3A_2] : memref<20000x128xf32, #tpu.memory_space<vmem>>, vector<20000x128xf32>
    %get3A_4 = arith.constant 0 : index
    %get3A_5 = arith.constant 0 : index
    %get3A_6 = vector.load %arg4[%get3A_4, %get3A_5] : memref<128x128xf32, #tpu.memory_space<vmem>>, vector<128x128xf32>
    %dot_general3A = arith.constant dense<0.000000e+00> : vector<20000x128xf32>
    %dot_general3A_7 = tpu.matmul %get3A_3, %get3A_6, %dot_general3A {dimension_numbers = #tpu.dot_dimension_numbers<[1], [0], [0], [1], [0, 0, 1, 1], [], []>, transpose_lhs_hint = false} : vector<20000x128xf32>, vector<128x128xf32>, vector<20000x128xf32> -> vector<20000x128xf32>
    %get3A_8 = arith.constant 0 : index
    %get3A_9 = arith.constant 0 : index
    %get3A_10 = vector.load %arg5[%get3A_8, %get3A_9] : memref<1x128xf32, #tpu.memory_space<vmem>>, vector<1x128xf32>
    %add3A = vector.broadcast %get3A_10 : vector<1x128xf32> to vector<20000x128xf32>
    %add3A_11 = arith.addf %dot_general3A_7, %add3A : vector<20000x128xf32>
    %max3A = arith.constant 0.000000e+00 : f32
    %max3A_12 = vector.broadcast %max3A : f32 to vector<20000x128xf32>
    %max3A_13 = arith.maximumf %add3A_11, %max3A_12 : vector<20000x128xf32>
    %get3A_14 = arith.constant 0 : index
    %get3A_15 = arith.constant 0 : index
    %get3A_16 = arith.constant 0 : index
    %get3A_17 = vector.load %arg2[%get3A_14, %get3A_15, %get3A_16] : memref<1x1x20000xf32, #tpu.memory_space<vmem>>, vector<1x1x20000xf32>
    %get3A_18 = vector.shape_cast %get3A_17 : vector<1x1x20000xf32> to vector<20000xf32>
    %get3A_19 = arith.constant 0 : index
    %get3A_20 = arith.constant 0 : index
    %get3A_21 = arith.constant 0 : index
    %get3A_22 = vector.load %arg3[%get3A_19, %get3A_20, %get3A_21] : memref<1x1x20000xi32, #tpu.memory_space<vmem>>, vector<1x1x20000xi32>
    %get3A_23 = vector.shape_cast %get3A_22 : vector<1x1x20000xi32> to vector<20000xi32>
    %iota3A = tpu.iota {dimensions = array<i32: 0>} : vector<64x20000xi32>
    %broadcast_in_dim3A = vector.shape_cast %get3A_23 : vector<20000xi32> to vector<1x20000xi32>
    %eq3A_24 = vector.broadcast %broadcast_in_dim3A : vector<1x20000xi32> to vector<64x20000xi32>
    %eq3A_25 = arith.cmpi eq, %iota3A, %eq3A_24 : vector<64x20000xi32>
    %broadcast_in_dim3A_26 = vector.shape_cast %get3A_18 : vector<20000xf32> to vector<1x20000xf32>
    %jit3A = arith.constant 0.000000e+00 : f32
    %broadcast_in_dim3A_27 = vector.shape_cast %broadcast_in_dim3A_26 : vector<1x20000xf32> to vector<1x20000xf32>
    %broadcast_in_dim3A_28 = vector.broadcast %broadcast_in_dim3A_27 : vector<1x20000xf32> to vector<64x20000xf32>
    %broadcast_in_dim3A_29 = vector.broadcast %jit3A : f32 to vector<64x20000xf32>
    %select_n3A = arith.select %eq3A_25, %broadcast_in_dim3A_28, %broadcast_in_dim3A_29 : vector<64x20000xi1>, vector<64x20000xf32>
    %get3A_30 = arith.constant 0 : index
    %get3A_31 = arith.constant 0 : index
    %get3A_32 = vector.load %arg6[%get3A_30, %get3A_31] : memref<64x128xf32, #tpu.memory_space<vmem>>, vector<64x128xf32>
    %dot_general3A_33 = arith.constant dense<0.000000e+00> : vector<64x128xf32>
    %dot_general3A_34 = tpu.matmul %select_n3A, %max3A_13, %dot_general3A_33 {dimension_numbers = #tpu.dot_dimension_numbers<[1], [0], [0], [1], [0, 0, 1, 1], [], []>, transpose_lhs_hint = false} : vector<64x20000xf32>, vector<20000x128xf32>, vector<64x128xf32> -> vector<64x128xf32>
    %add3A_35 = arith.addf %get3A_32, %dot_general3A_34 : vector<64x128xf32>
    %swap3A = arith.constant 0 : index
    %swap3A_36 = arith.constant 0 : index
    %swap3A_37 = vector.load %arg6[%swap3A, %swap3A_36] : memref<64x128xf32, #tpu.memory_space<vmem>>, vector<64x128xf32>
    tpu.vector_store %arg6[%swap3A, %swap3A_36], %add3A_35 {strides = array<i32>} : memref<64x128xf32, #tpu.memory_space<vmem>>, vector<64x128xf32>,
    return
  }
  func.func @transform_0(%arg0: i32) -> (i32, i32) {
    %c0_i32 = arith.constant 0 : i32
    %c0_i32_0 = arith.constant 0 : i32
    return %arg0, %c0_i32 : i32, i32
  }
  func.func @transform_1(%arg0: i32) -> (i32, i32, i32) {
    %c0_i32 = arith.constant 0 : i32
    %c0_i32_0 = arith.constant 0 : i32
    %c0_i32_1 = arith.constant 0 : i32
    return %arg0, %c0_i32, %c0_i32_0 : i32, i32, i32
  }
  func.func @transform_2(%arg0: i32) -> (i32, i32, i32) {
    %c0_i32 = arith.constant 0 : i32
    %c0_i32_0 = arith.constant 0 : i32
    %c0_i32_1 = arith.constant 0 : i32
    return %arg0, %c0_i32, %c0_i32_0 : i32, i32, i32
  }
  func.func @transform_3(%arg0: i32) -> (i32, i32) {
    %c0_i32 = arith.constant 0 : i32
    %c0_i32_0 = arith.constant 0 : i32
    %c0_i32_1 = arith.constant 0 : i32
    return %c0_i32, %c0_i32_0 : i32, i32
  }
  func.func @transform_4(%arg0: i32) -> (i32, i32) {
    %c0_i32 = arith.constant 0 : i32
    %c0_i32_0 = arith.constant 0 : i32
    %c0_i32_1 = arith.constant 0 : i32
    return %c0_i32, %c0_i32_0 : i32, i32
  }
  func.func @transform_5(%arg0: i32) -> (i32, i32) {
    %c0_i32 = arith.constant 0 : i32
    %c0_i32_0 = arith.constant 0 : i32
    %c0_i32_1 = arith.constant 0 : i32
    return %c0_i32, %c0_i32_0 : i32, i32
  }
}

</mosaic_0001>

<sc_bundles>
// kernel: kernel.5.cloned.1.call-start
scs
__scs_entry_jumppad:
0x0: {  	(pc) =	sbr.rel $0x88, $3  }
0x1: {  	(tag) =	ssettag $0x0;
	lr =	simm.s32 $0x1  }
0x2: {  	[smem:$0x3F98] =	sst lr;
	_ =	strace $0xD0000000  }
0x3: {  	_ = 	snop  }
0x4: {  	_ = 	snop  }
0x5: {  	_ = 	snop  }
0x6: {  	_ = 	snop  }
0x7: {  	_ = 	snop  }
__scs_overlays_trampoline_lowered:
0x8: {  	[smem:$0x3FA7] =	sst s0  }
0x9: {  	[smem:$0x3FA8] =	sst s1  }
0xa: {  	[smem:$0x3FA9] =	sst s2  }
0xb: {  	[smem:$0x3FAA] =	sst s3  }
0xc: {  	[smem:$0x3FAB] =	sst s4  }
0xd: {  	[smem:$0x3FAC] =	sst s5  }
0xe: {  	[smem:$0x3FAD] =	sst s6  }
0xf: {  	[smem:$0x3FAE] =	sst s7  }
0x10: {  	[smem:$0x3FAF] =	sst s8  }
0x11: {  	[smem:$0x3FB0] =	sst s9;
	s0 =	simm.s32 @!p0 $0x0  }
0x12: {  	s1 =	sld [smem:$0x3F96];
	s0 =	simm.s32 @p0 $0x1  }
0x13: {  	[smem:$0x3FB1] =	sst s0;
	s0 =	simm.s32 @!p1 $0x0  }
0x14: {  	s2 =	sld [smem:$0x3F95];
	s0 =	simm.s32 @p1 $0x1  }
0x15: {  	[smem:$0x3FB2] =	sst s0;
	s0 =	simm.s32 @!p2 $0x0  }
0x16: {  	s3 =	sld [smem:$0x3FDB];
	s0 =	simm.s32 @p2 $0x1  }
0x17: {  	s4 =	simm.s32 $0x1BF5;
	[smem:$0x3FB4] =	sst s0  }
0x18: {  	s0 =	sld [smem:$0x3F97];
	_ =	swait.ge [sflag:s4], $0x0  }
0x19: {  	s7 =	sld [smem:$0x3F98]  }
0x1a: {  	s8 =	sadd.s32 $0xFFFFE003, lr  }
0x1b: {  	s9 =	sadd.s32 $0xFFFFFEF7, lr;
	s5 =	simm.s32 $0xFFFFFFFF;
	p2 =	slt.u32 s8, $0xFFFFF086  }
0x1c: {  	p1 =	slt.u32 s9, $0xF7A;
	s5 =	simm.s32 @!p2 $0x0  }
0x1d: {  	s5 =	simm.s32 @p1 $0x1;
	p0 =	seq.s32 s7, s2  }
0x1e: {  	s7 =	smul.u32 @!p0 $0xF7A, s2;
	p2 =	seq.s32 @!p0 s5, $0x0  }
0x1f: {  	s9 =	smul.u32 $0xF7A, s1;
	s8 =	simm.s32 @!p0 $0x1BF5;
	p2 =	por !p2, p0  }
0x20: {  	[sflag:s8] =	ssyncset.s32 @!p0 $0xFFFFF086;
	s6 =	sadd.s32 @!p0 s3, s7;
	s7 =	simm.s32 @!p0 $0x108  }
0x21: {  	s3 =	sadd.s32 s3, s9;
	s6 =	sadd.s32 @!p0 $0x88, s6;
	s7 =	simm.s32 @p2 $0x1082  }
0x22: {  	[simem:s7], [sflag:s8] =	dma.local @!p0 [hbm:s6], $0xF7A  }
0x23: {  	s9 =	sor.u32 $0xD0000000, s2;
	s6 =	simm.s32 $0x108;
	_ =	swait.ge @!p0 [sflag:s8], $0x0  }
0x24: {  	s3 =	sadd.s32 $0x88, s3;
	s6 =	simm.s32 @!p1 $0x1082;
	[sflag:s4] =	ssyncset.s32 $0xFFFFF086  }
0x25: {  	[simem:s6], [sflag:s4] =	dma.local [hbm:s3], $0xF7A  }
0x26: {  	[smem:$0x3F98] =	sst s1;
	(tag) =	ssettag s2;
	_ =	strace s9  }
0x27: {  	s1 =	sld [smem:$0x3FA8]  }
0x28: {  	s2 =	sld [smem:$0x3FA9]  }
0x29: {  	s4 =	sld [smem:$0x3FAB]  }
0x2a: {  	p0 =	seq.s32 s5, $0x0;
	s5 =	sld [smem:$0x3FAC]  }
0x2b: {  	s6 =	sld [smem:$0x3FAD]  }
0x2c: {  	s7 =	sld [smem:$0x3FAE]  }
0x2d: {  	s3 =	simm.s32 $0x108;
	s8 =	sld [smem:$0x3FAF]  }
0x2e: {  	s3 =	simm.s32 @!p0 $0x1082;
	s9 =	sld [smem:$0x3FB0]  }
0x2f: {  	lr =	sadd.s32 s0, s3;
	s0 =	sld [smem:$0x3FA7]  }
0x30: {  	s3 =	sld [smem:$0x3FAA]  }
0x31: {  	[smem:$0x3FB3] =	sst s10  }
0x32: {  	s10 =	sld [smem:$0x3FB1];
	_ =	sdelay $0x3  }
0x33: {  	p0 =	seq.s32 s10, $0x1;
	s10 =	sld [smem:$0x3FB3];
	_ =	sdelay $0x3  }
0x34: {  	[smem:$0x3FB3] =	sst s10  }
0x35: {  	s10 =	sld [smem:$0x3FB2];
	_ =	sdelay $0x3  }
0x36: {  	p1 =	seq.s32 s10, $0x1;
	s10 =	sld [smem:$0x3FB3];
	_ =	sdelay $0x3  }
0x37: {  	[smem:$0x3FB3] =	sst s10  }
0x38: {  	s10 =	sld [smem:$0x3FB4]  }
0x39: {  	_ = 	snop;
	(pc) =	sbr.ind lr, $3  }
0x3a: {  	_ = 	snop  }
0x3b: {  	_ = 	snop  }
0x3c: {  	p2 =	seq.s32 s10, $0x1;
	s10 =	sld [smem:$0x3FB3]  }
0x3d: {  	_ =	shalt  }
0x3e: {  	_ =	shalt  }
0x3f: {  	_ =	shalt  }
0x40: {  	_ =	shalt  }
0x41: {  	_ =	shalt  }
0x42: {  	_ =	shalt  }
0x43: {  	_ =	shalt  }
0x44: {  	_ =	shalt  }
0x45: {  	_ =	shalt  }
0x46: {  	_ =	shalt  }
0x47: {  	_ =	shalt  }
0x48: {  	_ =	shalt  }
0x49: {  	_ =	shalt  }
0x4a: {  	_ =	shalt  }
0x4b: {  	_ =	shalt  }
0x4c: {  	_ =	shalt  }
0x4d: {  	_ =	shalt  }
0x4e: {  	_ =	shalt  }
0x4f: {  	_ =	shalt  }
0x50: {  	_ =	shalt  }
0x51: {  	_ =	shalt  }
0x52: {  	_ =	shalt  }
0x53: {  	_ =	shalt  }
0x54: {  	_ =	shalt  }
0x55: {  	_ =	shalt  }
0x56: {  	_ =	shalt  }
0x57: {  	_ =	shalt  }
0x58: {  	_ =	shalt  }
0x59: {  	_ =	shalt  }
0x5a: {  	_ =	shalt  }
0x5b: {  	_ =	shalt  }
0x5c: {  	_ =	shalt  }
0x5d: {  	_ =	shalt  }
0x5e: {  	_ =	shalt  }
0x5f: {  	_ =	shalt  }
0x60: {  	_ =	shalt  }
0x61: {  	_ =	shalt  }
0x62: {  	_ =	shalt  }
0x63: {  	_ =	shalt  }
0x64: {  	_ =	shalt  }
0x65: {  	_ =	shalt  }
0x66: {  	_ =	shalt  }
0x67: {  	_ =	shalt  }
0x68: {  	_ =	shalt  }
0x69: {  	_ =	shalt  }
0x6a: {  	_ =	shalt  }
0x6b: {  	_ =	shalt  }
0x6c: {  	_ =	shalt  }
0x6d: {  	_ =	shalt  }
0x6e: {  	_ =	shalt  }
0x6f: {  	_ =	shalt  }
0x70: {  	_ =	shalt  }
0x71: {  	_ =	shalt  }
0x72: {  	_ =	shalt  }
0x73: {  	_ =	shalt  }
0x74: {  	_ =	shalt  }
0x75: {  	_ =	shalt  }
0x76: {  	_ =	shalt  }
0x77: {  	_ =	shalt  }
0x78: {  	_ =	shalt  }
0x79: {  	_ =	shalt  }
0x7a: {  	_ =	shalt  }
0x7b: {  	_ =	shalt  }
0x7c: {  	_ =	shalt  }
0x7d: {  	_ =	shalt  }
0x7e: {  	_ =	shalt  }
0x7f: {  	_ =	shalt  }
0x80: {  	_ =	shalt  }
0x81: {  	_ =	shalt  }
0x82: {  	_ =	shalt  }
0x83: {  	_ =	shalt  }
0x84: {  	_ =	shalt  }
0x85: {  	_ =	shalt  }
0x86: {  	_ =	shalt  }
0x87: {  	_ =	shalt  }
.Lfunc_end0:
.L_simem_size_0:
called_computation_lowered:
.L_overlay_start_0:
0x88: {  	s2 =	sld [smem:$0x3FD9]  }
0x89: {  	s3 =	sld [smem:$0x3FFE];
	_ =	sdelay $0x1  }
0x8a: {  	s1 =	srdreg.scid  }
0x8b: {  	s0 =	sand.u32 $0x1, s1  }
0x8c: {  	s17 =	sshll.u32 s0, $0xA;
	s2 =	sadd.s32 s3, s2  }
0x8d: {  	s2 =	sadd.s32 s2, s17  }
0x8e: {  	[smem:$0x3FBF] =	sst s2  }
0x8f: {  	_ = 	snop  }
0x90: {  	s2 =	sld [smem:$0x3FC7];
	(tm) =	ssettm $0x1  }
0x91: {  	s18 =	sld [smem:$0x3FFB];
	_ =	sdelay $0x3  }
0x92: {  	_ =	strace s18  }
0x93: {  	s3 =	sld [smem:$0x3FFC];
	_ =	sdelay $0x3  }
0x94: {  	_ =	strace s3  }
0x95: {  	s3 =	sld [smem:$0x3FFD];
	_ =	sdelay $0x3  }
0x96: {  	_ =	strace s3  }
0x97: {  	_ =	strace $0x8FFFFFFF  }
0x98: {  	s19 =	sld [smem:$0x3FDB];
	_ =	sdelay $0x1  }
0x99: {  	s4 =	simm.s32 $_scs_section_size  }
0x9a: {  	s5 =	simm.s32 $_size__tile_overlayer_lowered;
	s6 =	simm.s32 $_tile_overlayer_lowered  }
0x9b: {  	s22 =	simm.s32 $0x1BFF;
	s21 =	sshll.u32 s6, $0x1;
	s3 =	sadd.s32 s4, s19  }
0x9c: {  	s7 =	simm.s32 $0x0;
	s20 =	sshll.u32 s5, $0x1;
	s5 =	sadd.s32 s21, s3  }
0x9d: {  	[timem:s7], [sflag:s22] =	dma.local [hbm:s5], s20  }
0x9e: {  	_ =	swait.ge [sflag:s22], s20  }
0x9f: {  	s4 =	ssub.s32 $0x0, s20;
	[sflag:s22] =	ssyncset.done $0x0  }
0xa0: {  	[sflag:s22] =	ssyncadd.s32 s4;
	_ =	sdelay $0x1  }
0xa1: {  	s23 =	simm.s32 $0x1B8B  }
0xa2: {  	_ =	swait.ge [sflag:s23], $0x1  }
0xa3: {  	[sflag:s23] =	ssyncset.done $0x0  }
0xa4: {  	s25 =	simm.s32 $0x1B8E;
	s24 =	sld [smem:$0x3FFE];
	[sflag:s23] =	ssyncadd.s32 $0xFFFFFFFF  }
0xa5: {  	s26 =	simm.s32 $execute0_lowered;
	[smem:$0x3FD2] =	sst s25  }
0xa6: {  	s5 =	sshll.u32 s26, $0x1;
	_ =	strace $0x80000046;
	[dreg:$0x1] =	wrdreg $0xFFFFFFFF  }
0xa7: {  	s28 =	simm.s32 $_size_execute0_lowered;
	s3 =	sadd.s32 s3, s5;
	[dreg:$0x0] =	wrdreg $0x0  }
0xa8: {  	s5 =	sshll.u32 s28, $0x1;
	[dreg:$0x2] =	wrdreg s3  }
0xa9: {  	[dreg:$0x3] =	wrdreg s5  }
0xaa: {  	[dreg:$0x4] =	wrdreg $0xC0  }
0xab: {  	_ =	task [dreg:s7], $0x5FFFF  }
0xac: {  	[dreg:$0x1] =	wrdreg $0xFFFFFFFF  }
0xad: {  	[dreg:$0x0] =	wrdreg $0x60  }
0xae: {  	[dreg:$0x2] =	wrdreg s2  }
0xaf: {  	[dreg:$0x3] =	wrdreg s24  }
0xb0: {  	[dreg:$0x4] =	wrdreg $0x9  }
0xb1: {  	_ =	task.clear_ibuf [dreg:s7], $0x5FFFF;
	_ =	strace $0x90000046  }
0xb2: {  	s29 =	simm.s32 $0x9;
	_ =	strace $0x80000048  }
0xb3: {  	_ =	swait.ge [sflag:s29], $0x1  }
0xb4: {  	[sflag:s29] =	ssyncadd.s32 $0xFFFFFFFF  }
0xb5: {  	_ =	strace $0x90000048  }
0xb6: {  	_ =	sfence  }
0xb7: {  	s30 =	sld [smem:$0x0];
	_ =	sdelay $0x2  }
0xb8: {  	s31 =	sshll.u32 s1, $0xD;
	s1 =	sshrl.u32 s1, $0x2  }
0xb9: {  	s3 =	sand.u32 $0x4000, s31;
	s1 =	sadd.s32 s1, s30  }
0xba: {  	s0 =	sor.u32 s3, s0;
	s1 =	sshll.u32 s1, $0x11  }
0xbb: {  	s0 =	sor.u32 s1, s0  }
0xbc: {  	s0 =	sadd.s32 $0x8F2B, s0  }
0xbd: {  	[sflag:s0] =	ssyncadd.remote.s32 $0x1  }
0xbe: {  	_ =	sfence.sel $0xFFFF  }
0xbf: {  	[dreg:$0x0] =	wrdreg $0xFFFFFFFF;
	(pc) =	sbr.abs _section_cstart, $3  }
0xc0: {  	[dreg:$0x1] =	wrdreg $0xFFFFFFFF  }
0xc1: {  	_ =	task.clear_ibuf [dreg:s7], $0x2FFFF;
	_ =	strace $0x9FFFFFFF  }
0xc2: {  	(tm) =	ssettm $0x7FFFFFFF  }
0xc3: {  	_ =	shalt  }
tec
execute0_lowered:
.L_overlay_start_1:
0x0: {  	(tag) =	ssettag $0x1  }
0x1: {  	s9 =	rddreg [dreg:$0x0]  }
0x2: {  	s3 =	rddreg [dreg:$0x1]  }
0x3: {  	s0 =	rddreg [dreg:$0x2]  }
0x4: {  	s4 =	srdreg.scid;
	s1 =	stileid.u32  }
0x5: {  	s2 =	simm.s32 $0x0;
	s4 =	sand.u32 $0x1, s4;
	s5 =	sshll.u32 s1, $0x1  }
0x6: {  	[smem:$0x7FF] =	sst s2;
	s10 =	sadd.s32 $0x1200, s3;
	s13 =	sor.u32 s4, s5  }
0x7: {  	_ =	strace $0x80000047;
	s4 =	ssub.s32 $0x2, s4;
	s5 =	smul.u32 $0x320, s13  }
0x8: {  	s6 =	sshll.u32 s13, $0xB;
	s7 =	smul.u32 $0x64, s13;
	s30 =	sshrl.u32 s4, $0x1  }
0x9: {  	p0 =	sgt.u32 s13, $0x1C;
	s13 =	simm.s32 $0x1;
	s11 =	sadd.s32 s6, s3  }
0xa: {  	s12 =	ssub.s32 s4, s30;
	s8 =	sshrl.u32 s5, $0x3;
	s3 =	sadd.s32 s9, s7  }
.Ltmp0:
0xb: {  	s4 =	sadd.s32 s10, s7;
	s11 =	sadd.s32 $0x4400, s11;
	(pc) =	sbr.rel .LBB2_1-.Ltmp0, $4  }
0xc: {  	s12 =	smax.u32 s12, $0x1;
	s31 =	sadd.s32 $0xC80, s8;
	s14 =	sadd.s32 $0x1900, s8  }
0xd: {  	s15 =	sadd.s32 $0x2580, s8;
	s5 =	sadd.s32 s9, s31;
	s6 =	sadd.s32 s10, s31  }
0xe: {  	s7 =	sadd.s32 s9, s14;
	s8 =	sadd.s32 s10, s14;
	s9 =	sadd.s32 s9, s15  }
0xf: {  	v0 =	vimm.f32 $0.0e+00;
	v1 =	vlaneseq.u32;
	s10 =	sadd.s32 s10, s15;
	s14 =	simm.s32 $0x380;
	s15 =	simm.s32 $0x700  }
.LBB2_3:
0x10: {  	s12 =	sadd.s32 $0xFFFFFFFF, s12  }
0x11: {  	p1 =	sne.s32 s12, $0x0  }
.Ltmp1:
0x12: {  	_ = 	snop;
	(pc) =	sbr.rel @!p1 .LBB2_4-.Ltmp1, $4  }
0x13: {  	[hbm4b:s11+s2] =	stream.linear.scatter [tilespmem:s15], [sflag:$0x1], $0x4000, $0x38;
	[tilespmem:$0x4700] =	vst v63  }
0x14: {  	_ =	swait.ge [sflag:s13], $0x4000  }
0x15: {  	[sflag:s13] =	ssyncset.done $0x0  }
0x16: {  	[sflag:s13] =	ssyncadd.s32 $0xFFFFC000  }
.LBB2_1:
0x17: {  	[tilespmem:$0x700] =	vst v0  }
0x18: {  	[tilespmem:$0x780] =	vst v0  }
0x19: {  	[tilespmem:$0x800] =	vst v0  }
0x1a: {  	[tilespmem:$0x880] =	vst v0  }
0x1b: {  	[tilespmem:$0x900] =	vst v0  }
0x1c: {  	[tilespmem:$0x980] =	vst v0  }
0x1d: {  	[tilespmem:$0xA00] =	vst v0  }
0x1e: {  	[tilespmem:$0xA80] =	vst v0  }
0x1f: {  	[tilespmem:$0xB00] =	vst v0  }
0x20: {  	[tilespmem:$0xB80] =	vst v0  }
0x21: {  	[tilespmem:$0xC00] =	vst v0  }
0x22: {  	[tilespmem:$0xC80] =	vst v0  }
0x23: {  	[tilespmem:$0xD00] =	vst v0  }
0x24: {  	[tilespmem:$0xD80] =	vst v0  }
0x25: {  	[tilespmem:$0xE00] =	vst v0  }
0x26: {  	[tilespmem:$0xE80] =	vst v0  }
0x27: {  	[tilespmem:$0xF00] =	vst v0  }
0x28: {  	[tilespmem:$0xF80] =	vst v0  }
0x29: {  	[tilespmem:$0x1000] =	vst v0  }
0x2a: {  	[tilespmem:$0x1080] =	vst v0  }
0x2b: {  	[tilespmem:$0x1100] =	vst v0  }
0x2c: {  	[tilespmem:$0x1180] =	vst v0  }
0x2d: {  	[tilespmem:$0x1200] =	vst v0  }
0x2e: {  	[tilespmem:$0x1280] =	vst v0  }
0x2f: {  	[tilespmem:$0x1300] =	vst v0  }
0x30: {  	[tilespmem:$0x1380] =	vst v0  }
0x31: {  	[tilespmem:$0x1400] =	vst v0  }
0x32: {  	[tilespmem:$0x1480] =	vst v0  }
0x33: {  	[tilespmem:$0x1500] =	vst v0  }
0x34: {  	[tilespmem:$0x1580] =	vst v0  }
0x35: {  	[tilespmem:$0x1600] =	vst v0  }
0x36: {  	[tilespmem:$0x1680] =	vst v0  }
0x37: {  	[tilespmem:$0x1700] =	vst v0  }
0x38: {  	[tilespmem:$0x1780] =	vst v0  }
0x39: {  	[tilespmem:$0x1800] =	vst v0  }
0x3a: {  	[tilespmem:$0x1880] =	vst v0  }
0x3b: {  	[tilespmem:$0x1900] =	vst v0  }
0x3c: {  	[tilespmem:$0x1980] =	vst v0  }
0x3d: {  	[tilespmem:$0x1A00] =	vst v0  }
0x3e: {  	[tilespmem:$0x1A80] =	vst v0  }
0x3f: {  	[tilespmem:$0x1B00] =	vst v0  }
0x40: {  	[tilespmem:$0x1B80] =	vst v0  }
0x41: {  	[tilespmem:$0x1C00] =	vst v0  }
0x42: {  	[tilespmem:$0x1C80] =	vst v0  }
0x43: {  	[tilespmem:$0x1D00] =	vst v0  }
0x44: {  	[tilespmem:$0x1D80] =	vst v0  }
0x45: {  	[tilespmem:$0x1E00] =	vst v0  }
0x46: {  	[tilespmem:$0x1E80] =	vst v0  }
0x47: {  	[tilespmem:$0x1F00] =	vst v0  }
0x48: {  	[tilespmem:$0x1F80] =	vst v0  }
0x49: {  	[tilespmem:$0x2000] =	vst v0  }
0x4a: {  	[tilespmem:$0x2080] =	vst v0  }
0x4b: {  	[tilespmem:$0x2100] =	vst v0  }
0x4c: {  	[tilespmem:$0x2180] =	vst v0  }
0x4d: {  	[tilespmem:$0x2200] =	vst v0  }
0x4e: {  	[tilespmem:$0x2280] =	vst v0  }
0x4f: {  	[tilespmem:$0x2300] =	vst v0  }
0x50: {  	[tilespmem:$0x2380] =	vst v0  }
0x51: {  	[tilespmem:$0x2400] =	vst v0  }
0x52: {  	[tilespmem:$0x2480] =	vst v0  }
0x53: {  	[tilespmem:$0x2500] =	vst v0  }
0x54: {  	[tilespmem:$0x2580] =	vst v0  }
0x55: {  	[tilespmem:$0x2600] =	vst v0  }
0x56: {  	[tilespmem:$0x2680] =	vst v0  }
0x57: {  	[tilespmem:$0x2700] =	vst v0  }
0x58: {  	[tilespmem:$0x2780] =	vst v0  }
0x59: {  	[tilespmem:$0x2800] =	vst v0  }
0x5a: {  	[tilespmem:$0x2880] =	vst v0  }
0x5b: {  	[tilespmem:$0x2900] =	vst v0  }
0x5c: {  	[tilespmem:$0x2980] =	vst v0  }
0x5d: {  	[tilespmem:$0x2A00] =	vst v0  }
0x5e: {  	[tilespmem:$0x2A80] =	vst v0  }
0x5f: {  	[tilespmem:$0x2B00] =	vst v0  }
0x60: {  	[tilespmem:$0x2B80] =	vst v0  }
0x61: {  	[tilespmem:$0x2C00] =	vst v0  }
0x62: {  	[tilespmem:$0x2C80] =	vst v0  }
0x63: {  	[tilespmem:$0x2D00] =	vst v0  }
0x64: {  	[tilespmem:$0x2D80] =	vst v0  }
0x65: {  	[tilespmem:$0x2E00] =	vst v0  }
0x66: {  	[tilespmem:$0x2E80] =	vst v0  }
0x67: {  	[tilespmem:$0x2F00] =	vst v0  }
0x68: {  	[tilespmem:$0x2F80] =	vst v0  }
0x69: {  	[tilespmem:$0x3000] =	vst v0  }
0x6a: {  	[tilespmem:$0x3080] =	vst v0  }
0x6b: {  	[tilespmem:$0x3100] =	vst v0  }
0x6c: {  	[tilespmem:$0x3180] =	vst v0  }
0x6d: {  	[tilespmem:$0x3200] =	vst v0  }
0x6e: {  	[tilespmem:$0x3280] =	vst v0  }
0x6f: {  	[tilespmem:$0x3300] =	vst v0  }
0x70: {  	[tilespmem:$0x3380] =	vst v0  }
0x71: {  	[tilespmem:$0x3400] =	vst v0  }
0x72: {  	[tilespmem:$0x3480] =	vst v0  }
0x73: {  	[tilespmem:$0x3500] =	vst v0  }
0x74: {  	[tilespmem:$0x3580] =	vst v0  }
0x75: {  	[tilespmem:$0x3600] =	vst v0  }
0x76: {  	[tilespmem:$0x3680] =	vst v0  }
0x77: {  	[tilespmem:$0x3700] =	vst v0  }
0x78: {  	[tilespmem:$0x3780] =	vst v0  }
0x79: {  	[tilespmem:$0x3800] =	vst v0  }
0x7a: {  	[tilespmem:$0x3880] =	vst v0  }
0x7b: {  	[tilespmem:$0x3900] =	vst v0  }
0x7c: {  	[tilespmem:$0x3980] =	vst v0  }
0x7d: {  	[tilespmem:$0x3A00] =	vst v0  }
0x7e: {  	[tilespmem:$0x3A80] =	vst v0  }
0x7f: {  	[tilespmem:$0x3B00] =	vst v0  }
0x80: {  	[tilespmem:$0x3B80] =	vst v0  }
0x81: {  	[tilespmem:$0x3C00] =	vst v0  }
0x82: {  	[tilespmem:$0x3C80] =	vst v0  }
0x83: {  	[tilespmem:$0x3D00] =	vst v0  }
0x84: {  	[tilespmem:$0x3D80] =	vst v0  }
0x85: {  	[tilespmem:$0x3E00] =	vst v0  }
0x86: {  	[tilespmem:$0x3E80] =	vst v0  }
0x87: {  	[tilespmem:$0x3F00] =	vst v0  }
0x88: {  	[tilespmem:$0x3F80] =	vst v0  }
0x89: {  	[tilespmem:$0x4000] =	vst v0  }
0x8a: {  	[tilespmem:$0x4080] =	vst v0  }
0x8b: {  	[tilespmem:$0x4100] =	vst v0  }
0x8c: {  	[tilespmem:$0x4180] =	vst v0  }
0x8d: {  	[tilespmem:$0x4200] =	vst v0  }
0x8e: {  	[tilespmem:$0x4280] =	vst v0  }
0x8f: {  	[tilespmem:$0x4300] =	vst v0  }
0x90: {  	[tilespmem:$0x4380] =	vst v0  }
0x91: {  	[tilespmem:$0x4400] =	vst v0  }
0x92: {  	[tilespmem:$0x4480] =	vst v0  }
0x93: {  	[tilespmem:$0x4500] =	vst v0  }
0x94: {  	[tilespmem:$0x4580] =	vst v0  }
0x95: {  	[tilespmem:$0x4600] =	vst v0  }
0x96: {  	[tilespmem:$0x4680] =	vst v0  }
0x97: {  	[tilespmem:s2], [sflag:$0x1] =	stream.linear.gather [hbm4b:s3+s2], $0x320, $0x38;
	[tilespmem:$0x4700] =	vst v63  }
0x98: {  	_ =	swait.ge [sflag:s13], $0x320  }
0x99: {  	[sflag:s13] =	ssyncset.done $0x0  }
0x9a: {  	[sflag:s13] =	ssyncadd.s32 $0xFFFFFCE0  }
0x9b: {  	[tilespmem:s14], [sflag:$0x1] =	stream.linear.gather [hbm4b:s4+s2], $0x320, $0x38;
	[tilespmem:$0x4700] =	vst v63  }
0x9c: {  	_ =	swait.ge [sflag:s13], $0x320  }
0x9d: {  	[sflag:s13] =	ssyncset.done $0x0  }
0x9e: {  	[sflag:s13] =	ssyncadd.s32 $0xFFFFFCE0  }
0x9f: {  	v2 =	vld [tilespmem:$0x0];
	_ =	sdelay $0x4  }
0xa0: {  	v2 =	vshll.u32 v2, $0x7  }
0xa1: {  	v3 =	vld [tilespmem:$0x380];
	v2 =	vor.u32 v1, v2;
	_ =	sdelay $0x4  }
0xa2: {  	[tilespmem:v2+s15+$0x0] =	vst.idx.add.f32.msk $0xffff, v3  }
0xa3: {  	v2 =	vld [tilespmem:$0x10];
	_ =	sdelay $0x4  }
0xa4: {  	v2 =	vshll.u32 v2, $0x7  }
0xa5: {  	v3 =	vld [tilespmem:$0x390];
	v2 =	vor.u32 v1, v2;
	_ =	sdelay $0x4  }
0xa6: {  	[tilespmem:v2+s15+$0x0] =	vst.idx.add.f32.msk $0xffff, v3  }
0xa7: {  	v2 =	vld [tilespmem:$0x20];
	_ =	sdelay $0x4  }
0xa8: {  	v2 =	vshll.u32 v2, $0x7  }
0xa9: {  	v3 =	vld [tilespmem:$0x3A0];
	v2 =	vor.u32 v1, v2;
	_ =	sdelay $0x4  }
0xaa: {  	[tilespmem:v2+s15+$0x0] =	vst.idx.add.f32.msk $0xffff, v3  }
0xab: {  	v2 =	vld [tilespmem:$0x30];
	_ =	sdelay $0x4  }
0xac: {  	v2 =	vshll.u32 v2, $0x7  }
0xad: {  	v3 =	vld [tilespmem:$0x3B0];
	v2 =	vor.u32 v1, v2;
	_ =	sdelay $0x4  }
0xae: {  	[tilespmem:v2+s15+$0x0] =	vst.idx.add.f32.msk $0xffff, v3  }
0xaf: {  	v2 =	vld [tilespmem:$0x40];
	_ =	sdelay $0x4  }
0xb0: {  	v2 =	vshll.u32 v2, $0x7  }
0xb1: {  	v3 =	vld [tilespmem:$0x3C0];
	v2 =	vor.u32 v1, v2;
	_ =	sdelay $0x4  }
0xb2: {  	[tilespmem:v2+s15+$0x0] =	vst.idx.add.f32.msk $0xffff, v3  }
0xb3: {  	v2 =	vld [tilespmem:$0x50];
	_ =	sdelay $0x4  }
0xb4: {  	v2 =	vshll.u32 v2, $0x7  }
0xb5: {  	v3 =	vld [tilespmem:$0x3D0];
	v2 =	vor.u32 v1, v2;
	_ =	sdelay $0x4  }
0xb6: {  	[tilespmem:v2+s15+$0x0] =	vst.idx.add.f32.msk $0xffff, v3  }
0xb7: {  	v2 =	vld [tilespmem:$0x60];
	_ =	sdelay $0x4  }
0xb8: {  	v2 =	vshll.u32 v2, $0x7  }
0xb9: {  	v3 =	vld [tilespmem:$0x3E0];
	v2 =	vor.u32 v1, v2;
	_ =	sdelay $0x4  }
0xba: {  	[tilespmem:v2+s15+$0x0] =	vst.idx.add.f32.msk $0xffff, v3  }
0xbb: {  	v2 =	vld [tilespmem:$0x70];
	_ =	sdelay $0x4  }
0xbc: {  	v2 =	vshll.u32 v2, $0x7  }
0xbd: {  	v3 =	vld [tilespmem:$0x3F0];
	v2 =	vor.u32 v1, v2;
	_ =	sdelay $0x4  }
0xbe: {  	[tilespmem:v2+s15+$0x0] =	vst.idx.add.f32.msk $0xffff, v3  }
0xbf: {  	v2 =	vld [tilespmem:$0x80];
	_ =	sdelay $0x4  }
0xc0: {  	v2 =	vshll.u32 v2, $0x7  }
0xc1: {  	v3 =	vld [tilespmem:$0x400];
	v2 =	vor.u32 v1, v2;
	_ =	sdelay $0x4  }
0xc2: {  	[tilespmem:v2+s15+$0x0] =	vst.idx.add.f32.msk $0xffff, v3  }
0xc3: {  	v2 =	vld [tilespmem:$0x90];
	_ =	sdelay $0x4  }
0xc4: {  	v2 =	vshll.u32 v2, $0x7  }
0xc5: {  	v3 =	vld [tilespmem:$0x410];
	v2 =	vor.u32 v1, v2;
	_ =	sdelay $0x4  }
0xc6: {  	[tilespmem:v2+s15+$0x0] =	vst.idx.add.f32.msk $0xffff, v3  }
0xc7: {  	v2 =	vld [tilespmem:$0xA0];
	_ =	sdelay $0x4  }
0xc8: {  	v2 =	vshll.u32 v2, $0x7  }
0xc9: {  	v3 =	vld [tilespmem:$0x420];
	v2 =	vor.u32 v1, v2;
	_ =	sdelay $0x4  }
0xca: {  	[tilespmem:v2+s15+$0x0] =	vst.idx.add.f32.msk $0xffff, v3  }
0xcb: {  	v2 =	vld [tilespmem:$0xB0];
	_ =	sdelay $0x4  }
0xcc: {  	v2 =	vshll.u32 v2, $0x7  }
0xcd: {  	v3 =	vld [tilespmem:$0x430];
	v2 =	vor.u32 v1, v2;
	_ =	sdelay $0x4  }
0xce: {  	[tilespmem:v2+s15+$0x0] =	vst.idx.add.f32.msk $0xffff, v3  }
0xcf: {  	v2 =	vld [tilespmem:$0xC0];
	_ =	sdelay $0x4  }
0xd0: {  	v2 =	vshll.u32 v2, $0x7  }
0xd1: {  	v3 =	vld [tilespmem:$0x440];
	v2 =	vor.u32 v1, v2;
	_ =	sdelay $0x4  }
0xd2: {  	[tilespmem:v2+s15+$0x0] =	vst.idx.add.f32.msk $0xffff, v3  }
0xd3: {  	v2 =	vld [tilespmem:$0xD0];
	_ =	sdelay $0x4  }
0xd4: {  	v2 =	vshll.u32 v2, $0x7  }
0xd5: {  	v3 =	vld [tilespmem:$0x450];
	v2 =	vor.u32 v1, v2;
	_ =	sdelay $0x4  }
0xd6: {  	[tilespmem:v2+s15+$0x0] =	vst.idx.add.f32.msk $0xffff, v3  }
0xd7: {  	v2 =	vld [tilespmem:$0xE0];
	_ =	sdelay $0x4  }
0xd8: {  	v2 =	vshll.u32 v2, $0x7  }
0xd9: {  	v3 =	vld [tilespmem:$0x460];
	v2 =	vor.u32 v1, v2;
	_ =	sdelay $0x4  }
0xda: {  	[tilespmem:v2+s15+$0x0] =	vst.idx.add.f32.msk $0xffff, v3  }
0xdb: {  	v2 =	vld [tilespmem:$0xF0];
	_ =	sdelay $0x4  }
0xdc: {  	v2 =	vshll.u32 v2, $0x7  }
0xdd: {  	v3 =	vld [tilespmem:$0x470];
	v2 =	vor.u32 v1, v2;
	_ =	sdelay $0x4  }
0xde: {  	[tilespmem:v2+s15+$0x0] =	vst.idx.add.f32.msk $0xffff, v3  }
0xdf: {  	v2 =	vld [tilespmem:$0x100];
	_ =	sdelay $0x4  }
0xe0: {  	v2 =	vshll.u32 v2, $0x7  }
0xe1: {  	v3 =	vld [tilespmem:$0x480];
	v2 =	vor.u32 v1, v2;
	_ =	sdelay $0x4  }
0xe2: {  	[tilespmem:v2+s15+$0x0] =	vst.idx.add.f32.msk $0xffff, v3  }
0xe3: {  	v2 =	vld [tilespmem:$0x110];
	_ =	sdelay $0x4  }
0xe4: {  	v2 =	vshll.u32 v2, $0x7  }
0xe5: {  	v3 =	vld [tilespmem:$0x490];
	v2 =	vor.u32 v1, v2;
	_ =	sdelay $0x4  }
0xe6: {  	[tilespmem:v2+s15+$0x0] =	vst.idx.add.f32.msk $0xffff, v3  }
0xe7: {  	v2 =	vld [tilespmem:$0x120];
	_ =	sdelay $0x4  }
0xe8: {  	v2 =	vshll.u32 v2, $0x7  }
0xe9: {  	v3 =	vld [tilespmem:$0x4A0];
	v2 =	vor.u32 v1, v2;
	_ =	sdelay $0x4  }
0xea: {  	[tilespmem:v2+s15+$0x0] =	vst.idx.add.f32.msk $0xffff, v3  }
0xeb: {  	v2 =	vld [tilespmem:$0x130];
	_ =	sdelay $0x4  }
0xec: {  	v2 =	vshll.u32 v2, $0x7  }
0xed: {  	v3 =	vld [tilespmem:$0x4B0];
	v2 =	vor.u32 v1, v2;
	_ =	sdelay $0x4  }
0xee: {  	[tilespmem:v2+s15+$0x0] =	vst.idx.add.f32.msk $0xffff, v3  }
0xef: {  	v2 =	vld [tilespmem:$0x140];
	_ =	sdelay $0x4  }
0xf0: {  	v2 =	vshll.u32 v2, $0x7  }
0xf1: {  	v3 =	vld [tilespmem:$0x4C0];
	v2 =	vor.u32 v1, v2;
	_ =	sdelay $0x4  }
0xf2: {  	[tilespmem:v2+s15+$0x0] =	vst.idx.add.f32.msk $0xffff, v3  }
0xf3: {  	v2 =	vld [tilespmem:$0x150];
	_ =	sdelay $0x4  }
0xf4: {  	v2 =	vshll.u32 v2, $0x7  }
0xf5: {  	v3 =	vld [tilespmem:$0x4D0];
	v2 =	vor.u32 v1, v2;
	_ =	sdelay $0x4  }
0xf6: {  	[tilespmem:v2+s15+$0x0] =	vst.idx.add.f32.msk $0xffff, v3  }
0xf7: {  	v2 =	vld [tilespmem:$0x160];
	_ =	sdelay $0x4  }
0xf8: {  	v2 =	vshll.u32 v2, $0x7  }
0xf9: {  	v3 =	vld [tilespmem:$0x4E0];
	v2 =	vor.u32 v1, v2;
	_ =	sdelay $0x4  }
0xfa: {  	[tilespmem:v2+s15+$0x0] =	vst.idx.add.f32.msk $0xffff, v3  }
0xfb: {  	v2 =	vld [tilespmem:$0x170];
	_ =	sdelay $0x4  }
0xfc: {  	v2 =	vshll.u32 v2, $0x7  }
0xfd: {  	v3 =	vld [tilespmem:$0x4F0];
	v2 =	vor.u32 v1, v2;
	_ =	sdelay $0x4  }
0xfe: {  	[tilespmem:v2+s15+$0x0] =	vst.idx.add.f32.msk $0xffff, v3  }
0xff: {  	v2 =	vld [tilespmem:$0x180];
	_ =	sdelay $0x4  }
0x100: {  	v2 =	vshll.u32 v2, $0x7  }
0x101: {  	v3 =	vld [tilespmem:$0x500];
	v2 =	vor.u32 v1, v2;
	_ =	sdelay $0x4  }
0x102: {  	[tilespmem:v2+s15+$0x0] =	vst.idx.add.f32.msk $0xffff, v3  }
0x103: {  	v2 =	vld [tilespmem:$0x190];
	_ =	sdelay $0x4  }
0x104: {  	v2 =	vshll.u32 v2, $0x7  }
0x105: {  	v3 =	vld [tilespmem:$0x510];
	v2 =	vor.u32 v1, v2;
	_ =	sdelay $0x4  }
0x106: {  	[tilespmem:v2+s15+$0x0] =	vst.idx.add.f32.msk $0xffff, v3  }
0x107: {  	v2 =	vld [tilespmem:$0x1A0];
	_ =	sdelay $0x4  }
0x108: {  	v2 =	vshll.u32 v2, $0x7  }
0x109: {  	v3 =	vld [tilespmem:$0x520];
	v2 =	vor.u32 v1, v2;
	_ =	sdelay $0x4  }
0x10a: {  	[tilespmem:v2+s15+$0x0] =	vst.idx.add.f32.msk $0xffff, v3  }
0x10b: {  	v2 =	vld [tilespmem:$0x1B0];
	_ =	sdelay $0x4  }
0x10c: {  	v2 =	vshll.u32 v2, $0x7  }
0x10d: {  	v3 =	vld [tilespmem:$0x530];
	v2 =	vor.u32 v1, v2;
	_ =	sdelay $0x4  }
0x10e: {  	[tilespmem:v2+s15+$0x0] =	vst.idx.add.f32.msk $0xffff, v3  }
0x10f: {  	v2 =	vld [tilespmem:$0x1C0];
	_ =	sdelay $0x4  }
0x110: {  	v2 =	vshll.u32 v2, $0x7  }
0x111: {  	v3 =	vld [tilespmem:$0x540];
	v2 =	vor.u32 v1, v2;
	_ =	sdelay $0x4  }
0x112: {  	[tilespmem:v2+s15+$0x0] =	vst.idx.add.f32.msk $0xffff, v3  }
0x113: {  	v2 =	vld [tilespmem:$0x1D0];
	_ =	sdelay $0x4  }
0x114: {  	v2 =	vshll.u32 v2, $0x7  }
0x115: {  	v3 =	vld [tilespmem:$0x550];
	v2 =	vor.u32 v1, v2;
	_ =	sdelay $0x4  }
0x116: {  	[tilespmem:v2+s15+$0x0] =	vst.idx.add.f32.msk $0xffff, v3  }
0x117: {  	v2 =	vld [tilespmem:$0x1E0];
	_ =	sdelay $0x4  }
0x118: {  	v2 =	vshll.u32 v2, $0x7  }
0x119: {  	v3 =	vld [tilespmem:$0x560];
	v2 =	vor.u32 v1, v2;
	_ =	sdelay $0x4  }
0x11a: {  	[tilespmem:v2+s15+$0x0] =	vst.idx.add.f32.msk $0xffff, v3  }
0x11b: {  	v2 =	vld [tilespmem:$0x1F0];
	_ =	sdelay $0x4  }
0x11c: {  	v2 =	vshll.u32 v2, $0x7  }
0x11d: {  	v3 =	vld [tilespmem:$0x570];
	v2 =	vor.u32 v1, v2;
	_ =	sdelay $0x4  }
0x11e: {  	[tilespmem:v2+s15+$0x0] =	vst.idx.add.f32.msk $0xffff, v3  }
0x11f: {  	v2 =	vld [tilespmem:$0x200];
	_ =	sdelay $0x4  }
0x120: {  	v2 =	vshll.u32 v2, $0x7  }
0x121: {  	v3 =	vld [tilespmem:$0x580];
	v2 =	vor.u32 v1, v2;
	_ =	sdelay $0x4  }
0x122: {  	[tilespmem:v2+s15+$0x0] =	vst.idx.add.f32.msk $0xffff, v3  }
0x123: {  	v2 =	vld [tilespmem:$0x210];
	_ =	sdelay $0x4  }
0x124: {  	v2 =	vshll.u32 v2, $0x7  }
0x125: {  	v3 =	vld [tilespmem:$0x590];
	v2 =	vor.u32 v1, v2;
	_ =	sdelay $0x4  }
0x126: {  	[tilespmem:v2+s15+$0x0] =	vst.idx.add.f32.msk $0xffff, v3  }
0x127: {  	v2 =	vld [tilespmem:$0x220];
	_ =	sdelay $0x4  }
0x128: {  	v2 =	vshll.u32 v2, $0x7  }
0x129: {  	v3 =	vld [tilespmem:$0x5A0];
	v2 =	vor.u32 v1, v2;
	_ =	sdelay $0x4  }
0x12a: {  	[tilespmem:v2+s15+$0x0] =	vst.idx.add.f32.msk $0xffff, v3  }
0x12b: {  	v2 =	vld [tilespmem:$0x230];
	_ =	sdelay $0x4  }
0x12c: {  	v2 =	vshll.u32 v2, $0x7  }
0x12d: {  	v3 =	vld [tilespmem:$0x5B0];
	v2 =	vor.u32 v1, v2;
	_ =	sdelay $0x4  }
0x12e: {  	[tilespmem:v2+s15+$0x0] =	vst.idx.add.f32.msk $0xffff, v3  }
0x12f: {  	v2 =	vld [tilespmem:$0x240];
	_ =	sdelay $0x4  }
0x130: {  	v2 =	vshll.u32 v2, $0x7  }
0x131: {  	v3 =	vld [tilespmem:$0x5C0];
	v2 =	vor.u32 v1, v2;
	_ =	sdelay $0x4  }
0x132: {  	[tilespmem:v2+s15+$0x0] =	vst.idx.add.f32.msk $0xffff, v3  }
0x133: {  	v2 =	vld [tilespmem:$0x250];
	_ =	sdelay $0x4  }
0x134: {  	v2 =	vshll.u32 v2, $0x7  }
0x135: {  	v3 =	vld [tilespmem:$0x5D0];
	v2 =	vor.u32 v1, v2;
	_ =	sdelay $0x4  }
0x136: {  	[tilespmem:v2+s15+$0x0] =	vst.idx.add.f32.msk $0xffff, v3  }
0x137: {  	v2 =	vld [tilespmem:$0x260];
	_ =	sdelay $0x4  }
0x138: {  	v2 =	vshll.u32 v2, $0x7  }
0x139: {  	v3 =	vld [tilespmem:$0x5E0];
	v2 =	vor.u32 v1, v2;
	_ =	sdelay $0x4  }
0x13a: {  	[tilespmem:v2+s15+$0x0] =	vst.idx.add.f32.msk $0xffff, v3  }
0x13b: {  	v2 =	vld [tilespmem:$0x270];
	_ =	sdelay $0x4  }
0x13c: {  	v2 =	vshll.u32 v2, $0x7  }
0x13d: {  	v3 =	vld [tilespmem:$0x5F0];
	v2 =	vor.u32 v1, v2;
	_ =	sdelay $0x4  }
0x13e: {  	[tilespmem:v2+s15+$0x0] =	vst.idx.add.f32.msk $0xffff, v3  }
0x13f: {  	v2 =	vld [tilespmem:$0x280];
	_ =	sdelay $0x4  }
0x140: {  	v2 =	vshll.u32 v2, $0x7  }
0x141: {  	v3 =	vld [tilespmem:$0x600];
	v2 =	vor.u32 v1, v2;
	_ =	sdelay $0x4  }
0x142: {  	[tilespmem:v2+s15+$0x0] =	vst.idx.add.f32.msk $0xffff, v3  }
0x143: {  	v2 =	vld [tilespmem:$0x290];
	_ =	sdelay $0x4  }
0x144: {  	v2 =	vshll.u32 v2, $0x7  }
0x145: {  	v3 =	vld [tilespmem:$0x610];
	v2 =	vor.u32 v1, v2;
	_ =	sdelay $0x4  }
0x146: {  	[tilespmem:v2+s15+$0x0] =	vst.idx.add.f32.msk $0xffff, v3  }
0x147: {  	v2 =	vld [tilespmem:$0x2A0];
	_ =	sdelay $0x4  }
0x148: {  	v2 =	vshll.u32 v2, $0x7  }
0x149: {  	v3 =	vld [tilespmem:$0x620];
	v2 =	vor.u32 v1, v2;
	_ =	sdelay $0x4  }
0x14a: {  	[tilespmem:v2+s15+$0x0] =	vst.idx.add.f32.msk $0xffff, v3  }
0x14b: {  	v2 =	vld [tilespmem:$0x2B0];
	_ =	sdelay $0x4  }
0x14c: {  	v2 =	vshll.u32 v2, $0x7  }
0x14d: {  	v3 =	vld [tilespmem:$0x630];
	v2 =	vor.u32 v1, v2;
	_ =	sdelay $0x4  }
0x14e: {  	[tilespmem:v2+s15+$0x0] =	vst.idx.add.f32.msk $0xffff, v3  }
0x14f: {  	v2 =	vld [tilespmem:$0x2C0];
	_ =	sdelay $0x4  }
0x150: {  	v2 =	vshll.u32 v2, $0x7  }
0x151: {  	v3 =	vld [tilespmem:$0x640];
	v2 =	vor.u32 v1, v2;
	_ =	sdelay $0x4  }
0x152: {  	[tilespmem:v2+s15+$0x0] =	vst.idx.add.f32.msk $0xffff, v3  }
0x153: {  	v2 =	vld [tilespmem:$0x2D0];
	_ =	sdelay $0x4  }
0x154: {  	v2 =	vshll.u32 v2, $0x7  }
0x155: {  	v3 =	vld [tilespmem:$0x650];
	v2 =	vor.u32 v1, v2;
	_ =	sdelay $0x4  }
0x156: {  	[tilespmem:v2+s15+$0x0] =	vst.idx.add.f32.msk $0xffff, v3  }
0x157: {  	v2 =	vld [tilespmem:$0x2E0];
	_ =	sdelay $0x4  }
0x158: {  	v2 =	vshll.u32 v2, $0x7  }
0x159: {  	v3 =	vld [tilespmem:$0x660];
	v2 =	vor.u32 v1, v2;
	_ =	sdelay $0x4  }
0x15a: {  	[tilespmem:v2+s15+$0x0] =	vst.idx.add.f32.msk $0xffff, v3  }
0x15b: {  	v2 =	vld [tilespmem:$0x2F0];
	_ =	sdelay $0x4  }
0x15c: {  	v2 =	vshll.u32 v2, $0x7  }
0x15d: {  	v3 =	vld [tilespmem:$0x670];
	v2 =	vor.u32 v1, v2;
	_ =	sdelay $0x4  }
0x15e: {  	[tilespmem:v2+s15+$0x0] =	vst.idx.add.f32.msk $0xffff, v3  }
0x15f: {  	v2 =	vld [tilespmem:$0x300];
	_ =	sdelay $0x4  }
0x160: {  	v2 =	vshll.u32 v2, $0x7  }
0x161: {  	v3 =	vld [tilespmem:$0x680];
	v2 =	vor.u32 v1, v2;
	_ =	sdelay $0x4  }
0x162: {  	[tilespmem:v2+s15+$0x0] =	vst.idx.add.f32.msk $0xffff, v3  }
0x163: {  	v2 =	vld [tilespmem:$0x310];
	_ =	sdelay $0x4  }
0x164: {  	v2 =	vshll.u32 v2, $0x7  }
0x165: {  	v3 =	vld [tilespmem:$0x690];
	v2 =	vor.u32 v1, v2;
	_ =	sdelay $0x4  }
0x166: {  	[tilespmem:v2+s15+$0x0] =	vst.idx.add.f32.msk $0xffff, v3  }
0x167: {  	[tilespmem:s2], [sflag:$0x1] =	stream.linear.gather [hbm4b:s5+s2], $0x320, $0x38;
	[tilespmem:$0x4700] =	vst v63  }
0x168: {  	_ =	swait.ge [sflag:s13], $0x320  }
0x169: {  	[sflag:s13] =	ssyncset.done $0x0  }
0x16a: {  	[sflag:s13] =	ssyncadd.s32 $0xFFFFFCE0  }
0x16b: {  	[tilespmem:s14], [sflag:$0x1] =	stream.linear.gather [hbm4b:s6+s2], $0x320, $0x38;
	[tilespmem:$0x4700] =	vst v63  }
0x16c: {  	_ =	swait.ge [sflag:s13], $0x320  }
0x16d: {  	[sflag:s13] =	ssyncset.done $0x0  }
0x16e: {  	[sflag:s13] =	ssyncadd.s32 $0xFFFFFCE0  }
0x16f: {  	v2 =	vld [tilespmem:$0x0];
	_ =	sdelay $0x4  }
0x170: {  	v2 =	vshll.u32 v2, $0x7  }
0x171: {  	v3 =	vld [tilespmem:$0x380];
	v2 =	vor.u32 v1, v2;
	_ =	sdelay $0x4  }
0x172: {  	[tilespmem:v2+s15+$0x0] =	vst.idx.add.f32.msk $0xffff, v3  }
0x173: {  	v2 =	vld [tilespmem:$0x10];
	_ =	sdelay $0x4  }
0x174: {  	v2 =	vshll.u32 v2, $0x7  }
0x175: {  	v3 =	vld [tilespmem:$0x390];
	v2 =	vor.u32 v1, v2;
	_ =	sdelay $0x4  }
0x176: {  	[tilespmem:v2+s15+$0x0] =	vst.idx.add.f32.msk $0xffff, v3  }
0x177: {  	v2 =	vld [tilespmem:$0x20];
	_ =	sdelay $0x4  }
0x178: {  	v2 =	vshll.u32 v2, $0x7  }
0x179: {  	v3 =	vld [tilespmem:$0x3A0];
	v2 =	vor.u32 v1, v2;
	_ =	sdelay $0x4  }
0x17a: {  	[tilespmem:v2+s15+$0x0] =	vst.idx.add.f32.msk $0xffff, v3  }
0x17b: {  	v2 =	vld [tilespmem:$0x30];
	_ =	sdelay $0x4  }
0x17c: {  	v2 =	vshll.u32 v2, $0x7  }
0x17d: {  	v3 =	vld [tilespmem:$0x3B0];
	v2 =	vor.u32 v1, v2;
	_ =	sdelay $0x4  }
0x17e: {  	[tilespmem:v2+s15+$0x0] =	vst.idx.add.f32.msk $0xffff, v3  }
0x17f: {  	v2 =	vld [tilespmem:$0x40];
	_ =	sdelay $0x4  }
0x180: {  	v2 =	vshll.u32 v2, $0x7  }
0x181: {  	v3 =	vld [tilespmem:$0x3C0];
	v2 =	vor.u32 v1, v2;
	_ =	sdelay $0x4  }
0x182: {  	[tilespmem:v2+s15+$0x0] =	vst.idx.add.f32.msk $0xffff, v3  }
0x183: {  	v2 =	vld [tilespmem:$0x50];
	_ =	sdelay $0x4  }
0x184: {  	v2 =	vshll.u32 v2, $0x7  }
0x185: {  	v3 =	vld [tilespmem:$0x3D0];
	v2 =	vor.u32 v1, v2;
	_ =	sdelay $0x4  }
0x186: {  	[tilespmem:v2+s15+$0x0] =	vst.idx.add.f32.msk $0xffff, v3  }
0x187: {  	v2 =	vld [tilespmem:$0x60];
	_ =	sdelay $0x4  }
0x188: {  	v2 =	vshll.u32 v2, $0x7  }
0x189: {  	v3 =	vld [tilespmem:$0x3E0];
	v2 =	vor.u32 v1, v2;
	_ =	sdelay $0x4  }
0x18a: {  	[tilespmem:v2+s15+$0x0] =	vst.idx.add.f32.msk $0xffff, v3  }
0x18b: {  	v2 =	vld [tilespmem:$0x70];
	_ =	sdelay $0x4  }
0x18c: {  	v2 =	vshll.u32 v2, $0x7  }
0x18d: {  	v3 =	vld [tilespmem:$0x3F0];
	v2 =	vor.u32 v1, v2;
	_ =	sdelay $0x4  }
0x18e: {  	[tilespmem:v2+s15+$0x0] =	vst.idx.add.f32.msk $0xffff, v3  }
0x18f: {  	v2 =	vld [tilespmem:$0x80];
	_ =	sdelay $0x4  }
0x190: {  	v2 =	vshll.u32 v2, $0x7  }
0x191: {  	v3 =	vld [tilespmem:$0x400];
	v2 =	vor.u32 v1, v2;
	_ =	sdelay $0x4  }
0x192: {  	[tilespmem:v2+s15+$0x0] =	vst.idx.add.f32.msk $0xffff, v3  }
0x193: {  	v2 =	vld [tilespmem:$0x90];
	_ =	sdelay $0x4  }
0x194: {  	v2 =	vshll.u32 v2, $0x7  }
0x195: {  	v3 =	vld [tilespmem:$0x410];
	v2 =	vor.u32 v1, v2;
	_ =	sdelay $0x4  }
0x196: {  	[tilespmem:v2+s15+$0x0] =	vst.idx.add.f32.msk $0xffff, v3  }
0x197: {  	v2 =	vld [tilespmem:$0xA0];
	_ =	sdelay $0x4  }
0x198: {  	v2 =	vshll.u32 v2, $0x7  }
0x199: {  	v3 =	vld [tilespmem:$0x420];
	v2 =	vor.u32 v1, v2;
	_ =	sdelay $0x4  }
0x19a: {  	[tilespmem:v2+s15+$0x0] =	vst.idx.add.f32.msk $0xffff, v3  }
0x19b: {  	v2 =	vld [tilespmem:$0xB0];
	_ =	sdelay $0x4  }
0x19c: {  	v2 =	vshll.u32 v2, $0x7  }
0x19d: {  	v3 =	vld [tilespmem:$0x430];
	v2 =	vor.u32 v1, v2;
	_ =	sdelay $0x4  }
0x19e: {  	[tilespmem:v2+s15+$0x0] =	vst.idx.add.f32.msk $0xffff, v3  }
0x19f: {  	v2 =	vld [tilespmem:$0xC0];
	_ =	sdelay $0x4  }
0x1a0: {  	v2 =	vshll.u32 v2, $0x7  }
0x1a1: {  	v3 =	vld [tilespmem:$0x440];
	v2 =	vor.u32 v1, v2;
	_ =	sdelay $0x4  }
0x1a2: {  	[tilespmem:v2+s15+$0x0] =	vst.idx.add.f32.msk $0xffff, v3  }
0x1a3: {  	v2 =	vld [tilespmem:$0xD0];
	_ =	sdelay $0x4  }
0x1a4: {  	v2 =	vshll.u32 v2, $0x7  }
0x1a5: {  	v3 =	vld [tilespmem:$0x450];
	v2 =	vor.u32 v1, v2;
	_ =	sdelay $0x4  }
0x1a6: {  	[tilespmem:v2+s15+$0x0] =	vst.idx.add.f32.msk $0xffff, v3  }
0x1a7: {  	v2 =	vld [tilespmem:$0xE0];
	_ =	sdelay $0x4  }
0x1a8: {  	v2 =	vshll.u32 v2, $0x7  }
0x1a9: {  	v3 =	vld [tilespmem:$0x460];
	v2 =	vor.u32 v1, v2;
	_ =	sdelay $0x4  }
0x1aa: {  	[tilespmem:v2+s15+$0x0] =	vst.idx.add.f32.msk $0xffff, v3  }
0x1ab: {  	v2 =	vld [tilespmem:$0xF0];
	_ =	sdelay $0x4  }
0x1ac: {  	v2 =	vshll.u32 v2, $0x7  }
0x1ad: {  	v3 =	vld [tilespmem:$0x470];
	v2 =	vor.u32 v1, v2;
	_ =	sdelay $0x4  }
0x1ae: {  	[tilespmem:v2+s15+$0x0] =	vst.idx.add.f32.msk $0xffff, v3  }
0x1af: {  	v2 =	vld [tilespmem:$0x100];
	_ =	sdelay $0x4  }
0x1b0: {  	v2 =	vshll.u32 v2, $0x7  }
0x1b1: {  	v3 =	vld [tilespmem:$0x480];
	v2 =	vor.u32 v1, v2;
	_ =	sdelay $0x4  }
0x1b2: {  	[tilespmem:v2+s15+$0x0] =	vst.idx.add.f32.msk $0xffff, v3  }
0x1b3: {  	v2 =	vld [tilespmem:$0x110];
	_ =	sdelay $0x4  }
0x1b4: {  	v2 =	vshll.u32 v2, $0x7  }
0x1b5: {  	v3 =	vld [tilespmem:$0x490];
	v2 =	vor.u32 v1, v2;
	_ =	sdelay $0x4  }
0x1b6: {  	[tilespmem:v2+s15+$0x0] =	vst.idx.add.f32.msk $0xffff, v3  }
0x1b7: {  	v2 =	vld [tilespmem:$0x120];
	_ =	sdelay $0x4  }
0x1b8: {  	v2 =	vshll.u32 v2, $0x7  }
0x1b9: {  	v3 =	vld [tilespmem:$0x4A0];
	v2 =	vor.u32 v1, v2;
	_ =	sdelay $0x4  }
0x1ba: {  	[tilespmem:v2+s15+$0x0] =	vst.idx.add.f32.msk $0xffff, v3  }
0x1bb: {  	v2 =	vld [tilespmem:$0x130];
	_ =	sdelay $0x4  }
0x1bc: {  	v2 =	vshll.u32 v2, $0x7  }
0x1bd: {  	v3 =	vld [tilespmem:$0x4B0];
	v2 =	vor.u32 v1, v2;
	_ =	sdelay $0x4  }
0x1be: {  	[tilespmem:v2+s15+$0x0] =	vst.idx.add.f32.msk $0xffff, v3  }
0x1bf: {  	v2 =	vld [tilespmem:$0x140];
	_ =	sdelay $0x4  }
0x1c0: {  	v2 =	vshll.u32 v2, $0x7  }
0x1c1: {  	v3 =	vld [tilespmem:$0x4C0];
	v2 =	vor.u32 v1, v2;
	_ =	sdelay $0x4  }
0x1c2: {  	[tilespmem:v2+s15+$0x0] =	vst.idx.add.f32.msk $0xffff, v3  }
0x1c3: {  	v2 =	vld [tilespmem:$0x150];
	_ =	sdelay $0x4  }
0x1c4: {  	v2 =	vshll.u32 v2, $0x7  }
0x1c5: {  	v3 =	vld [tilespmem:$0x4D0];
	v2 =	vor.u32 v1, v2;
	_ =	sdelay $0x4  }
0x1c6: {  	[tilespmem:v2+s15+$0x0] =	vst.idx.add.f32.msk $0xffff, v3  }
0x1c7: {  	v2 =	vld [tilespmem:$0x160];
	_ =	sdelay $0x4  }
0x1c8: {  	v2 =	vshll.u32 v2, $0x7  }
0x1c9: {  	v3 =	vld [tilespmem:$0x4E0];
	v2 =	vor.u32 v1, v2;
	_ =	sdelay $0x4  }
0x1ca: {  	[tilespmem:v2+s15+$0x0] =	vst.idx.add.f32.msk $0xffff, v3  }
0x1cb: {  	v2 =	vld [tilespmem:$0x170];
	_ =	sdelay $0x4  }
0x1cc: {  	v2 =	vshll.u32 v2, $0x7  }
0x1cd: {  	v3 =	vld [tilespmem:$0x4F0];
	v2 =	vor.u32 v1, v2;
	_ =	sdelay $0x4  }
0x1ce: {  	[tilespmem:v2+s15+$0x0] =	vst.idx.add.f32.msk $0xffff, v3  }
0x1cf: {  	v2 =	vld [tilespmem:$0x180];
	_ =	sdelay $0x4  }
0x1d0: {  	v2 =	vshll.u32 v2, $0x7  }
0x1d1: {  	v3 =	vld [tilespmem:$0x500];
	v2 =	vor.u32 v1, v2;
	_ =	sdelay $0x4  }
0x1d2: {  	[tilespmem:v2+s15+$0x0] =	vst.idx.add.f32.msk $0xffff, v3  }
0x1d3: {  	v2 =	vld [tilespmem:$0x190];
	_ =	sdelay $0x4  }
0x1d4: {  	v2 =	vshll.u32 v2, $0x7  }
0x1d5: {  	v3 =	vld [tilespmem:$0x510];
	v2 =	vor.u32 v1, v2;
	_ =	sdelay $0x4  }
0x1d6: {  	[tilespmem:v2+s15+$0x0] =	vst.idx.add.f32.msk $0xffff, v3  }
0x1d7: {  	v2 =	vld [tilespmem:$0x1A0];
	_ =	sdelay $0x4  }
0x1d8: {  	v2 =	vshll.u32 v2, $0x7  }
0x1d9: {  	v3 =	vld [tilespmem:$0x520];
	v2 =	vor.u32 v1, v2;
	_ =	sdelay $0x4  }
0x1da: {  	[tilespmem:v2+s15+$0x0] =	vst.idx.add.f32.msk $0xffff, v3  }
0x1db: {  	v2 =	vld [tilespmem:$0x1B0];
	_ =	sdelay $0x4  }
0x1dc: {  	v2 =	vshll.u32 v2, $0x7  }
0x1dd: {  	v3 =	vld [tilespmem:$0x530];
	v2 =	vor.u32 v1, v2;
	_ =	sdelay $0x4  }
0x1de: {  	[tilespmem:v2+s15+$0x0] =	vst.idx.add.f32.msk $0xffff, v3  }
0x1df: {  	v2 =	vld [tilespmem:$0x1C0];
	_ =	sdelay $0x4  }
0x1e0: {  	v2 =	vshll.u32 v2, $0x7  }
0x1e1: {  	v3 =	vld [tilespmem:$0x540];
	v2 =	vor.u32 v1, v2;
	_ =	sdelay $0x4  }
0x1e2: {  	[tilespmem:v2+s15+$0x0] =	vst.idx.add.f32.msk $0xffff, v3  }
0x1e3: {  	v2 =	vld [tilespmem:$0x1D0];
	_ =	sdelay $0x4  }
0x1e4: {  	v2 =	vshll.u32 v2, $0x7  }
0x1e5: {  	v3 =	vld [tilespmem:$0x550];
	v2 =	vor.u32 v1, v2;
	_ =	sdelay $0x4  }
0x1e6: {  	[tilespmem:v2+s15+$0x0] =	vst.idx.add.f32.msk $0xffff, v3  }
0x1e7: {  	v2 =	vld [tilespmem:$0x1E0];
	_ =	sdelay $0x4  }
0x1e8: {  	v2 =	vshll.u32 v2, $0x7  }
0x1e9: {  	v3 =	vld [tilespmem:$0x560];
	v2 =	vor.u32 v1, v2;
	_ =	sdelay $0x4  }
0x1ea: {  	[tilespmem:v2+s15+$0x0] =	vst.idx.add.f32.msk $0xffff, v3  }
0x1eb: {  	v2 =	vld [tilespmem:$0x1F0];
	_ =	sdelay $0x4  }
0x1ec: {  	v2 =	vshll.u32 v2, $0x7  }
0x1ed: {  	v3 =	vld [tilespmem:$0x570];
	v2 =	vor.u32 v1, v2;
	_ =	sdelay $0x4  }
0x1ee: {  	[tilespmem:v2+s15+$0x0] =	vst.idx.add.f32.msk $0xffff, v3  }
0x1ef: {  	v2 =	vld [tilespmem:$0x200];
	_ =	sdelay $0x4  }
0x1f0: {  	v2 =	vshll.u32 v2, $0x7  }
0x1f1: {  	v3 =	vld [tilespmem:$0x580];
	v2 =	vor.u32 v1, v2;
	_ =	sdelay $0x4  }
0x1f2: {  	[tilespmem:v2+s15+$0x0] =	vst.idx.add.f32.msk $0xffff, v3  }
0x1f3: {  	v2 =	vld [tilespmem:$0x210];
	_ =	sdelay $0x4  }
0x1f4: {  	v2 =	vshll.u32 v2, $0x7  }
0x1f5: {  	v3 =	vld [tilespmem:$0x590];
	v2 =	vor.u32 v1, v2;
	_ =	sdelay $0x4  }
0x1f6: {  	[tilespmem:v2+s15+$0x0] =	vst.idx.add.f32.msk $0xffff, v3  }
0x1f7: {  	v2 =	vld [tilespmem:$0x220];
	_ =	sdelay $0x4  }
0x1f8: {  	v2 =	vshll.u32 v2, $0x7  }
0x1f9: {  	v3 =	vld [tilespmem:$0x5A0];
	v2 =	vor.u32 v1, v2;
	_ =	sdelay $0x4  }
0x1fa: {  	[tilespmem:v2+s15+$0x0] =	vst.idx.add.f32.msk $0xffff, v3  }
0x1fb: {  	v2 =	vld [tilespmem:$0x230];
	_ =	sdelay $0x4  }
0x1fc: {  	v2 =	vshll.u32 v2, $0x7  }
0x1fd: {  	v3 =	vld [tilespmem:$0x5B0];
	v2 =	vor.u32 v1, v2;
	_ =	sdelay $0x4  }
0x1fe: {  	[tilespmem:v2+s15+$0x0] =	vst.idx.add.f32.msk $0xffff, v3  }
0x1ff: {  	v2 =	vld [tilespmem:$0x240];
	_ =	sdelay $0x4  }
0x200: {  	v2 =	vshll.u32 v2, $0x7  }
0x201: {  	v3 =	vld [tilespmem:$0x5C0];
	v2 =	vor.u32 v1, v2;
	_ =	sdelay $0x4  }
0x202: {  	[tilespmem:v2+s15+$0x0] =	vst.idx.add.f32.msk $0xffff, v3  }
0x203: {  	v2 =	vld [tilespmem:$0x250];
	_ =	sdelay $0x4  }
0x204: {  	v2 =	vshll.u32 v2, $0x7  }
0x205: {  	v3 =	vld [tilespmem:$0x5D0];
	v2 =	vor.u32 v1, v2;
	_ =	sdelay $0x4  }
0x206: {  	[tilespmem:v2+s15+$0x0] =	vst.idx.add.f32.msk $0xffff, v3  }
0x207: {  	v2 =	vld [tilespmem:$0x260];
	_ =	sdelay $0x4  }
0x208: {  	v2 =	vshll.u32 v2, $0x7  }
0x209: {  	v3 =	vld [tilespmem:$0x5E0];
	v2 =	vor.u32 v1, v2;
	_ =	sdelay $0x4  }
0x20a: {  	[tilespmem:v2+s15+$0x0] =	vst.idx.add.f32.msk $0xffff, v3  }
0x20b: {  	v2 =	vld [tilespmem:$0x270];
	_ =	sdelay $0x4  }
0x20c: {  	v2 =	vshll.u32 v2, $0x7  }
0x20d: {  	v3 =	vld [tilespmem:$0x5F0];
	v2 =	vor.u32 v1, v2;
	_ =	sdelay $0x4  }
0x20e: {  	[tilespmem:v2+s15+$0x0] =	vst.idx.add.f32.msk $0xffff, v3  }
0x20f: {  	v2 =	vld [tilespmem:$0x280];
	_ =	sdelay $0x4  }
0x210: {  	v2 =	vshll.u32 v2, $0x7  }
0x211: {  	v3 =	vld [tilespmem:$0x600];
	v2 =	vor.u32 v1, v2;
	_ =	sdelay $0x4  }
0x212: {  	[tilespmem:v2+s15+$0x0] =	vst.idx.add.f32.msk $0xffff, v3  }
0x213: {  	v2 =	vld [tilespmem:$0x290];
	_ =	sdelay $0x4  }
0x214: {  	v2 =	vshll.u32 v2, $0x7  }
0x215: {  	v3 =	vld [tilespmem:$0x610];
	v2 =	vor.u32 v1, v2;
	_ =	sdelay $0x4  }
0x216: {  	[tilespmem:v2+s15+$0x0] =	vst.idx.add.f32.msk $0xffff, v3  }
0x217: {  	v2 =	vld [tilespmem:$0x2A0];
	_ =	sdelay $0x4  }
0x218: {  	v2 =	vshll.u32 v2, $0x7  }
0x219: {  	v3 =	vld [tilespmem:$0x620];
	v2 =	vor.u32 v1, v2;
	_ =	sdelay $0x4  }
0x21a: {  	[tilespmem:v2+s15+$0x0] =	vst.idx.add.f32.msk $0xffff, v3  }
0x21b: {  	v2 =	vld [tilespmem:$0x2B0];
	_ =	sdelay $0x4  }
0x21c: {  	v2 =	vshll.u32 v2, $0x7  }
0x21d: {  	v3 =	vld [tilespmem:$0x630];
	v2 =	vor.u32 v1, v2;
	_ =	sdelay $0x4  }
0x21e: {  	[tilespmem:v2+s15+$0x0] =	vst.idx.add.f32.msk $0xffff, v3  }
0x21f: {  	v2 =	vld [tilespmem:$0x2C0];
	_ =	sdelay $0x4  }
0x220: {  	v2 =	vshll.u32 v2, $0x7  }
0x221: {  	v3 =	vld [tilespmem:$0x640];
	v2 =	vor.u32 v1, v2;
	_ =	sdelay $0x4  }
0x222: {  	[tilespmem:v2+s15+$0x0] =	vst.idx.add.f32.msk $0xffff, v3  }
0x223: {  	v2 =	vld [tilespmem:$0x2D0];
	_ =	sdelay $0x4  }
0x224: {  	v2 =	vshll.u32 v2, $0x7  }
0x225: {  	v3 =	vld [tilespmem:$0x650];
	v2 =	vor.u32 v1, v2;
	_ =	sdelay $0x4  }
0x226: {  	[tilespmem:v2+s15+$0x0] =	vst.idx.add.f32.msk $0xffff, v3  }
0x227: {  	v2 =	vld [tilespmem:$0x2E0];
	_ =	sdelay $0x4  }
0x228: {  	v2 =	vshll.u32 v2, $0x7  }
0x229: {  	v3 =	vld [tilespmem:$0x660];
	v2 =	vor.u32 v1, v2;
	_ =	sdelay $0x4  }
0x22a: {  	[tilespmem:v2+s15+$0x0] =	vst.idx.add.f32.msk $0xffff, v3  }
0x22b: {  	v2 =	vld [tilespmem:$0x2F0];
	_ =	sdelay $0x4  }
0x22c: {  	v2 =	vshll.u32 v2, $0x7  }
0x22d: {  	v3 =	vld [tilespmem:$0x670];
	v2 =	vor.u32 v1, v2;
	_ =	sdelay $0x4  }
0x22e: {  	[tilespmem:v2+s15+$0x0] =	vst.idx.add.f32.msk $0xffff, v3  }
0x22f: {  	v2 =	vld [tilespmem:$0x300];
	_ =	sdelay $0x4  }
0x230: {  	v2 =	vshll.u32 v2, $0x7  }
0x231: {  	v3 =	vld [tilespmem:$0x680];
	v2 =	vor.u32 v1, v2;
	_ =	sdelay $0x4  }
0x232: {  	[tilespmem:v2+s15+$0x0] =	vst.idx.add.f32.msk $0xffff, v3  }
0x233: {  	v2 =	vld [tilespmem:$0x310];
	_ =	sdelay $0x4  }
0x234: {  	v2 =	vshll.u32 v2, $0x7  }
0x235: {  	v3 =	vld [tilespmem:$0x690];
	v2 =	vor.u32 v1, v2;
	_ =	sdelay $0x4  }
0x236: {  	[tilespmem:v2+s15+$0x0] =	vst.idx.add.f32.msk $0xffff, v3  }
0x237: {  	[tilespmem:s2], [sflag:$0x1] =	stream.linear.gather [hbm4b:s7+s2], $0x320, $0x38;
	[tilespmem:$0x4700] =	vst v63  }
0x238: {  	_ =	swait.ge [sflag:s13], $0x320  }
0x239: {  	[sflag:s13] =	ssyncset.done $0x0  }
0x23a: {  	[sflag:s13] =	ssyncadd.s32 $0xFFFFFCE0  }
0x23b: {  	[tilespmem:s14], [sflag:$0x1] =	stream.linear.gather [hbm4b:s8+s2], $0x320, $0x38;
	[tilespmem:$0x4700] =	vst v63  }
0x23c: {  	_ =	swait.ge [sflag:s13], $0x320  }
0x23d: {  	[sflag:s13] =	ssyncset.done $0x0  }
0x23e: {  	[sflag:s13] =	ssyncadd.s32 $0xFFFFFCE0  }
0x23f: {  	v2 =	vld [tilespmem:$0x0];
	_ =	sdelay $0x4  }
0x240: {  	v2 =	vshll.u32 v2, $0x7  }
0x241: {  	v3 =	vld [tilespmem:$0x380];
	v2 =	vor.u32 v1, v2;
	_ =	sdelay $0x4  }
0x242: {  	[tilespmem:v2+s15+$0x0] =	vst.idx.add.f32.msk $0xffff, v3  }
0x243: {  	v2 =	vld [tilespmem:$0x10];
	_ =	sdelay $0x4  }
0x244: {  	v2 =	vshll.u32 v2, $0x7  }
0x245: {  	v3 =	vld [tilespmem:$0x390];
	v2 =	vor.u32 v1, v2;
	_ =	sdelay $0x4  }
0x246: {  	[tilespmem:v2+s15+$0x0] =	vst.idx.add.f32.msk $0xffff, v3  }
0x247: {  	v2 =	vld [tilespmem:$0x20];
	_ =	sdelay $0x4  }
0x248: {  	v2 =	vshll.u32 v2, $0x7  }
0x249: {  	v3 =	vld [tilespmem:$0x3A0];
	v2 =	vor.u32 v1, v2;
	_ =	sdelay $0x4  }
0x24a: {  	[tilespmem:v2+s15+$0x0] =	vst.idx.add.f32.msk $0xffff, v3  }
0x24b: {  	v2 =	vld [tilespmem:$0x30];
	_ =	sdelay $0x4  }
0x24c: {  	v2 =	vshll.u32 v2, $0x7  }
0x24d: {  	v3 =	vld [tilespmem:$0x3B0];
	v2 =	vor.u32 v1, v2;
	_ =	sdelay $0x4  }
0x24e: {  	[tilespmem:v2+s15+$0x0] =	vst.idx.add.f32.msk $0xffff, v3  }
0x24f: {  	v2 =	vld [tilespmem:$0x40];
	_ =	sdelay $0x4  }
0x250: {  	v2 =	vshll.u32 v2, $0x7  }
0x251: {  	v3 =	vld [tilespmem:$0x3C0];
	v2 =	vor.u32 v1, v2;
	_ =	sdelay $0x4  }
0x252: {  	[tilespmem:v2+s15+$0x0] =	vst.idx.add.f32.msk $0xffff, v3  }
0x253: {  	v2 =	vld [tilespmem:$0x50];
	_ =	sdelay $0x4  }
0x254: {  	v2 =	vshll.u32 v2, $0x7  }
0x255: {  	v3 =	vld [tilespmem:$0x3D0];
	v2 =	vor.u32 v1, v2;
	_ =	sdelay $0x4  }
0x256: {  	[tilespmem:v2+s15+$0x0] =	vst.idx.add.f32.msk $0xffff, v3  }
0x257: {  	v2 =	vld [tilespmem:$0x60];
	_ =	sdelay $0x4  }
0x258: {  	v2 =	vshll.u32 v2, $0x7  }
0x259: {  	v3 =	vld [tilespmem:$0x3E0];
	v2 =	vor.u32 v1, v2;
	_ =	sdelay $0x4  }
0x25a: {  	[tilespmem:v2+s15+$0x0] =	vst.idx.add.f32.msk $0xffff, v3  }
0x25b: {  	v2 =	vld [tilespmem:$0x70];
	_ =	sdelay $0x4  }
0x25c: {  	v2 =	vshll.u32 v2, $0x7  }
0x25d: {  	v3 =	vld [tilespmem:$0x3F0];
	v2 =	vor.u32 v1, v2;
	_ =	sdelay $0x4  }
0x25e: {  	[tilespmem:v2+s15+$0x0] =	vst.idx.add.f32.msk $0xffff, v3  }
0x25f: {  	v2 =	vld [tilespmem:$0x80];
	_ =	sdelay $0x4  }
0x260: {  	v2 =	vshll.u32 v2, $0x7  }
0x261: {  	v3 =	vld [tilespmem:$0x400];
	v2 =	vor.u32 v1, v2;
	_ =	sdelay $0x4  }
0x262: {  	[tilespmem:v2+s15+$0x0] =	vst.idx.add.f32.msk $0xffff, v3  }
0x263: {  	v2 =	vld [tilespmem:$0x90];
	_ =	sdelay $0x4  }
0x264: {  	v2 =	vshll.u32 v2, $0x7  }
0x265: {  	v3 =	vld [tilespmem:$0x410];
	v2 =	vor.u32 v1, v2;
	_ =	sdelay $0x4  }
0x266: {  	[tilespmem:v2+s15+$0x0] =	vst.idx.add.f32.msk $0xffff, v3  }
0x267: {  	v2 =	vld [tilespmem:$0xA0];
	_ =	sdelay $0x4  }
0x268: {  	v2 =	vshll.u32 v2, $0x7  }
0x269: {  	v3 =	vld [tilespmem:$0x420];
	v2 =	vor.u32 v1, v2;
	_ =	sdelay $0x4  }
0x26a: {  	[tilespmem:v2+s15+$0x0] =	vst.idx.add.f32.msk $0xffff, v3  }
0x26b: {  	v2 =	vld [tilespmem:$0xB0];
	_ =	sdelay $0x4  }
0x26c: {  	v2 =	vshll.u32 v2, $0x7  }
0x26d: {  	v3 =	vld [tilespmem:$0x430];
	v2 =	vor.u32 v1, v2;
	_ =	sdelay $0x4  }
0x26e: {  	[tilespmem:v2+s15+$0x0] =	vst.idx.add.f32.msk $0xffff, v3  }
0x26f: {  	v2 =	vld [tilespmem:$0xC0];
	_ =	sdelay $0x4  }
0x270: {  	v2 =	vshll.u32 v2, $0x7  }
0x271: {  	v3 =	vld [tilespmem:$0x440];
	v2 =	vor.u32 v1, v2;
	_ =	sdelay $0x4  }
0x272: {  	[tilespmem:v2+s15+$0x0] =	vst.idx.add.f32.msk $0xffff, v3  }
0x273: {  	v2 =	vld [tilespmem:$0xD0];
	_ =	sdelay $0x4  }
0x274: {  	v2 =	vshll.u32 v2, $0x7  }
0x275: {  	v3 =	vld [tilespmem:$0x450];
	v2 =	vor.u32 v1, v2;
	_ =	sdelay $0x4  }
0x276: {  	[tilespmem:v2+s15+$0x0] =	vst.idx.add.f32.msk $0xffff, v3  }
0x277: {  	v2 =	vld [tilespmem:$0xE0];
	_ =	sdelay $0x4  }
0x278: {  	v2 =	vshll.u32 v2, $0x7  }
0x279: {  	v3 =	vld [tilespmem:$0x460];
	v2 =	vor.u32 v1, v2;
	_ =	sdelay $0x4  }
0x27a: {  	[tilespmem:v2+s15+$0x0] =	vst.idx.add.f32.msk $0xffff, v3  }
0x27b: {  	v2 =	vld [tilespmem:$0xF0];
	_ =	sdelay $0x4  }
0x27c: {  	v2 =	vshll.u32 v2, $0x7  }
0x27d: {  	v3 =	vld [tilespmem:$0x470];
	v2 =	vor.u32 v1, v2;
	_ =	sdelay $0x4  }
0x27e: {  	[tilespmem:v2+s15+$0x0] =	vst.idx.add.f32.msk $0xffff, v3  }
0x27f: {  	v2 =	vld [tilespmem:$0x100];
	_ =	sdelay $0x4  }
0x280: {  	v2 =	vshll.u32 v2, $0x7  }
0x281: {  	v3 =	vld [tilespmem:$0x480];
	v2 =	vor.u32 v1, v2;
	_ =	sdelay $0x4  }
0x282: {  	[tilespmem:v2+s15+$0x0] =	vst.idx.add.f32.msk $0xffff, v3  }
0x283: {  	v2 =	vld [tilespmem:$0x110];
	_ =	sdelay $0x4  }
0x284: {  	v2 =	vshll.u32 v2, $0x7  }
0x285: {  	v3 =	vld [tilespmem:$0x490];
	v2 =	vor.u32 v1, v2;
	_ =	sdelay $0x4  }
0x286: {  	[tilespmem:v2+s15+$0x0] =	vst.idx.add.f32.msk $0xffff, v3  }
0x287: {  	v2 =	vld [tilespmem:$0x120];
	_ =	sdelay $0x4  }
0x288: {  	v2 =	vshll.u32 v2, $0x7  }
0x289: {  	v3 =	vld [tilespmem:$0x4A0];
	v2 =	vor.u32 v1, v2;
	_ =	sdelay $0x4  }
0x28a: {  	[tilespmem:v2+s15+$0x0] =	vst.idx.add.f32.msk $0xffff, v3  }
0x28b: {  	v2 =	vld [tilespmem:$0x130];
	_ =	sdelay $0x4  }
0x28c: {  	v2 =	vshll.u32 v2, $0x7  }
0x28d: {  	v3 =	vld [tilespmem:$0x4B0];
	v2 =	vor.u32 v1, v2;
	_ =	sdelay $0x4  }
0x28e: {  	[tilespmem:v2+s15+$0x0] =	vst.idx.add.f32.msk $0xffff, v3  }
0x28f: {  	v2 =	vld [tilespmem:$0x140];
	_ =	sdelay $0x4  }
0x290: {  	v2 =	vshll.u32 v2, $0x7  }
0x291: {  	v3 =	vld [tilespmem:$0x4C0];
	v2 =	vor.u32 v1, v2;
	_ =	sdelay $0x4  }
0x292: {  	[tilespmem:v2+s15+$0x0] =	vst.idx.add.f32.msk $0xffff, v3  }
0x293: {  	v2 =	vld [tilespmem:$0x150];
	_ =	sdelay $0x4  }
0x294: {  	v2 =	vshll.u32 v2, $0x7  }
0x295: {  	v3 =	vld [tilespmem:$0x4D0];
	v2 =	vor.u32 v1, v2;
	_ =	sdelay $0x4  }
0x296: {  	[tilespmem:v2+s15+$0x0] =	vst.idx.add.f32.msk $0xffff, v3  }
0x297: {  	v2 =	vld [tilespmem:$0x160];
	_ =	sdelay $0x4  }
0x298: {  	v2 =	vshll.u32 v2, $0x7  }
0x299: {  	v3 =	vld [tilespmem:$0x4E0];
	v2 =	vor.u32 v1, v2;
	_ =	sdelay $0x4  }
0x29a: {  	[tilespmem:v2+s15+$0x0] =	vst.idx.add.f32.msk $0xffff, v3  }
0x29b: {  	v2 =	vld [tilespmem:$0x170];
	_ =	sdelay $0x4  }
0x29c: {  	v2 =	vshll.u32 v2, $0x7  }
0x29d: {  	v3 =	vld [tilespmem:$0x4F0];
	v2 =	vor.u32 v1, v2;
	_ =	sdelay $0x4  }
0x29e: {  	[tilespmem:v2+s15+$0x0] =	vst.idx.add.f32.msk $0xffff, v3  }
0x29f: {  	v2 =	vld [tilespmem:$0x180];
	_ =	sdelay $0x4  }
0x2a0: {  	v2 =	vshll.u32 v2, $0x7  }
0x2a1: {  	v3 =	vld [tilespmem:$0x500];
	v2 =	vor.u32 v1, v2;
	_ =	sdelay $0x4  }
0x2a2: {  	[tilespmem:v2+s15+$0x0] =	vst.idx.add.f32.msk $0xffff, v3  }
0x2a3: {  	v2 =	vld [tilespmem:$0x190];
	_ =	sdelay $0x4  }
0x2a4: {  	v2 =	vshll.u32 v2, $0x7  }
0x2a5: {  	v3 =	vld [tilespmem:$0x510];
	v2 =	vor.u32 v1, v2;
	_ =	sdelay $0x4  }
0x2a6: {  	[tilespmem:v2+s15+$0x0] =	vst.idx.add.f32.msk $0xffff, v3  }
0x2a7: {  	v2 =	vld [tilespmem:$0x1A0];
	_ =	sdelay $0x4  }
0x2a8: {  	v2 =	vshll.u32 v2, $0x7  }
0x2a9: {  	v3 =	vld [tilespmem:$0x520];
	v2 =	vor.u32 v1, v2;
	_ =	sdelay $0x4  }
0x2aa: {  	[tilespmem:v2+s15+$0x0] =	vst.idx.add.f32.msk $0xffff, v3  }
0x2ab: {  	v2 =	vld [tilespmem:$0x1B0];
	_ =	sdelay $0x4  }
0x2ac: {  	v2 =	vshll.u32 v2, $0x7  }
0x2ad: {  	v3 =	vld [tilespmem:$0x530];
	v2 =	vor.u32 v1, v2;
	_ =	sdelay $0x4  }
0x2ae: {  	[tilespmem:v2+s15+$0x0] =	vst.idx.add.f32.msk $0xffff, v3  }
0x2af: {  	v2 =	vld [tilespmem:$0x1C0];
	_ =	sdelay $0x4  }
0x2b0: {  	v2 =	vshll.u32 v2, $0x7  }
0x2b1: {  	v3 =	vld [tilespmem:$0x540];
	v2 =	vor.u32 v1, v2;
	_ =	sdelay $0x4  }
0x2b2: {  	[tilespmem:v2+s15+$0x0] =	vst.idx.add.f32.msk $0xffff, v3  }
0x2b3: {  	v2 =	vld [tilespmem:$0x1D0];
	_ =	sdelay $0x4  }
0x2b4: {  	v2 =	vshll.u32 v2, $0x7  }
0x2b5: {  	v3 =	vld [tilespmem:$0x550];
	v2 =	vor.u32 v1, v2;
	_ =	sdelay $0x4  }
0x2b6: {  	[tilespmem:v2+s15+$0x0] =	vst.idx.add.f32.msk $0xffff, v3  }
0x2b7: {  	v2 =	vld [tilespmem:$0x1E0];
	_ =	sdelay $0x4  }
0x2b8: {  	v2 =	vshll.u32 v2, $0x7  }
0x2b9: {  	v3 =	vld [tilespmem:$0x560];
	v2 =	vor.u32 v1, v2;
	_ =	sdelay $0x4  }
0x2ba: {  	[tilespmem:v2+s15+$0x0] =	vst.idx.add.f32.msk $0xffff, v3  }
0x2bb: {  	v2 =	vld [tilespmem:$0x1F0];
	_ =	sdelay $0x4  }
0x2bc: {  	v2 =	vshll.u32 v2, $0x7  }
0x2bd: {  	v3 =	vld [tilespmem:$0x570];
	v2 =	vor.u32 v1, v2;
	_ =	sdelay $0x4  }
0x2be: {  	[tilespmem:v2+s15+$0x0] =	vst.idx.add.f32.msk $0xffff, v3  }
0x2bf: {  	v2 =	vld [tilespmem:$0x200];
	_ =	sdelay $0x4  }
0x2c0: {  	v2 =	vshll.u32 v2, $0x7  }
0x2c1: {  	v3 =	vld [tilespmem:$0x580];
	v2 =	vor.u32 v1, v2;
	_ =	sdelay $0x4  }
0x2c2: {  	[tilespmem:v2+s15+$0x0] =	vst.idx.add.f32.msk $0xffff, v3  }
0x2c3: {  	v2 =	vld [tilespmem:$0x210];
	_ =	sdelay $0x4  }
0x2c4: {  	v2 =	vshll.u32 v2, $0x7  }
0x2c5: {  	v3 =	vld [tilespmem:$0x590];
	v2 =	vor.u32 v1, v2;
	_ =	sdelay $0x4  }
0x2c6: {  	[tilespmem:v2+s15+$0x0] =	vst.idx.add.f32.msk $0xffff, v3  }
0x2c7: {  	v2 =	vld [tilespmem:$0x220];
	_ =	sdelay $0x4  }
0x2c8: {  	v2 =	vshll.u32 v2, $0x7  }
0x2c9: {  	v3 =	vld [tilespmem:$0x5A0];
	v2 =	vor.u32 v1, v2;
	_ =	sdelay $0x4  }
0x2ca: {  	[tilespmem:v2+s15+$0x0] =	vst.idx.add.f32.msk $0xffff, v3  }
0x2cb: {  	v2 =	vld [tilespmem:$0x230];
	_ =	sdelay $0x4  }
0x2cc: {  	v2 =	vshll.u32 v2, $0x7  }
0x2cd: {  	v3 =	vld [tilespmem:$0x5B0];
	v2 =	vor.u32 v1, v2;
	_ =	sdelay $0x4  }
0x2ce: {  	[tilespmem:v2+s15+$0x0] =	vst.idx.add.f32.msk $0xffff, v3  }
0x2cf: {  	v2 =	vld [tilespmem:$0x240];
	_ =	sdelay $0x4  }
0x2d0: {  	v2 =	vshll.u32 v2, $0x7  }
0x2d1: {  	v3 =	vld [tilespmem:$0x5C0];
	v2 =	vor.u32 v1, v2;
	_ =	sdelay $0x4  }
0x2d2: {  	[tilespmem:v2+s15+$0x0] =	vst.idx.add.f32.msk $0xffff, v3  }
0x2d3: {  	v2 =	vld [tilespmem:$0x250];
	_ =	sdelay $0x4  }
0x2d4: {  	v2 =	vshll.u32 v2, $0x7  }
0x2d5: {  	v3 =	vld [tilespmem:$0x5D0];
	v2 =	vor.u32 v1, v2;
	_ =	sdelay $0x4  }
0x2d6: {  	[tilespmem:v2+s15+$0x0] =	vst.idx.add.f32.msk $0xffff, v3  }
0x2d7: {  	v2 =	vld [tilespmem:$0x260];
	_ =	sdelay $0x4  }
0x2d8: {  	v2 =	vshll.u32 v2, $0x7  }
0x2d9: {  	v3 =	vld [tilespmem:$0x5E0];
	v2 =	vor.u32 v1, v2;
	_ =	sdelay $0x4  }
0x2da: {  	[tilespmem:v2+s15+$0x0] =	vst.idx.add.f32.msk $0xffff, v3  }
0x2db: {  	v2 =	vld [tilespmem:$0x270];
	_ =	sdelay $0x4  }
0x2dc: {  	v2 =	vshll.u32 v2, $0x7  }
0x2dd: {  	v3 =	vld [tilespmem:$0x5F0];
	v2 =	vor.u32 v1, v2;
	_ =	sdelay $0x4  }
0x2de: {  	[tilespmem:v2+s15+$0x0] =	vst.idx.add.f32.msk $0xffff, v3  }
0x2df: {  	v2 =	vld [tilespmem:$0x280];
	_ =	sdelay $0x4  }
0x2e0: {  	v2 =	vshll.u32 v2, $0x7  }
0x2e1: {  	v3 =	vld [tilespmem:$0x600];
	v2 =	vor.u32 v1, v2;
	_ =	sdelay $0x4  }
0x2e2: {  	[tilespmem:v2+s15+$0x0] =	vst.idx.add.f32.msk $0xffff, v3  }
0x2e3: {  	v2 =	vld [tilespmem:$0x290];
	_ =	sdelay $0x4  }
0x2e4: {  	v2 =	vshll.u32 v2, $0x7  }
0x2e5: {  	v3 =	vld [tilespmem:$0x610];
	v2 =	vor.u32 v1, v2;
	_ =	sdelay $0x4  }
0x2e6: {  	[tilespmem:v2+s15+$0x0] =	vst.idx.add.f32.msk $0xffff, v3  }
0x2e7: {  	v2 =	vld [tilespmem:$0x2A0];
	_ =	sdelay $0x4  }
0x2e8: {  	v2 =	vshll.u32 v2, $0x7  }
0x2e9: {  	v3 =	vld [tilespmem:$0x620];
	v2 =	vor.u32 v1, v2;
	_ =	sdelay $0x4  }
0x2ea: {  	[tilespmem:v2+s15+$0x0] =	vst.idx.add.f32.msk $0xffff, v3  }
0x2eb: {  	v2 =	vld [tilespmem:$0x2B0];
	_ =	sdelay $0x4  }
0x2ec: {  	v2 =	vshll.u32 v2, $0x7  }
0x2ed: {  	v3 =	vld [tilespmem:$0x630];
	v2 =	vor.u32 v1, v2;
	_ =	sdelay $0x4  }
0x2ee: {  	[tilespmem:v2+s15+$0x0] =	vst.idx.add.f32.msk $0xffff, v3  }
0x2ef: {  	v2 =	vld [tilespmem:$0x2C0];
	_ =	sdelay $0x4  }
0x2f0: {  	v2 =	vshll.u32 v2, $0x7  }
0x2f1: {  	v3 =	vld [tilespmem:$0x640];
	v2 =	vor.u32 v1, v2;
	_ =	sdelay $0x4  }
0x2f2: {  	[tilespmem:v2+s15+$0x0] =	vst.idx.add.f32.msk $0xffff, v3  }
0x2f3: {  	v2 =	vld [tilespmem:$0x2D0];
	_ =	sdelay $0x4  }
0x2f4: {  	v2 =	vshll.u32 v2, $0x7  }
0x2f5: {  	v3 =	vld [tilespmem:$0x650];
	v2 =	vor.u32 v1, v2;
	_ =	sdelay $0x4  }
0x2f6: {  	[tilespmem:v2+s15+$0x0] =	vst.idx.add.f32.msk $0xffff, v3  }
0x2f7: {  	v2 =	vld [tilespmem:$0x2E0];
	_ =	sdelay $0x4  }
0x2f8: {  	v2 =	vshll.u32 v2, $0x7  }
0x2f9: {  	v3 =	vld [tilespmem:$0x660];
	v2 =	vor.u32 v1, v2;
	_ =	sdelay $0x4  }
0x2fa: {  	[tilespmem:v2+s15+$0x0] =	vst.idx.add.f32.msk $0xffff, v3  }
0x2fb: {  	v2 =	vld [tilespmem:$0x2F0];
	_ =	sdelay $0x4  }
0x2fc: {  	v2 =	vshll.u32 v2, $0x7  }
0x2fd: {  	v3 =	vld [tilespmem:$0x670];
	v2 =	vor.u32 v1, v2;
	_ =	sdelay $0x4  }
0x2fe: {  	[tilespmem:v2+s15+$0x0] =	vst.idx.add.f32.msk $0xffff, v3  }
0x2ff: {  	v2 =	vld [tilespmem:$0x300];
	_ =	sdelay $0x4  }
0x300: {  	v2 =	vshll.u32 v2, $0x7  }
0x301: {  	v3 =	vld [tilespmem:$0x680];
	v2 =	vor.u32 v1, v2;
	_ =	sdelay $0x4  }
0x302: {  	[tilespmem:v2+s15+$0x0] =	vst.idx.add.f32.msk $0xffff, v3  }
0x303: {  	v2 =	vld [tilespmem:$0x310];
	_ =	sdelay $0x4  }
0x304: {  	v2 =	vshll.u32 v2, $0x7  }
0x305: {  	v3 =	vld [tilespmem:$0x690];
	v2 =	vor.u32 v1, v2  }
.Ltmp2:
0x306: {  	_ = 	snop;
	(pc) =	sbr.rel @p0 .LBB2_3-.Ltmp2, $2  }
0x307: {  	_ =	sdelay $0x2  }
0x308: {  	[tilespmem:v2+s15+$0x0] =	vst.idx.add.f32.msk $0xffff, v3  }
0x309: {  	[tilespmem:s2], [sflag:$0x1] =	stream.linear.gather [hbm4b:s9+s2], $0x320, $0x38;
	[tilespmem:$0x4700] =	vst v63  }
0x30a: {  	_ =	swait.ge [sflag:s13], $0x320  }
0x30b: {  	[sflag:s13] =	ssyncset.done $0x0  }
0x30c: {  	[sflag:s13] =	ssyncadd.s32 $0xFFFFFCE0  }
0x30d: {  	[tilespmem:s14], [sflag:$0x1] =	stream.linear.gather [hbm4b:s10+s2], $0x320, $0x38;
	[tilespmem:$0x4700] =	vst v63  }
0x30e: {  	_ =	swait.ge [sflag:s13], $0x320  }
0x30f: {  	[sflag:s13] =	ssyncset.done $0x0  }
0x310: {  	[sflag:s13] =	ssyncadd.s32 $0xFFFFFCE0  }
0x311: {  	v2 =	vld [tilespmem:$0x0];
	_ =	sdelay $0x4  }
0x312: {  	v2 =	vshll.u32 v2, $0x7  }
0x313: {  	v3 =	vld [tilespmem:$0x380];
	v2 =	vor.u32 v1, v2;
	_ =	sdelay $0x4  }
0x314: {  	[tilespmem:v2+s15+$0x0] =	vst.idx.add.f32.msk $0xffff, v3  }
0x315: {  	v2 =	vld [tilespmem:$0x10];
	_ =	sdelay $0x4  }
0x316: {  	v2 =	vshll.u32 v2, $0x7  }
0x317: {  	v3 =	vld [tilespmem:$0x390];
	v2 =	vor.u32 v1, v2;
	_ =	sdelay $0x4  }
0x318: {  	[tilespmem:v2+s15+$0x0] =	vst.idx.add.f32.msk $0xffff, v3  }
0x319: {  	v2 =	vld [tilespmem:$0x20];
	_ =	sdelay $0x4  }
0x31a: {  	v2 =	vshll.u32 v2, $0x7  }
0x31b: {  	v3 =	vld [tilespmem:$0x3A0];
	v2 =	vor.u32 v1, v2;
	_ =	sdelay $0x4  }
0x31c: {  	[tilespmem:v2+s15+$0x0] =	vst.idx.add.f32.msk $0xffff, v3  }
0x31d: {  	v2 =	vld [tilespmem:$0x30];
	_ =	sdelay $0x4  }
0x31e: {  	v2 =	vshll.u32 v2, $0x7  }
0x31f: {  	v3 =	vld [tilespmem:$0x3B0];
	v2 =	vor.u32 v1, v2;
	_ =	sdelay $0x4  }
0x320: {  	[tilespmem:v2+s15+$0x0] =	vst.idx.add.f32.msk $0xffff, v3  }
0x321: {  	v2 =	vld [tilespmem:$0x40];
	_ =	sdelay $0x4  }
0x322: {  	v2 =	vshll.u32 v2, $0x7  }
0x323: {  	v3 =	vld [tilespmem:$0x3C0];
	v2 =	vor.u32 v1, v2;
	_ =	sdelay $0x4  }
0x324: {  	[tilespmem:v2+s15+$0x0] =	vst.idx.add.f32.msk $0xffff, v3  }
0x325: {  	v2 =	vld [tilespmem:$0x50];
	_ =	sdelay $0x4  }
0x326: {  	v2 =	vshll.u32 v2, $0x7  }
0x327: {  	v3 =	vld [tilespmem:$0x3D0];
	v2 =	vor.u32 v1, v2;
	_ =	sdelay $0x4  }
0x328: {  	[tilespmem:v2+s15+$0x0] =	vst.idx.add.f32.msk $0xffff, v3  }
0x329: {  	v2 =	vld [tilespmem:$0x60];
	_ =	sdelay $0x4  }
0x32a: {  	v2 =	vshll.u32 v2, $0x7  }
0x32b: {  	v3 =	vld [tilespmem:$0x3E0];
	v2 =	vor.u32 v1, v2;
	_ =	sdelay $0x4  }
0x32c: {  	[tilespmem:v2+s15+$0x0] =	vst.idx.add.f32.msk $0xffff, v3  }
0x32d: {  	v2 =	vld [tilespmem:$0x70];
	_ =	sdelay $0x4  }
0x32e: {  	v2 =	vshll.u32 v2, $0x7  }
0x32f: {  	v3 =	vld [tilespmem:$0x3F0];
	v2 =	vor.u32 v1, v2;
	_ =	sdelay $0x4  }
0x330: {  	[tilespmem:v2+s15+$0x0] =	vst.idx.add.f32.msk $0xffff, v3  }
0x331: {  	v2 =	vld [tilespmem:$0x80];
	_ =	sdelay $0x4  }
0x332: {  	v2 =	vshll.u32 v2, $0x7  }
0x333: {  	v3 =	vld [tilespmem:$0x400];
	v2 =	vor.u32 v1, v2;
	_ =	sdelay $0x4  }
0x334: {  	[tilespmem:v2+s15+$0x0] =	vst.idx.add.f32.msk $0xffff, v3  }
0x335: {  	v2 =	vld [tilespmem:$0x90];
	_ =	sdelay $0x4  }
0x336: {  	v2 =	vshll.u32 v2, $0x7  }
0x337: {  	v3 =	vld [tilespmem:$0x410];
	v2 =	vor.u32 v1, v2;
	_ =	sdelay $0x4  }
0x338: {  	[tilespmem:v2+s15+$0x0] =	vst.idx.add.f32.msk $0xffff, v3  }
0x339: {  	v2 =	vld [tilespmem:$0xA0];
	_ =	sdelay $0x4  }
0x33a: {  	v2 =	vshll.u32 v2, $0x7  }
0x33b: {  	v3 =	vld [tilespmem:$0x420];
	v2 =	vor.u32 v1, v2;
	_ =	sdelay $0x4  }
0x33c: {  	[tilespmem:v2+s15+$0x0] =	vst.idx.add.f32.msk $0xffff, v3  }
0x33d: {  	v2 =	vld [tilespmem:$0xB0];
	_ =	sdelay $0x4  }
0x33e: {  	v2 =	vshll.u32 v2, $0x7  }
0x33f: {  	v3 =	vld [tilespmem:$0x430];
	v2 =	vor.u32 v1, v2;
	_ =	sdelay $0x4  }
0x340: {  	[tilespmem:v2+s15+$0x0] =	vst.idx.add.f32.msk $0xffff, v3  }
0x341: {  	v2 =	vld [tilespmem:$0xC0];
	_ =	sdelay $0x4  }
0x342: {  	v2 =	vshll.u32 v2, $0x7  }
0x343: {  	v3 =	vld [tilespmem:$0x440];
	v2 =	vor.u32 v1, v2;
	_ =	sdelay $0x4  }
0x344: {  	[tilespmem:v2+s15+$0x0] =	vst.idx.add.f32.msk $0xffff, v3  }
0x345: {  	v2 =	vld [tilespmem:$0xD0];
	_ =	sdelay $0x4  }
0x346: {  	v2 =	vshll.u32 v2, $0x7  }
0x347: {  	v3 =	vld [tilespmem:$0x450];
	v2 =	vor.u32 v1, v2;
	_ =	sdelay $0x4  }
0x348: {  	[tilespmem:v2+s15+$0x0] =	vst.idx.add.f32.msk $0xffff, v3  }
0x349: {  	v2 =	vld [tilespmem:$0xE0];
	_ =	sdelay $0x4  }
0x34a: {  	v2 =	vshll.u32 v2, $0x7  }
0x34b: {  	v3 =	vld [tilespmem:$0x460];
	v2 =	vor.u32 v1, v2;
	_ =	sdelay $0x4  }
0x34c: {  	[tilespmem:v2+s15+$0x0] =	vst.idx.add.f32.msk $0xffff, v3  }
0x34d: {  	v2 =	vld [tilespmem:$0xF0];
	_ =	sdelay $0x4  }
0x34e: {  	v2 =	vshll.u32 v2, $0x7  }
0x34f: {  	v3 =	vld [tilespmem:$0x470];
	v2 =	vor.u32 v1, v2;
	_ =	sdelay $0x4  }
0x350: {  	[tilespmem:v2+s15+$0x0] =	vst.idx.add.f32.msk $0xffff, v3  }
0x351: {  	v2 =	vld [tilespmem:$0x100];
	_ =	sdelay $0x4  }
0x352: {  	v2 =	vshll.u32 v2, $0x7  }
0x353: {  	v3 =	vld [tilespmem:$0x480];
	v2 =	vor.u32 v1, v2;
	_ =	sdelay $0x4  }
0x354: {  	[tilespmem:v2+s15+$0x0] =	vst.idx.add.f32.msk $0xffff, v3  }
0x355: {  	v2 =	vld [tilespmem:$0x110];
	_ =	sdelay $0x4  }
0x356: {  	v2 =	vshll.u32 v2, $0x7  }
0x357: {  	v3 =	vld [tilespmem:$0x490];
	v2 =	vor.u32 v1, v2;
	_ =	sdelay $0x4  }
0x358: {  	[tilespmem:v2+s15+$0x0] =	vst.idx.add.f32.msk $0xffff, v3  }
0x359: {  	v2 =	vld [tilespmem:$0x120];
	_ =	sdelay $0x4  }
0x35a: {  	v2 =	vshll.u32 v2, $0x7  }
0x35b: {  	v3 =	vld [tilespmem:$0x4A0];
	v2 =	vor.u32 v1, v2;
	_ =	sdelay $0x4  }
0x35c: {  	[tilespmem:v2+s15+$0x0] =	vst.idx.add.f32.msk $0xffff, v3  }
0x35d: {  	v2 =	vld [tilespmem:$0x130];
	_ =	sdelay $0x4  }
0x35e: {  	v2 =	vshll.u32 v2, $0x7  }
0x35f: {  	v3 =	vld [tilespmem:$0x4B0];
	v2 =	vor.u32 v1, v2;
	_ =	sdelay $0x4  }
0x360: {  	[tilespmem:v2+s15+$0x0] =	vst.idx.add.f32.msk $0xffff, v3  }
0x361: {  	v2 =	vld [tilespmem:$0x140];
	_ =	sdelay $0x4  }
0x362: {  	v2 =	vshll.u32 v2, $0x7  }
0x363: {  	v3 =	vld [tilespmem:$0x4C0];
	v2 =	vor.u32 v1, v2;
	_ =	sdelay $0x4  }
0x364: {  	[tilespmem:v2+s15+$0x0] =	vst.idx.add.f32.msk $0xffff, v3  }
0x365: {  	v2 =	vld [tilespmem:$0x150];
	_ =	sdelay $0x4  }
0x366: {  	v2 =	vshll.u32 v2, $0x7  }
0x367: {  	v3 =	vld [tilespmem:$0x4D0];
	v2 =	vor.u32 v1, v2;
	_ =	sdelay $0x4  }
0x368: {  	[tilespmem:v2+s15+$0x0] =	vst.idx.add.f32.msk $0xffff, v3  }
0x369: {  	v2 =	vld [tilespmem:$0x160];
	_ =	sdelay $0x4  }
0x36a: {  	v2 =	vshll.u32 v2, $0x7  }
0x36b: {  	v3 =	vld [tilespmem:$0x4E0];
	v2 =	vor.u32 v1, v2;
	_ =	sdelay $0x4  }
0x36c: {  	[tilespmem:v2+s15+$0x0] =	vst.idx.add.f32.msk $0xffff, v3  }
0x36d: {  	v2 =	vld [tilespmem:$0x170];
	_ =	sdelay $0x4  }
0x36e: {  	v2 =	vshll.u32 v2, $0x7  }
0x36f: {  	v3 =	vld [tilespmem:$0x4F0];
	v2 =	vor.u32 v1, v2;
	_ =	sdelay $0x4  }
0x370: {  	[tilespmem:v2+s15+$0x0] =	vst.idx.add.f32.msk $0xffff, v3  }
0x371: {  	v2 =	vld [tilespmem:$0x180];
	_ =	sdelay $0x4  }
0x372: {  	v2 =	vshll.u32 v2, $0x7  }
0x373: {  	v3 =	vld [tilespmem:$0x500];
	v2 =	vor.u32 v1, v2;
	_ =	sdelay $0x4  }
0x374: {  	[tilespmem:v2+s15+$0x0] =	vst.idx.add.f32.msk $0xffff, v3  }
0x375: {  	v2 =	vld [tilespmem:$0x190];
	_ =	sdelay $0x4  }
0x376: {  	v2 =	vshll.u32 v2, $0x7  }
0x377: {  	v3 =	vld [tilespmem:$0x510];
	v2 =	vor.u32 v1, v2;
	_ =	sdelay $0x4  }
0x378: {  	[tilespmem:v2+s15+$0x0] =	vst.idx.add.f32.msk $0xffff, v3  }
0x379: {  	v2 =	vld [tilespmem:$0x1A0];
	_ =	sdelay $0x4  }
0x37a: {  	v2 =	vshll.u32 v2, $0x7  }
0x37b: {  	v3 =	vld [tilespmem:$0x520];
	v2 =	vor.u32 v1, v2;
	_ =	sdelay $0x4  }
0x37c: {  	[tilespmem:v2+s15+$0x0] =	vst.idx.add.f32.msk $0xffff, v3  }
0x37d: {  	v2 =	vld [tilespmem:$0x1B0];
	_ =	sdelay $0x4  }
0x37e: {  	v2 =	vshll.u32 v2, $0x7  }
0x37f: {  	v3 =	vld [tilespmem:$0x530];
	v2 =	vor.u32 v1, v2;
	_ =	sdelay $0x4  }
0x380: {  	[tilespmem:v2+s15+$0x0] =	vst.idx.add.f32.msk $0xffff, v3  }
0x381: {  	v2 =	vld [tilespmem:$0x1C0];
	_ =	sdelay $0x4  }
0x382: {  	v2 =	vshll.u32 v2, $0x7  }
0x383: {  	v3 =	vld [tilespmem:$0x540];
	v2 =	vor.u32 v1, v2;
	_ =	sdelay $0x4  }
0x384: {  	[tilespmem:v2+s15+$0x0] =	vst.idx.add.f32.msk $0xffff, v3  }
0x385: {  	v2 =	vld [tilespmem:$0x1D0];
	_ =	sdelay $0x4  }
0x386: {  	v2 =	vshll.u32 v2, $0x7  }
0x387: {  	v3 =	vld [tilespmem:$0x550];
	v2 =	vor.u32 v1, v2;
	_ =	sdelay $0x4  }
0x388: {  	[tilespmem:v2+s15+$0x0] =	vst.idx.add.f32.msk $0xffff, v3  }
0x389: {  	v2 =	vld [tilespmem:$0x1E0];
	_ =	sdelay $0x4  }
0x38a: {  	v2 =	vshll.u32 v2, $0x7  }
0x38b: {  	v3 =	vld [tilespmem:$0x560];
	v2 =	vor.u32 v1, v2;
	_ =	sdelay $0x4  }
0x38c: {  	[tilespmem:v2+s15+$0x0] =	vst.idx.add.f32.msk $0xffff, v3  }
0x38d: {  	v2 =	vld [tilespmem:$0x1F0];
	_ =	sdelay $0x4  }
0x38e: {  	v2 =	vshll.u32 v2, $0x7  }
0x38f: {  	v3 =	vld [tilespmem:$0x570];
	v2 =	vor.u32 v1, v2;
	_ =	sdelay $0x4  }
0x390: {  	[tilespmem:v2+s15+$0x0] =	vst.idx.add.f32.msk $0xffff, v3  }
0x391: {  	v2 =	vld [tilespmem:$0x200];
	_ =	sdelay $0x4  }
0x392: {  	v2 =	vshll.u32 v2, $0x7  }
0x393: {  	v3 =	vld [tilespmem:$0x580];
	v2 =	vor.u32 v1, v2;
	_ =	sdelay $0x4  }
0x394: {  	[tilespmem:v2+s15+$0x0] =	vst.idx.add.f32.msk $0xffff, v3  }
0x395: {  	v2 =	vld [tilespmem:$0x210];
	_ =	sdelay $0x4  }
0x396: {  	v2 =	vshll.u32 v2, $0x7  }
0x397: {  	v3 =	vld [tilespmem:$0x590];
	v2 =	vor.u32 v1, v2;
	_ =	sdelay $0x4  }
0x398: {  	[tilespmem:v2+s15+$0x0] =	vst.idx.add.f32.msk $0xffff, v3  }
0x399: {  	v2 =	vld [tilespmem:$0x220];
	_ =	sdelay $0x4  }
0x39a: {  	v2 =	vshll.u32 v2, $0x7  }
0x39b: {  	v3 =	vld [tilespmem:$0x5A0];
	v2 =	vor.u32 v1, v2;
	_ =	sdelay $0x4  }
0x39c: {  	[tilespmem:v2+s15+$0x0] =	vst.idx.add.f32.msk $0xffff, v3  }
0x39d: {  	v2 =	vld [tilespmem:$0x230];
	_ =	sdelay $0x4  }
0x39e: {  	v2 =	vshll.u32 v2, $0x7  }
0x39f: {  	v3 =	vld [tilespmem:$0x5B0];
	v2 =	vor.u32 v1, v2;
	_ =	sdelay $0x4  }
0x3a0: {  	[tilespmem:v2+s15+$0x0] =	vst.idx.add.f32.msk $0xffff, v3  }
0x3a1: {  	v2 =	vld [tilespmem:$0x240];
	_ =	sdelay $0x4  }
0x3a2: {  	v2 =	vshll.u32 v2, $0x7  }
0x3a3: {  	v3 =	vld [tilespmem:$0x5C0];
	v2 =	vor.u32 v1, v2;
	_ =	sdelay $0x4  }
0x3a4: {  	[tilespmem:v2+s15+$0x0] =	vst.idx.add.f32.msk $0xffff, v3  }
0x3a5: {  	v2 =	vld [tilespmem:$0x250];
	_ =	sdelay $0x4  }
0x3a6: {  	v2 =	vshll.u32 v2, $0x7  }
0x3a7: {  	v3 =	vld [tilespmem:$0x5D0];
	v2 =	vor.u32 v1, v2;
	_ =	sdelay $0x4  }
0x3a8: {  	[tilespmem:v2+s15+$0x0] =	vst.idx.add.f32.msk $0xffff, v3  }
0x3a9: {  	v2 =	vld [tilespmem:$0x260];
	_ =	sdelay $0x4  }
0x3aa: {  	v2 =	vshll.u32 v2, $0x7  }
0x3ab: {  	v3 =	vld [tilespmem:$0x5E0];
	v2 =	vor.u32 v1, v2;
	_ =	sdelay $0x4  }
0x3ac: {  	[tilespmem:v2+s15+$0x0] =	vst.idx.add.f32.msk $0xffff, v3  }
0x3ad: {  	v2 =	vld [tilespmem:$0x270];
	_ =	sdelay $0x4  }
0x3ae: {  	v2 =	vshll.u32 v2, $0x7  }
0x3af: {  	v3 =	vld [tilespmem:$0x5F0];
	v2 =	vor.u32 v1, v2;
	_ =	sdelay $0x4  }
0x3b0: {  	[tilespmem:v2+s15+$0x0] =	vst.idx.add.f32.msk $0xffff, v3  }
0x3b1: {  	v2 =	vld [tilespmem:$0x280];
	_ =	sdelay $0x4  }
0x3b2: {  	v2 =	vshll.u32 v2, $0x7  }
0x3b3: {  	v3 =	vld [tilespmem:$0x600];
	v2 =	vor.u32 v1, v2;
	_ =	sdelay $0x4  }
0x3b4: {  	[tilespmem:v2+s15+$0x0] =	vst.idx.add.f32.msk $0xffff, v3  }
0x3b5: {  	v2 =	vld [tilespmem:$0x290];
	_ =	sdelay $0x4  }
0x3b6: {  	v2 =	vshll.u32 v2, $0x7  }
0x3b7: {  	v3 =	vld [tilespmem:$0x610];
	v2 =	vor.u32 v1, v2;
	_ =	sdelay $0x4  }
0x3b8: {  	[tilespmem:v2+s15+$0x0] =	vst.idx.add.f32.msk $0xffff, v3  }
0x3b9: {  	v2 =	vld [tilespmem:$0x2A0];
	_ =	sdelay $0x4  }
0x3ba: {  	v2 =	vshll.u32 v2, $0x7  }
0x3bb: {  	v3 =	vld [tilespmem:$0x620];
	v2 =	vor.u32 v1, v2;
	_ =	sdelay $0x4  }
0x3bc: {  	[tilespmem:v2+s15+$0x0] =	vst.idx.add.f32.msk $0xffff, v3  }
0x3bd: {  	v2 =	vld [tilespmem:$0x2B0];
	_ =	sdelay $0x4  }
0x3be: {  	v2 =	vshll.u32 v2, $0x7  }
0x3bf: {  	v3 =	vld [tilespmem:$0x630];
	v2 =	vor.u32 v1, v2;
	_ =	sdelay $0x4  }
0x3c0: {  	[tilespmem:v2+s15+$0x0] =	vst.idx.add.f32.msk $0xffff, v3  }
0x3c1: {  	v2 =	vld [tilespmem:$0x2C0];
	_ =	sdelay $0x4  }
0x3c2: {  	v2 =	vshll.u32 v2, $0x7  }
0x3c3: {  	v3 =	vld [tilespmem:$0x640];
	v2 =	vor.u32 v1, v2;
	_ =	sdelay $0x4  }
0x3c4: {  	[tilespmem:v2+s15+$0x0] =	vst.idx.add.f32.msk $0xffff, v3  }
0x3c5: {  	v2 =	vld [tilespmem:$0x2D0];
	_ =	sdelay $0x4  }
0x3c6: {  	v2 =	vshll.u32 v2, $0x7  }
0x3c7: {  	v3 =	vld [tilespmem:$0x650];
	v2 =	vor.u32 v1, v2;
	_ =	sdelay $0x4  }
0x3c8: {  	[tilespmem:v2+s15+$0x0] =	vst.idx.add.f32.msk $0xffff, v3  }
0x3c9: {  	v2 =	vld [tilespmem:$0x2E0];
	_ =	sdelay $0x4  }
0x3ca: {  	v2 =	vshll.u32 v2, $0x7  }
0x3cb: {  	v3 =	vld [tilespmem:$0x660];
	v2 =	vor.u32 v1, v2;
	_ =	sdelay $0x4  }
0x3cc: {  	[tilespmem:v2+s15+$0x0] =	vst.idx.add.f32.msk $0xffff, v3  }
0x3cd: {  	v2 =	vld [tilespmem:$0x2F0];
	_ =	sdelay $0x4  }
0x3ce: {  	v2 =	vshll.u32 v2, $0x7  }
0x3cf: {  	v3 =	vld [tilespmem:$0x670];
	v2 =	vor.u32 v1, v2;
	_ =	sdelay $0x4  }
0x3d0: {  	[tilespmem:v2+s15+$0x0] =	vst.idx.add.f32.msk $0xffff, v3  }
0x3d1: {  	v2 =	vld [tilespmem:$0x300];
	_ =	sdelay $0x4  }
0x3d2: {  	v2 =	vshll.u32 v2, $0x7  }
0x3d3: {  	v3 =	vld [tilespmem:$0x680];
	v2 =	vor.u32 v1, v2;
	_ =	sdelay $0x4  }
0x3d4: {  	[tilespmem:v2+s15+$0x0] =	vst.idx.add.f32.msk $0xffff, v3  }
0x3d5: {  	v2 =	vld [tilespmem:$0x310];
	_ =	sdelay $0x4  }
0x3d6: {  	v2 =	vshll.u32 v2, $0x7  }
0x3d7: {  	v3 =	vld [tilespmem:$0x690];
	v2 =	vor.u32 v1, v2  }
.Ltmp3:
0x3d8: {  	_ = 	snop;
	(pc) =	sbr.rel .LBB2_3-.Ltmp3, $2  }
0x3d9: {  	_ =	sdelay $0x2  }
0x3da: {  	[tilespmem:v2+s15+$0x0] =	vst.idx.add.f32.msk $0xffff, v3  }
.LBB2_4:
0x3db: {  	_ =	sfence.sel $0x180000  }
0x3dc: {  	[bflag:$0x0] =	sbarrier.arrive $0xFFFF  }
0x3dd: {  	p0 =	sne.s32 s1, $0x0;
	_ =	strace $0x90000047  }
0x3de: {  	s0 =	sadd.s32 @!p0 $0x100000, s0;
	[bflag:$0x2] =	sbarrier.arrive $0xFFFF  }
0x3df: {  	[sflag:s0] =	ssyncadd.tile.s32 @!p0 $0x1;
	_ =	shalt  }
.Lfunc_end2:
_tile_overlayer_lowered:
.L_overlay_start_2:
0x3e0: {  	(tag) =	ssettag $0x2  }
0x3e1: {  	s0 =	rddreg [dreg:$0x0];
	s2 =	stileid.u32  }
0x3e2: {  	s1 =	rddreg [dreg:$0x1];
	p0 =	sne.s32 s2, $0x0  }
0x3e3: {  	s3 =	rddreg [dreg:$0x2];
	[bflag:$0x3] =	sbarrier.arrive $0xFFFF;
	s2 =	simm.s32 @!p0 $0x1C01  }
0x3e4: {  	[timem:s3], [sflag:s2] =	dma.local @!p0 [hbm:s0], s1  }
0x3e5: {  	s0 =	simm.s32 @!p0 $0x1  }
0x3e6: {  	_ =	swait.ge @!p0 [sflag:s0], s1  }
0x3e7: {  	s1 =	ssub.s32 @!p0 $0x0, s1;
	[sflag:s0] =	ssyncset.done @!p0 $0x0  }
0x3e8: {  	[sflag:s0] =	ssyncadd.s32 @!p0 s1  }
0x3e9: {  	[bflag:$0x3] =	sbarrier.arrive $0xFFFF  }
0x3ea: {  	_ =	shalt  }

</sc_bundles>
